<compile_context>
chip_gen: v7x
topology: tpu7x:2x2x1
jax: 0.10.2.dev20260603
libtpu: 0.0.44.dev20260713+nightly
codegen_flags: <defaults>
</compile_context>

<pallas_src>
import functools

import jax
import jax.numpy as jnp
from jax import lax
from jax.experimental import pallas as pl
from jax.experimental.pallas import tpu as pltpu
from jax.experimental.pallas import tpu_sc as plsc


def _sc_call(bs, nf, h, w):
    mesh = plsc.VectorSubcoreMesh(core_axis_name="c", subcore_axis_name="s")

    @functools.partial(
        pl.kernel,
        mesh=mesh,
        out_type=jax.ShapeDtypeStruct((bs, h, w, 2 * nf), jnp.float32),
        scratch_types=[
            pltpu.VMEM((8, w, 2 * nf), jnp.float32),
            pltpu.VMEM((8, nf), jnp.float32),
            pltpu.SemaphoreType.DMA,
        ],
    )
    def k(col_hbm, row_hbm, out_hbm, buf_v, rows_v, sem):
        cid = lax.axis_index("c")
        sid = lax.axis_index("s")
        wid = sid * 2 + cid
        b = wid // 2
        i0 = (wid % 2) * 16

        def build_chunk(r0):
            for kk in range(8):
                pltpu.sync_copy(
                    col_hbm.at[pl.ds(0, w)], buf_v.at[kk, :, pl.ds(0, nf)]
                )
            pltpu.sync_copy(row_hbm.at[pl.ds(r0, 8)], rows_v)
            for kk in range(8):
                vecs = [rows_v[kk, pl.ds(16 * t, 16)] for t in range(nf // 16)]

                def store_j(j, _):
                    for t, v in enumerate(vecs):
                        buf_v[kk, j, pl.ds(nf + 16 * t, 16)] = v
                    return 0

                lax.fori_loop(0, w, store_j, 0)

        build_chunk(i0)
        c0 = pltpu.make_async_copy(buf_v, out_hbm.at[b, pl.ds(i0, 8)], sem)
        c0.start()
        c0.wait()
        build_chunk(i0 + 8)
        c1 = pltpu.make_async_copy(
            buf_v, out_hbm.at[b, pl.ds(i0 + 8, 8)], sem
        )
        c1.start()
        c1.wait()

    return k


def kernel(mask, feature_map, row_embed, col_embed):
    h, w = mask.shape[-2], mask.shape[-1]
    bs = mask.shape[0]
    nf = row_embed.shape[1]
    q = _sc_call(bs, nf, h, w)(col_embed, row_embed)
    return jnp.transpose(q, (0, 3, 1, 2))

# --- scband reference (transcript-rebuilt; emitter-appended) ---
"""Pipeline reference for scband-learned-positional-encoding-70987219469038 (READ-ONLY COPY).

The authoritative reference and input builder live on the scoring server;
editing this copy changes nothing except your own understanding.
"""

import jax, jax.numpy as jnp
import numpy as np


def setup_inputs(seed: int = 0) -> dict:
    key = jax.random.key(seed)
    k1, k2, k3 = jax.random.split(key, 3)
    mask = jnp.zeros((16, 32, 32), dtype=bool)
    feature_map = jax.random.normal(k1, (16, 256, 32, 32), dtype=jnp.float32)
    # learned params (nn.Embedding weights, uniform init)
    row_embed = jax.random.uniform(k2, (50, 128), dtype=jnp.float32)
    col_embed = jax.random.uniform(k3, (50, 128), dtype=jnp.float32)
    return {"mask": mask, "feature_map": feature_map, "row_embed": row_embed, "col_embed": col_embed}


def reference(mask, feature_map, row_embed, col_embed):
    h, w = mask.shape[-2], mask.shape[-1]
    bs = mask.shape[0]
    x = jnp.arange(w)
    y = jnp.arange(h)
    x_embed = jnp.take(col_embed, x, axis=0)  # [w, num_feats]
    y_embed = jnp.take(row_embed, y, axis=0)  # [h, num_feats]
    pos = jnp.concatenate(
        (
            jnp.tile(x_embed[None, :, :], (h, 1, 1)),
            jnp.tile(y_embed[:, None, :], (1, w, 1)),
        ),
        axis=-1,
    )  # [h, w, 2*num_feats]
    pos = jnp.transpose(pos, (2, 0, 1))[None, :, :, :]  # [1, 2*num_feats, h, w]
    pos = jnp.tile(pos, (bs, 1, 1, 1))
    return pos

if __name__ == "__main__":
    import jax
    _d = setup_inputs()
    print(jax.jit(kernel)(*tuple(_d.values())))

</pallas_src>

<mosaic_0001>
#map = affine_map<(d0, d1) -> (0, 0)>
#map1 = affine_map<(d0, d1) -> (0, 0, 0, 0)>
module attributes {stable_mosaic.version = 14 : i64} {
  func.func @k(%arg0: i32, %arg1: i32, %arg2: memref<50x128xf32, #tpu.memory_space<hbm>>, %arg3: memref<50x128xf32, #tpu.memory_space<hbm>>, %arg4: memref<16x32x32x256xf32, #tpu.memory_space<hbm>>, %arg5: memref<8x32x256xf32, #tpu.memory_space<vmem>>, %arg6: memref<8x128xf32, #tpu.memory_space<vmem>>, %arg7: memref<!tpu.dma_semaphore, #tpu.memory_space<semaphore_mem>>) attributes {dimension_semantics = [#tpu.dimension_semantics<core_parallel>, #tpu.dimension_semantics<subcore_parallel>], iteration_bounds = array<i64: 2, 16>, scalar_prefetch = 0 : i64, scratch_operands = 3 : i64, tpu.core_type = #tpu.core_type<sc_vector_subcore>, window_params = [{transform_indices = #map}, {transform_indices = #map}, {transform_indices = #map1}]} {
    %mul3A = arith.constant 2 : i32
    %mul3A_0 = arith.muli %arg1, %mul3A : i32
    %add3A = arith.addi %mul3A_0, %arg0 : i32
    %jit3A = arith.constant 2 : i32
    %div3A = arith.divsi %add3A, %jit3A : i32
    %sign3A = arith.constant 0 : i32
    %sign3A_1 = arith.cmpi sgt, %add3A, %sign3A : i32
    %sign3A_2 = arith.extui %sign3A_1 : i1 to i32
    %sign3A_3 = arith.constant 0 : i32
    %sign3A_4 = arith.cmpi slt, %add3A, %sign3A_3 : i32
    %sign3A_5 = arith.extui %sign3A_4 : i1 to i32
    %sign3A_6 = arith.subi %sign3A_2, %sign3A_5 : i32
    %sign3A_7 = arith.constant 0 : i32
    %sign3A_8 = arith.cmpi sgt, %jit3A, %sign3A_7 : i32
    %sign3A_9 = arith.extui %sign3A_8 : i1 to i32
    %sign3A_10 = arith.constant 0 : i32
    %sign3A_11 = arith.cmpi slt, %jit3A, %sign3A_10 : i32
    %sign3A_12 = arith.extui %sign3A_11 : i1 to i32
    %sign3A_13 = arith.subi %sign3A_9, %sign3A_12 : i32
    %ne3A = arith.cmpi ne, %sign3A_6, %sign3A_13 : i32
    %rem3A = arith.remsi %add3A, %jit3A : i32
    %ne3A_14 = arith.constant 0 : i32
    %ne3A_15 = arith.cmpi ne, %rem3A, %ne3A_14 : i32
    %and3A = arith.andi %ne3A, %ne3A_15 : i1
    %sub3A = arith.constant 1 : i32
    %sub3A_16 = arith.subi %div3A, %sub3A : i32
    %select_n3A = arith.select %and3A, %sub3A_16, %div3A : i32
    %jit3A_17 = arith.constant 2 : i32
    %eq3A = arith.constant 0 : i32
    %eq3A_18 = arith.cmpi eq, %jit3A_17, %eq3A : i32
    %jit3A_19 = arith.constant 1 : i32
    %select_n3A_20 = arith.select %eq3A_18, %jit3A_19, %jit3A_17 : i32
    %rem3A_21 = arith.remsi %add3A, %select_n3A_20 : i32
    %ne3A_22 = arith.constant 0 : i32
    %ne3A_23 = arith.cmpi ne, %rem3A_21, %ne3A_22 : i32
    %lt3A = arith.constant 0 : i32
    %lt3A_24 = arith.cmpi slt, %rem3A_21, %lt3A : i32
    %lt3A_25 = arith.constant 0 : i32
    %lt3A_26 = arith.cmpi slt, %select_n3A_20, %lt3A_25 : i32
    %ne3A_27 = arith.xori %lt3A_24, %lt3A_26 : i1
    %and3A_28 = arith.andi %ne3A_27, %ne3A_23 : i1
    %add3A_29 = arith.addi %rem3A_21, %select_n3A_20 : i32
    %select_n3A_30 = arith.select %and3A_28, %add3A_29, %rem3A_21 : i32
    %mul3A_31 = arith.constant 16 : i32
    %mul3A_32 = arith.muli %select_n3A_30, %mul3A_31 : i32
    %run_scoped3A = arith.constant 0 : i32
    "tpu.region"() ({
      %run_scoped3A_832 = tpu.sem_alloc : memref<!tpu.dma_semaphore, #tpu.memory_space<semaphore_mem>>
      %dma_start3A_833 = arith.constant 0 : i32
      %dma_start3A_834 = arith.constant 0 : i32
      %dma_start3A_835 = tpu.memref_slice %arg5[%run_scoped3A, %dma_start3A_833, %dma_start3A_834] : memref<8x32x256xf32, #tpu.memory_space<vmem>> -> memref<1x32x128xf32, #tpu.memory_space<vmem>>
      %dma_start3A_836 = tpu.memref_squeeze %dma_start3A_835 : memref<1x32x128xf32, #tpu.memory_space<vmem>> -> memref<32x128xf32, #tpu.memory_space<vmem>>
      %dma_start3A_837 = arith.constant 0 : i32
      %dma_start3A_838 = arith.constant 0 : i32
      %dma_start3A_839 = tpu.memref_slice %arg2[%dma_start3A_837, %dma_start3A_838] : memref<50x128xf32, #tpu.memory_space<hbm>> -> memref<32x128xf32, #tpu.memory_space<hbm>>
      %dma_start3A_840 = arith.constant 0 : i32
      %dma_start3A_841 = arith.constant 0 : i32
      %dma_start3A_842 = tpu.memref_slice %arg5[%run_scoped3A, %dma_start3A_840, %dma_start3A_841] : memref<8x32x256xf32, #tpu.memory_space<vmem>> -> memref<1x32x128xf32, #tpu.memory_space<vmem>>
      %dma_start3A_843 = tpu.memref_squeeze %dma_start3A_842 : memref<1x32x128xf32, #tpu.memory_space<vmem>> -> memref<32x128xf32, #tpu.memory_space<vmem>>
      %dma_start3A_844 = arith.constant 0 : i32
      %dma_start3A_845 = arith.constant 0 : i32
      %dma_start3A_846 = tpu.memref_slice %arg2[%dma_start3A_844, %dma_start3A_845] : memref<50x128xf32, #tpu.memory_space<hbm>> -> memref<32x128xf32, #tpu.memory_space<hbm>>
      tpu.enqueue_dma source(%dma_start3A_846 : memref<32x128xf32, #tpu.memory_space<hbm>>) target(%dma_start3A_843 : memref<32x128xf32, #tpu.memory_space<vmem>>) target_semaphore(%run_scoped3A_832 : memref<!tpu.dma_semaphore, #tpu.memory_space<semaphore_mem>>)
      %dma_wait3A_847 = arith.constant 0 : i32
      %dma_wait3A_848 = arith.constant 0 : i32
      %dma_wait3A_849 = tpu.memref_slice %arg5[%run_scoped3A, %dma_wait3A_847, %dma_wait3A_848] : memref<8x32x256xf32, #tpu.memory_space<vmem>> -> memref<1x32x128xf32, #tpu.memory_space<vmem>>
      %dma_wait3A_850 = tpu.memref_squeeze %dma_wait3A_849 : memref<1x32x128xf32, #tpu.memory_space<vmem>> -> memref<32x128xf32, #tpu.memory_space<vmem>>
      %dma_wait3A_851 = arith.constant 0 : i32
      %dma_wait3A_852 = arith.constant 0 : i32
      %dma_wait3A_853 = tpu.memref_slice %arg2[%dma_wait3A_851, %dma_wait3A_852] : memref<50x128xf32, #tpu.memory_space<hbm>> -> memref<32x128xf32, #tpu.memory_space<hbm>>
      %dma_wait3A_854 = arith.constant 0 : i32
      %dma_wait3A_855 = arith.constant 0 : i32
      %dma_wait3A_856 = tpu.memref_slice %arg5[%run_scoped3A, %dma_wait3A_854, %dma_wait3A_855] : memref<8x32x256xf32, #tpu.memory_space<vmem>> -> memref<1x32x128xf32, #tpu.memory_space<vmem>>
      %dma_wait3A_857 = tpu.memref_squeeze %dma_wait3A_856 : memref<1x32x128xf32, #tpu.memory_space<vmem>> -> memref<32x128xf32, #tpu.memory_space<vmem>>
      %dma_wait3A_858 = arith.constant 0 : i32
      %dma_wait3A_859 = arith.constant 0 : i32
      %dma_wait3A_860 = tpu.memref_slice %arg2[%dma_wait3A_858, %dma_wait3A_859] : memref<50x128xf32, #tpu.memory_space<hbm>> -> memref<32x128xf32, #tpu.memory_space<hbm>>
      tpu.wait_dma2 semaphore(%run_scoped3A_832 : memref<!tpu.dma_semaphore, #tpu.memory_space<semaphore_mem>>) src(%dma_wait3A_860 : memref<32x128xf32, #tpu.memory_space<hbm>>) dst(%dma_wait3A_857 : memref<32x128xf32, #tpu.memory_space<vmem>>)
      tpu.yield
    }) : () -> ()
    %run_scoped3A_33 = arith.constant 1 : i32
    "tpu.region"() ({
      %run_scoped3A_832 = tpu.sem_alloc : memref<!tpu.dma_semaphore, #tpu.memory_space<semaphore_mem>>
      %dma_start3A_833 = arith.constant 0 : i32
      %dma_start3A_834 = arith.constant 0 : i32
      %dma_start3A_835 = tpu.memref_slice %arg5[%run_scoped3A_33, %dma_start3A_833, %dma_start3A_834] : memref<8x32x256xf32, #tpu.memory_space<vmem>> -> memref<1x32x128xf32, #tpu.memory_space<vmem>>
      %dma_start3A_836 = tpu.memref_squeeze %dma_start3A_835 : memref<1x32x128xf32, #tpu.memory_space<vmem>> -> memref<32x128xf32, #tpu.memory_space<vmem>>
      %dma_start3A_837 = arith.constant 0 : i32
      %dma_start3A_838 = arith.constant 0 : i32
      %dma_start3A_839 = tpu.memref_slice %arg2[%dma_start3A_837, %dma_start3A_838] : memref<50x128xf32, #tpu.memory_space<hbm>> -> memref<32x128xf32, #tpu.memory_space<hbm>>
      %dma_start3A_840 = arith.constant 0 : i32
      %dma_start3A_841 = arith.constant 0 : i32
      %dma_start3A_842 = tpu.memref_slice %arg5[%run_scoped3A_33, %dma_start3A_840, %dma_start3A_841] : memref<8x32x256xf32, #tpu.memory_space<vmem>> -> memref<1x32x128xf32, #tpu.memory_space<vmem>>
      %dma_start3A_843 = tpu.memref_squeeze %dma_start3A_842 : memref<1x32x128xf32, #tpu.memory_space<vmem>> -> memref<32x128xf32, #tpu.memory_space<vmem>>
      %dma_start3A_844 = arith.constant 0 : i32
      %dma_start3A_845 = arith.constant 0 : i32
      %dma_start3A_846 = tpu.memref_slice %arg2[%dma_start3A_844, %dma_start3A_845] : memref<50x128xf32, #tpu.memory_space<hbm>> -> memref<32x128xf32, #tpu.memory_space<hbm>>
      tpu.enqueue_dma source(%dma_start3A_846 : memref<32x128xf32, #tpu.memory_space<hbm>>) target(%dma_start3A_843 : memref<32x128xf32, #tpu.memory_space<vmem>>) target_semaphore(%run_scoped3A_832 : memref<!tpu.dma_semaphore, #tpu.memory_space<semaphore_mem>>)
      %dma_wait3A_847 = arith.constant 0 : i32
      %dma_wait3A_848 = arith.constant 0 : i32
      %dma_wait3A_849 = tpu.memref_slice %arg5[%run_scoped3A_33, %dma_wait3A_847, %dma_wait3A_848] : memref<8x32x256xf32, #tpu.memory_space<vmem>> -> memref<1x32x128xf32, #tpu.memory_space<vmem>>
      %dma_wait3A_850 = tpu.memref_squeeze %dma_wait3A_849 : memref<1x32x128xf32, #tpu.memory_space<vmem>> -> memref<32x128xf32, #tpu.memory_space<vmem>>
      %dma_wait3A_851 = arith.constant 0 : i32
      %dma_wait3A_852 = arith.constant 0 : i32
      %dma_wait3A_853 = tpu.memref_slice %arg2[%dma_wait3A_851, %dma_wait3A_852] : memref<50x128xf32, #tpu.memory_space<hbm>> -> memref<32x128xf32, #tpu.memory_space<hbm>>
      %dma_wait3A_854 = arith.constant 0 : i32
      %dma_wait3A_855 = arith.constant 0 : i32
      %dma_wait3A_856 = tpu.memref_slice %arg5[%run_scoped3A_33, %dma_wait3A_854, %dma_wait3A_855] : memref<8x32x256xf32, #tpu.memory_space<vmem>> -> memref<1x32x128xf32, #tpu.memory_space<vmem>>
      %dma_wait3A_857 = tpu.memref_squeeze %dma_wait3A_856 : memref<1x32x128xf32, #tpu.memory_space<vmem>> -> memref<32x128xf32, #tpu.memory_space<vmem>>
      %dma_wait3A_858 = arith.constant 0 : i32
      %dma_wait3A_859 = arith.constant 0 : i32
      %dma_wait3A_860 = tpu.memref_slice %arg2[%dma_wait3A_858, %dma_wait3A_859] : memref<50x128xf32, #tpu.memory_space<hbm>> -> memref<32x128xf32, #tpu.memory_space<hbm>>
      tpu.wait_dma2 semaphore(%run_scoped3A_832 : memref<!tpu.dma_semaphore, #tpu.memory_space<semaphore_mem>>) src(%dma_wait3A_860 : memref<32x128xf32, #tpu.memory_space<hbm>>) dst(%dma_wait3A_857 : memref<32x128xf32, #tpu.memory_space<vmem>>)
      tpu.yield
    }) : () -> ()
    %run_scoped3A_34 = arith.constant 2 : i32
    "tpu.region"() ({
      %run_scoped3A_832 = tpu.sem_alloc : memref<!tpu.dma_semaphore, #tpu.memory_space<semaphore_mem>>
      %dma_start3A_833 = arith.constant 0 : i32
      %dma_start3A_834 = arith.constant 0 : i32
      %dma_start3A_835 = tpu.memref_slice %arg5[%run_scoped3A_34, %dma_start3A_833, %dma_start3A_834] : memref<8x32x256xf32, #tpu.memory_space<vmem>> -> memref<1x32x128xf32, #tpu.memory_space<vmem>>
      %dma_start3A_836 = tpu.memref_squeeze %dma_start3A_835 : memref<1x32x128xf32, #tpu.memory_space<vmem>> -> memref<32x128xf32, #tpu.memory_space<vmem>>
      %dma_start3A_837 = arith.constant 0 : i32
      %dma_start3A_838 = arith.constant 0 : i32
      %dma_start3A_839 = tpu.memref_slice %arg2[%dma_start3A_837, %dma_start3A_838] : memref<50x128xf32, #tpu.memory_space<hbm>> -> memref<32x128xf32, #tpu.memory_space<hbm>>
      %dma_start3A_840 = arith.constant 0 : i32
      %dma_start3A_841 = arith.constant 0 : i32
      %dma_start3A_842 = tpu.memref_slice %arg5[%run_scoped3A_34, %dma_start3A_840, %dma_start3A_841] : memref<8x32x256xf32, #tpu.memory_space<vmem>> -> memref<1x32x128xf32, #tpu.memory_space<vmem>>
      %dma_start3A_843 = tpu.memref_squeeze %dma_start3A_842 : memref<1x32x128xf32, #tpu.memory_space<vmem>> -> memref<32x128xf32, #tpu.memory_space<vmem>>
      %dma_start3A_844 = arith.constant 0 : i32
      %dma_start3A_845 = arith.constant 0 : i32
      %dma_start3A_846 = tpu.memref_slice %arg2[%dma_start3A_844, %dma_start3A_845] : memref<50x128xf32, #tpu.memory_space<hbm>> -> memref<32x128xf32, #tpu.memory_space<hbm>>
      tpu.enqueue_dma source(%dma_start3A_846 : memref<32x128xf32, #tpu.memory_space<hbm>>) target(%dma_start3A_843 : memref<32x128xf32, #tpu.memory_space<vmem>>) target_semaphore(%run_scoped3A_832 : memref<!tpu.dma_semaphore, #tpu.memory_space<semaphore_mem>>)
      %dma_wait3A_847 = arith.constant 0 : i32
      %dma_wait3A_848 = arith.constant 0 : i32
      %dma_wait3A_849 = tpu.memref_slice %arg5[%run_scoped3A_34, %dma_wait3A_847, %dma_wait3A_848] : memref<8x32x256xf32, #tpu.memory_space<vmem>> -> memref<1x32x128xf32, #tpu.memory_space<vmem>>
      %dma_wait3A_850 = tpu.memref_squeeze %dma_wait3A_849 : memref<1x32x128xf32, #tpu.memory_space<vmem>> -> memref<32x128xf32, #tpu.memory_space<vmem>>
      %dma_wait3A_851 = arith.constant 0 : i32
      %dma_wait3A_852 = arith.constant 0 : i32
      %dma_wait3A_853 = tpu.memref_slice %arg2[%dma_wait3A_851, %dma_wait3A_852] : memref<50x128xf32, #tpu.memory_space<hbm>> -> memref<32x128xf32, #tpu.memory_space<hbm>>
      %dma_wait3A_854 = arith.constant 0 : i32
      %dma_wait3A_855 = arith.constant 0 : i32
      %dma_wait3A_856 = tpu.memref_slice %arg5[%run_scoped3A_34, %dma_wait3A_854, %dma_wait3A_855] : memref<8x32x256xf32, #tpu.memory_space<vmem>> -> memref<1x32x128xf32, #tpu.memory_space<vmem>>
      %dma_wait3A_857 = tpu.memref_squeeze %dma_wait3A_856 : memref<1x32x128xf32, #tpu.memory_space<vmem>> -> memref<32x128xf32, #tpu.memory_space<vmem>>
      %dma_wait3A_858 = arith.constant 0 : i32
      %dma_wait3A_859 = arith.constant 0 : i32
      %dma_wait3A_860 = tpu.memref_slice %arg2[%dma_wait3A_858, %dma_wait3A_859] : memref<50x128xf32, #tpu.memory_space<hbm>> -> memref<32x128xf32, #tpu.memory_space<hbm>>
      tpu.wait_dma2 semaphore(%run_scoped3A_832 : memref<!tpu.dma_semaphore, #tpu.memory_space<semaphore_mem>>) src(%dma_wait3A_860 : memref<32x128xf32, #tpu.memory_space<hbm>>) dst(%dma_wait3A_857 : memref<32x128xf32, #tpu.memory_space<vmem>>)
      tpu.yield
    }) : () -> ()
    %run_scoped3A_35 = arith.constant 3 : i32
    "tpu.region"() ({
      %run_scoped3A_832 = tpu.sem_alloc : memref<!tpu.dma_semaphore, #tpu.memory_space<semaphore_mem>>
      %dma_start3A_833 = arith.constant 0 : i32
      %dma_start3A_834 = arith.constant 0 : i32
      %dma_start3A_835 = tpu.memref_slice %arg5[%run_scoped3A_35, %dma_start3A_833, %dma_start3A_834] : memref<8x32x256xf32, #tpu.memory_space<vmem>> -> memref<1x32x128xf32, #tpu.memory_space<vmem>>
      %dma_start3A_836 = tpu.memref_squeeze %dma_start3A_835 : memref<1x32x128xf32, #tpu.memory_space<vmem>> -> memref<32x128xf32, #tpu.memory_space<vmem>>
      %dma_start3A_837 = arith.constant 0 : i32
      %dma_start3A_838 = arith.constant 0 : i32
      %dma_start3A_839 = tpu.memref_slice %arg2[%dma_start3A_837, %dma_start3A_838] : memref<50x128xf32, #tpu.memory_space<hbm>> -> memref<32x128xf32, #tpu.memory_space<hbm>>
      %dma_start3A_840 = arith.constant 0 : i32
      %dma_start3A_841 = arith.constant 0 : i32
      %dma_start3A_842 = tpu.memref_slice %arg5[%run_scoped3A_35, %dma_start3A_840, %dma_start3A_841] : memref<8x32x256xf32, #tpu.memory_space<vmem>> -> memref<1x32x128xf32, #tpu.memory_space<vmem>>
      %dma_start3A_843 = tpu.memref_squeeze %dma_start3A_842 : memref<1x32x128xf32, #tpu.memory_space<vmem>> -> memref<32x128xf32, #tpu.memory_space<vmem>>
      %dma_start3A_844 = arith.constant 0 : i32
      %dma_start3A_845 = arith.constant 0 : i32
      %dma_start3A_846 = tpu.memref_slice %arg2[%dma_start3A_844, %dma_start3A_845] : memref<50x128xf32, #tpu.memory_space<hbm>> -> memref<32x128xf32, #tpu.memory_space<hbm>>
      tpu.enqueue_dma source(%dma_start3A_846 : memref<32x128xf32, #tpu.memory_space<hbm>>) target(%dma_start3A_843 : memref<32x128xf32, #tpu.memory_space<vmem>>) target_semaphore(%run_scoped3A_832 : memref<!tpu.dma_semaphore, #tpu.memory_space<semaphore_mem>>)
      %dma_wait3A_847 = arith.constant 0 : i32
      %dma_wait3A_848 = arith.constant 0 : i32
      %dma_wait3A_849 = tpu.memref_slice %arg5[%run_scoped3A_35, %dma_wait3A_847, %dma_wait3A_848] : memref<8x32x256xf32, #tpu.memory_space<vmem>> -> memref<1x32x128xf32, #tpu.memory_space<vmem>>
      %dma_wait3A_850 = tpu.memref_squeeze %dma_wait3A_849 : memref<1x32x128xf32, #tpu.memory_space<vmem>> -> memref<32x128xf32, #tpu.memory_space<vmem>>
      %dma_wait3A_851 = arith.constant 0 : i32
      %dma_wait3A_852 = arith.constant 0 : i32
      %dma_wait3A_853 = tpu.memref_slice %arg2[%dma_wait3A_851, %dma_wait3A_852] : memref<50x128xf32, #tpu.memory_space<hbm>> -> memref<32x128xf32, #tpu.memory_space<hbm>>
      %dma_wait3A_854 = arith.constant 0 : i32
      %dma_wait3A_855 = arith.constant 0 : i32
      %dma_wait3A_856 = tpu.memref_slice %arg5[%run_scoped3A_35, %dma_wait3A_854, %dma_wait3A_855] : memref<8x32x256xf32, #tpu.memory_space<vmem>> -> memref<1x32x128xf32, #tpu.memory_space<vmem>>
      %dma_wait3A_857 = tpu.memref_squeeze %dma_wait3A_856 : memref<1x32x128xf32, #tpu.memory_space<vmem>> -> memref<32x128xf32, #tpu.memory_space<vmem>>
      %dma_wait3A_858 = arith.constant 0 : i32
      %dma_wait3A_859 = arith.constant 0 : i32
      %dma_wait3A_860 = tpu.memref_slice %arg2[%dma_wait3A_858, %dma_wait3A_859] : memref<50x128xf32, #tpu.memory_space<hbm>> -> memref<32x128xf32, #tpu.memory_space<hbm>>
      tpu.wait_dma2 semaphore(%run_scoped3A_832 : memref<!tpu.dma_semaphore, #tpu.memory_space<semaphore_mem>>) src(%dma_wait3A_860 : memref<32x128xf32, #tpu.memory_space<hbm>>) dst(%dma_wait3A_857 : memref<32x128xf32, #tpu.memory_space<vmem>>)
      tpu.yield
    }) : () -> ()
    %run_scoped3A_36 = arith.constant 4 : i32
    "tpu.region"() ({
      %run_scoped3A_832 = tpu.sem_alloc : memref<!tpu.dma_semaphore, #tpu.memory_space<semaphore_mem>>
      %dma_start3A_833 = arith.constant 0 : i32
      %dma_start3A_834 = arith.constant 0 : i32
      %dma_start3A_835 = tpu.memref_slice %arg5[%run_scoped3A_36, %dma_start3A_833, %dma_start3A_834] : memref<8x32x256xf32, #tpu.memory_space<vmem>> -> memref<1x32x128xf32, #tpu.memory_space<vmem>>
      %dma_start3A_836 = tpu.memref_squeeze %dma_start3A_835 : memref<1x32x128xf32, #tpu.memory_space<vmem>> -> memref<32x128xf32, #tpu.memory_space<vmem>>
      %dma_start3A_837 = arith.constant 0 : i32
      %dma_start3A_838 = arith.constant 0 : i32
      %dma_start3A_839 = tpu.memref_slice %arg2[%dma_start3A_837, %dma_start3A_838] : memref<50x128xf32, #tpu.memory_space<hbm>> -> memref<32x128xf32, #tpu.memory_space<hbm>>
      %dma_start3A_840 = arith.constant 0 : i32
      %dma_start3A_841 = arith.constant 0 : i32
      %dma_start3A_842 = tpu.memref_slice %arg5[%run_scoped3A_36, %dma_start3A_840, %dma_start3A_841] : memref<8x32x256xf32, #tpu.memory_space<vmem>> -> memref<1x32x128xf32, #tpu.memory_space<vmem>>
      %dma_start3A_843 = tpu.memref_squeeze %dma_start3A_842 : memref<1x32x128xf32, #tpu.memory_space<vmem>> -> memref<32x128xf32, #tpu.memory_space<vmem>>
      %dma_start3A_844 = arith.constant 0 : i32
      %dma_start3A_845 = arith.constant 0 : i32
      %dma_start3A_846 = tpu.memref_slice %arg2[%dma_start3A_844, %dma_start3A_845] : memref<50x128xf32, #tpu.memory_space<hbm>> -> memref<32x128xf32, #tpu.memory_space<hbm>>
      tpu.enqueue_dma source(%dma_start3A_846 : memref<32x128xf32, #tpu.memory_space<hbm>>) target(%dma_start3A_843 : memref<32x128xf32, #tpu.memory_space<vmem>>) target_semaphore(%run_scoped3A_832 : memref<!tpu.dma_semaphore, #tpu.memory_space<semaphore_mem>>)
      %dma_wait3A_847 = arith.constant 0 : i32
      %dma_wait3A_848 = arith.constant 0 : i32
      %dma_wait3A_849 = tpu.memref_slice %arg5[%run_scoped3A_36, %dma_wait3A_847, %dma_wait3A_848] : memref<8x32x256xf32, #tpu.memory_space<vmem>> -> memref<1x32x128xf32, #tpu.memory_space<vmem>>
      %dma_wait3A_850 = tpu.memref_squeeze %dma_wait3A_849 : memref<1x32x128xf32, #tpu.memory_space<vmem>> -> memref<32x128xf32, #tpu.memory_space<vmem>>
      %dma_wait3A_851 = arith.constant 0 : i32
      %dma_wait3A_852 = arith.constant 0 : i32
      %dma_wait3A_853 = tpu.memref_slice %arg2[%dma_wait3A_851, %dma_wait3A_852] : memref<50x128xf32, #tpu.memory_space<hbm>> -> memref<32x128xf32, #tpu.memory_space<hbm>>
      %dma_wait3A_854 = arith.constant 0 : i32
      %dma_wait3A_855 = arith.constant 0 : i32
      %dma_wait3A_856 = tpu.memref_slice %arg5[%run_scoped3A_36, %dma_wait3A_854, %dma_wait3A_855] : memref<8x32x256xf32, #tpu.memory_space<vmem>> -> memref<1x32x128xf32, #tpu.memory_space<vmem>>
      %dma_wait3A_857 = tpu.memref_squeeze %dma_wait3A_856 : memref<1x32x128xf32, #tpu.memory_space<vmem>> -> memref<32x128xf32, #tpu.memory_space<vmem>>
      %dma_wait3A_858 = arith.constant 0 : i32
      %dma_wait3A_859 = arith.constant 0 : i32
      %dma_wait3A_860 = tpu.memref_slice %arg2[%dma_wait3A_858, %dma_wait3A_859] : memref<50x128xf32, #tpu.memory_space<hbm>> -> memref<32x128xf32, #tpu.memory_space<hbm>>
      tpu.wait_dma2 semaphore(%run_scoped3A_832 : memref<!tpu.dma_semaphore, #tpu.memory_space<semaphore_mem>>) src(%dma_wait3A_860 : memref<32x128xf32, #tpu.memory_space<hbm>>) dst(%dma_wait3A_857 : memref<32x128xf32, #tpu.memory_space<vmem>>)
      tpu.yield
    }) : () -> ()
    %run_scoped3A_37 = arith.constant 5 : i32
    "tpu.region"() ({
      %run_scoped3A_832 = tpu.sem_alloc : memref<!tpu.dma_semaphore, #tpu.memory_space<semaphore_mem>>
      %dma_start3A_833 = arith.constant 0 : i32
      %dma_start3A_834 = arith.constant 0 : i32
      %dma_start3A_835 = tpu.memref_slice %arg5[%run_scoped3A_37, %dma_start3A_833, %dma_start3A_834] : memref<8x32x256xf32, #tpu.memory_space<vmem>> -> memref<1x32x128xf32, #tpu.memory_space<vmem>>
      %dma_start3A_836 = tpu.memref_squeeze %dma_start3A_835 : memref<1x32x128xf32, #tpu.memory_space<vmem>> -> memref<32x128xf32, #tpu.memory_space<vmem>>
      %dma_start3A_837 = arith.constant 0 : i32
      %dma_start3A_838 = arith.constant 0 : i32
      %dma_start3A_839 = tpu.memref_slice %arg2[%dma_start3A_837, %dma_start3A_838] : memref<50x128xf32, #tpu.memory_space<hbm>> -> memref<32x128xf32, #tpu.memory_space<hbm>>
      %dma_start3A_840 = arith.constant 0 : i32
      %dma_start3A_841 = arith.constant 0 : i32
      %dma_start3A_842 = tpu.memref_slice %arg5[%run_scoped3A_37, %dma_start3A_840, %dma_start3A_841] : memref<8x32x256xf32, #tpu.memory_space<vmem>> -> memref<1x32x128xf32, #tpu.memory_space<vmem>>
      %dma_start3A_843 = tpu.memref_squeeze %dma_start3A_842 : memref<1x32x128xf32, #tpu.memory_space<vmem>> -> memref<32x128xf32, #tpu.memory_space<vmem>>
      %dma_start3A_844 = arith.constant 0 : i32
      %dma_start3A_845 = arith.constant 0 : i32
      %dma_start3A_846 = tpu.memref_slice %arg2[%dma_start3A_844, %dma_start3A_845] : memref<50x128xf32, #tpu.memory_space<hbm>> -> memref<32x128xf32, #tpu.memory_space<hbm>>
      tpu.enqueue_dma source(%dma_start3A_846 : memref<32x128xf32, #tpu.memory_space<hbm>>) target(%dma_start3A_843 : memref<32x128xf32, #tpu.memory_space<vmem>>) target_semaphore(%run_scoped3A_832 : memref<!tpu.dma_semaphore, #tpu.memory_space<semaphore_mem>>)
      %dma_wait3A_847 = arith.constant 0 : i32
      %dma_wait3A_848 = arith.constant 0 : i32
      %dma_wait3A_849 = tpu.memref_slice %arg5[%run_scoped3A_37, %dma_wait3A_847, %dma_wait3A_848] : memref<8x32x256xf32, #tpu.memory_space<vmem>> -> memref<1x32x128xf32, #tpu.memory_space<vmem>>
      %dma_wait3A_850 = tpu.memref_squeeze %dma_wait3A_849 : memref<1x32x128xf32, #tpu.memory_space<vmem>> -> memref<32x128xf32, #tpu.memory_space<vmem>>
      %dma_wait3A_851 = arith.constant 0 : i32
      %dma_wait3A_852 = arith.constant 0 : i32
      %dma_wait3A_853 = tpu.memref_slice %arg2[%dma_wait3A_851, %dma_wait3A_852] : memref<50x128xf32, #tpu.memory_space<hbm>> -> memref<32x128xf32, #tpu.memory_space<hbm>>
      %dma_wait3A_854 = arith.constant 0 : i32
      %dma_wait3A_855 = arith.constant 0 : i32
      %dma_wait3A_856 = tpu.memref_slice %arg5[%run_scoped3A_37, %dma_wait3A_854, %dma_wait3A_855] : memref<8x32x256xf32, #tpu.memory_space<vmem>> -> memref<1x32x128xf32, #tpu.memory_space<vmem>>
      %dma_wait3A_857 = tpu.memref_squeeze %dma_wait3A_856 : memref<1x32x128xf32, #tpu.memory_space<vmem>> -> memref<32x128xf32, #tpu.memory_space<vmem>>
      %dma_wait3A_858 = arith.constant 0 : i32
      %dma_wait3A_859 = arith.constant 0 : i32
      %dma_wait3A_860 = tpu.memref_slice %arg2[%dma_wait3A_858, %dma_wait3A_859] : memref<50x128xf32, #tpu.memory_space<hbm>> -> memref<32x128xf32, #tpu.memory_space<hbm>>
      tpu.wait_dma2 semaphore(%run_scoped3A_832 : memref<!tpu.dma_semaphore, #tpu.memory_space<semaphore_mem>>) src(%dma_wait3A_860 : memref<32x128xf32, #tpu.memory_space<hbm>>) dst(%dma_wait3A_857 : memref<32x128xf32, #tpu.memory_space<vmem>>)
      tpu.yield
    }) : () -> ()
    %run_scoped3A_38 = arith.constant 6 : i32
    "tpu.region"() ({
      %run_scoped3A_832 = tpu.sem_alloc : memref<!tpu.dma_semaphore, #tpu.memory_space<semaphore_mem>>
      %dma_start3A_833 = arith.constant 0 : i32
      %dma_start3A_834 = arith.constant 0 : i32
      %dma_start3A_835 = tpu.memref_slice %arg5[%run_scoped3A_38, %dma_start3A_833, %dma_start3A_834] : memref<8x32x256xf32, #tpu.memory_space<vmem>> -> memref<1x32x128xf32, #tpu.memory_space<vmem>>
      %dma_start3A_836 = tpu.memref_squeeze %dma_start3A_835 : memref<1x32x128xf32, #tpu.memory_space<vmem>> -> memref<32x128xf32, #tpu.memory_space<vmem>>
      %dma_start3A_837 = arith.constant 0 : i32
      %dma_start3A_838 = arith.constant 0 : i32
      %dma_start3A_839 = tpu.memref_slice %arg2[%dma_start3A_837, %dma_start3A_838] : memref<50x128xf32, #tpu.memory_space<hbm>> -> memref<32x128xf32, #tpu.memory_space<hbm>>
      %dma_start3A_840 = arith.constant 0 : i32
      %dma_start3A_841 = arith.constant 0 : i32
      %dma_start3A_842 = tpu.memref_slice %arg5[%run_scoped3A_38, %dma_start3A_840, %dma_start3A_841] : memref<8x32x256xf32, #tpu.memory_space<vmem>> -> memref<1x32x128xf32, #tpu.memory_space<vmem>>
      %dma_start3A_843 = tpu.memref_squeeze %dma_start3A_842 : memref<1x32x128xf32, #tpu.memory_space<vmem>> -> memref<32x128xf32, #tpu.memory_space<vmem>>
      %dma_start3A_844 = arith.constant 0 : i32
      %dma_start3A_845 = arith.constant 0 : i32
      %dma_start3A_846 = tpu.memref_slice %arg2[%dma_start3A_844, %dma_start3A_845] : memref<50x128xf32, #tpu.memory_space<hbm>> -> memref<32x128xf32, #tpu.memory_space<hbm>>
      tpu.enqueue_dma source(%dma_start3A_846 : memref<32x128xf32, #tpu.memory_space<hbm>>) target(%dma_start3A_843 : memref<32x128xf32, #tpu.memory_space<vmem>>) target_semaphore(%run_scoped3A_832 : memref<!tpu.dma_semaphore, #tpu.memory_space<semaphore_mem>>)
      %dma_wait3A_847 = arith.constant 0 : i32
      %dma_wait3A_848 = arith.constant 0 : i32
      %dma_wait3A_849 = tpu.memref_slice %arg5[%run_scoped3A_38, %dma_wait3A_847, %dma_wait3A_848] : memref<8x32x256xf32, #tpu.memory_space<vmem>> -> memref<1x32x128xf32, #tpu.memory_space<vmem>>
      %dma_wait3A_850 = tpu.memref_squeeze %dma_wait3A_849 : memref<1x32x128xf32, #tpu.memory_space<vmem>> -> memref<32x128xf32, #tpu.memory_space<vmem>>
      %dma_wait3A_851 = arith.constant 0 : i32
      %dma_wait3A_852 = arith.constant 0 : i32
      %dma_wait3A_853 = tpu.memref_slice %arg2[%dma_wait3A_851, %dma_wait3A_852] : memref<50x128xf32, #tpu.memory_space<hbm>> -> memref<32x128xf32, #tpu.memory_space<hbm>>
      %dma_wait3A_854 = arith.constant 0 : i32
      %dma_wait3A_855 = arith.constant 0 : i32
      %dma_wait3A_856 = tpu.memref_slice %arg5[%run_scoped3A_38, %dma_wait3A_854, %dma_wait3A_855] : memref<8x32x256xf32, #tpu.memory_space<vmem>> -> memref<1x32x128xf32, #tpu.memory_space<vmem>>
      %dma_wait3A_857 = tpu.memref_squeeze %dma_wait3A_856 : memref<1x32x128xf32, #tpu.memory_space<vmem>> -> memref<32x128xf32, #tpu.memory_space<vmem>>
      %dma_wait3A_858 = arith.constant 0 : i32
      %dma_wait3A_859 = arith.constant 0 : i32
      %dma_wait3A_860 = tpu.memref_slice %arg2[%dma_wait3A_858, %dma_wait3A_859] : memref<50x128xf32, #tpu.memory_space<hbm>> -> memref<32x128xf32, #tpu.memory_space<hbm>>
      tpu.wait_dma2 semaphore(%run_scoped3A_832 : memref<!tpu.dma_semaphore, #tpu.memory_space<semaphore_mem>>) src(%dma_wait3A_860 : memref<32x128xf32, #tpu.memory_space<hbm>>) dst(%dma_wait3A_857 : memref<32x128xf32, #tpu.memory_space<vmem>>)
      tpu.yield
    }) : () -> ()
    %run_scoped3A_39 = arith.constant 7 : i32
    "tpu.region"() ({
      %run_scoped3A_832 = tpu.sem_alloc : memref<!tpu.dma_semaphore, #tpu.memory_space<semaphore_mem>>
      %dma_start3A_833 = arith.constant 0 : i32
      %dma_start3A_834 = arith.constant 0 : i32
      %dma_start3A_835 = tpu.memref_slice %arg5[%run_scoped3A_39, %dma_start3A_833, %dma_start3A_834] : memref<8x32x256xf32, #tpu.memory_space<vmem>> -> memref<1x32x128xf32, #tpu.memory_space<vmem>>
      %dma_start3A_836 = tpu.memref_squeeze %dma_start3A_835 : memref<1x32x128xf32, #tpu.memory_space<vmem>> -> memref<32x128xf32, #tpu.memory_space<vmem>>
      %dma_start3A_837 = arith.constant 0 : i32
      %dma_start3A_838 = arith.constant 0 : i32
      %dma_start3A_839 = tpu.memref_slice %arg2[%dma_start3A_837, %dma_start3A_838] : memref<50x128xf32, #tpu.memory_space<hbm>> -> memref<32x128xf32, #tpu.memory_space<hbm>>
      %dma_start3A_840 = arith.constant 0 : i32
      %dma_start3A_841 = arith.constant 0 : i32
      %dma_start3A_842 = tpu.memref_slice %arg5[%run_scoped3A_39, %dma_start3A_840, %dma_start3A_841] : memref<8x32x256xf32, #tpu.memory_space<vmem>> -> memref<1x32x128xf32, #tpu.memory_space<vmem>>
      %dma_start3A_843 = tpu.memref_squeeze %dma_start3A_842 : memref<1x32x128xf32, #tpu.memory_space<vmem>> -> memref<32x128xf32, #tpu.memory_space<vmem>>
      %dma_start3A_844 = arith.constant 0 : i32
      %dma_start3A_845 = arith.constant 0 : i32
      %dma_start3A_846 = tpu.memref_slice %arg2[%dma_start3A_844, %dma_start3A_845] : memref<50x128xf32, #tpu.memory_space<hbm>> -> memref<32x128xf32, #tpu.memory_space<hbm>>
      tpu.enqueue_dma source(%dma_start3A_846 : memref<32x128xf32, #tpu.memory_space<hbm>>) target(%dma_start3A_843 : memref<32x128xf32, #tpu.memory_space<vmem>>) target_semaphore(%run_scoped3A_832 : memref<!tpu.dma_semaphore, #tpu.memory_space<semaphore_mem>>)
      %dma_wait3A_847 = arith.constant 0 : i32
      %dma_wait3A_848 = arith.constant 0 : i32
      %dma_wait3A_849 = tpu.memref_slice %arg5[%run_scoped3A_39, %dma_wait3A_847, %dma_wait3A_848] : memref<8x32x256xf32, #tpu.memory_space<vmem>> -> memref<1x32x128xf32, #tpu.memory_space<vmem>>
      %dma_wait3A_850 = tpu.memref_squeeze %dma_wait3A_849 : memref<1x32x128xf32, #tpu.memory_space<vmem>> -> memref<32x128xf32, #tpu.memory_space<vmem>>
      %dma_wait3A_851 = arith.constant 0 : i32
      %dma_wait3A_852 = arith.constant 0 : i32
      %dma_wait3A_853 = tpu.memref_slice %arg2[%dma_wait3A_851, %dma_wait3A_852] : memref<50x128xf32, #tpu.memory_space<hbm>> -> memref<32x128xf32, #tpu.memory_space<hbm>>
      %dma_wait3A_854 = arith.constant 0 : i32
      %dma_wait3A_855 = arith.constant 0 : i32
      %dma_wait3A_856 = tpu.memref_slice %arg5[%run_scoped3A_39, %dma_wait3A_854, %dma_wait3A_855] : memref<8x32x256xf32, #tpu.memory_space<vmem>> -> memref<1x32x128xf32, #tpu.memory_space<vmem>>
      %dma_wait3A_857 = tpu.memref_squeeze %dma_wait3A_856 : memref<1x32x128xf32, #tpu.memory_space<vmem>> -> memref<32x128xf32, #tpu.memory_space<vmem>>
      %dma_wait3A_858 = arith.constant 0 : i32
      %dma_wait3A_859 = arith.constant 0 : i32
      %dma_wait3A_860 = tpu.memref_slice %arg2[%dma_wait3A_858, %dma_wait3A_859] : memref<50x128xf32, #tpu.memory_space<hbm>> -> memref<32x128xf32, #tpu.memory_space<hbm>>
      tpu.wait_dma2 semaphore(%run_scoped3A_832 : memref<!tpu.dma_semaphore, #tpu.memory_space<semaphore_mem>>) src(%dma_wait3A_860 : memref<32x128xf32, #tpu.memory_space<hbm>>) dst(%dma_wait3A_857 : memref<32x128xf32, #tpu.memory_space<vmem>>)
      tpu.yield
    }) : () -> ()
    "tpu.region"() ({
      %run_scoped3A_832 = tpu.sem_alloc : memref<!tpu.dma_semaphore, #tpu.memory_space<semaphore_mem>>
      %dma_start3A_833 = arith.constant 0 : i32
      %dma_start3A_834 = tpu.memref_slice %arg3[%mul3A_32, %dma_start3A_833] : memref<50x128xf32, #tpu.memory_space<hbm>> -> memref<8x128xf32, #tpu.memory_space<hbm>>
      %dma_start3A_835 = arith.constant 0 : i32
      %dma_start3A_836 = tpu.memref_slice %arg3[%mul3A_32, %dma_start3A_835] : memref<50x128xf32, #tpu.memory_space<hbm>> -> memref<8x128xf32, #tpu.memory_space<hbm>>
      tpu.enqueue_dma source(%dma_start3A_836 : memref<8x128xf32, #tpu.memory_space<hbm>>) target(%arg6 : memref<8x128xf32, #tpu.memory_space<vmem>>) target_semaphore(%run_scoped3A_832 : memref<!tpu.dma_semaphore, #tpu.memory_space<semaphore_mem>>)
      %dma_wait3A_837 = arith.constant 0 : i32
      %dma_wait3A_838 = tpu.memref_slice %arg3[%mul3A_32, %dma_wait3A_837] : memref<50x128xf32, #tpu.memory_space<hbm>> -> memref<8x128xf32, #tpu.memory_space<hbm>>
      %dma_wait3A_839 = arith.constant 0 : i32
      %dma_wait3A_840 = tpu.memref_slice %arg3[%mul3A_32, %dma_wait3A_839] : memref<50x128xf32, #tpu.memory_space<hbm>> -> memref<8x128xf32, #tpu.memory_space<hbm>>
      tpu.wait_dma2 semaphore(%run_scoped3A_832 : memref<!tpu.dma_semaphore, #tpu.memory_space<semaphore_mem>>) src(%dma_wait3A_840 : memref<8x128xf32, #tpu.memory_space<hbm>>) dst(%arg6 : memref<8x128xf32, #tpu.memory_space<vmem>>)
      tpu.yield
    }) : () -> ()
    %get3A = arith.constant 0 : i32
    %get3A_40 = arith.index_cast %get3A : i32 to index
    %get3A_41 = arith.constant 0 : index
    %get3A_42 = tpu.vector_load %arg6[%get3A_40, %get3A_41] {strides = array<i32>} : memref<8x128xf32, #tpu.memory_space<vmem>>, vector<1x16xf32>,
    %get3A_43 = vector.shape_cast %get3A_42 : vector<1x16xf32> to vector<16xf32>
    %get3A_44 = arith.constant 0 : i32
    %get3A_45 = arith.index_cast %get3A_44 : i32 to index
    %get3A_46 = arith.constant 16 : index
    %get3A_47 = tpu.vector_load %arg6[%get3A_45, %get3A_46] {strides = array<i32>} : memref<8x128xf32, #tpu.memory_space<vmem>>, vector<1x16xf32>,
    %get3A_48 = vector.shape_cast %get3A_47 : vector<1x16xf32> to vector<16xf32>
    %get3A_49 = arith.constant 0 : i32
    %get3A_50 = arith.index_cast %get3A_49 : i32 to index
    %get3A_51 = arith.constant 32 : index
    %get3A_52 = tpu.vector_load %arg6[%get3A_50, %get3A_51] {strides = array<i32>} : memref<8x128xf32, #tpu.memory_space<vmem>>, vector<1x16xf32>,
    %get3A_53 = vector.shape_cast %get3A_52 : vector<1x16xf32> to vector<16xf32>
    %get3A_54 = arith.constant 0 : i32
    %get3A_55 = arith.index_cast %get3A_54 : i32 to index
    %get3A_56 = arith.constant 48 : index
    %get3A_57 = tpu.vector_load %arg6[%get3A_55, %get3A_56] {strides = array<i32>} : memref<8x128xf32, #tpu.memory_space<vmem>>, vector<1x16xf32>,
    %get3A_58 = vector.shape_cast %get3A_57 : vector<1x16xf32> to vector<16xf32>
    %get3A_59 = arith.constant 0 : i32
    %get3A_60 = arith.index_cast %get3A_59 : i32 to index
    %get3A_61 = arith.constant 64 : index
    %get3A_62 = tpu.vector_load %arg6[%get3A_60, %get3A_61] {strides = array<i32>} : memref<8x128xf32, #tpu.memory_space<vmem>>, vector<1x16xf32>,
    %get3A_63 = vector.shape_cast %get3A_62 : vector<1x16xf32> to vector<16xf32>
    %get3A_64 = arith.constant 0 : i32
    %get3A_65 = arith.index_cast %get3A_64 : i32 to index
    %get3A_66 = arith.constant 80 : index
    %get3A_67 = tpu.vector_load %arg6[%get3A_65, %get3A_66] {strides = array<i32>} : memref<8x128xf32, #tpu.memory_space<vmem>>, vector<1x16xf32>,
    %get3A_68 = vector.shape_cast %get3A_67 : vector<1x16xf32> to vector<16xf32>
    %get3A_69 = arith.constant 0 : i32
    %get3A_70 = arith.index_cast %get3A_69 : i32 to index
    %get3A_71 = arith.constant 96 : index
    %get3A_72 = tpu.vector_load %arg6[%get3A_70, %get3A_71] {strides = array<i32>} : memref<8x128xf32, #tpu.memory_space<vmem>>, vector<1x16xf32>,
    %get3A_73 = vector.shape_cast %get3A_72 : vector<1x16xf32> to vector<16xf32>
    %get3A_74 = arith.constant 0 : i32
    %get3A_75 = arith.index_cast %get3A_74 : i32 to index
    %get3A_76 = arith.constant 112 : index
    %get3A_77 = tpu.vector_load %arg6[%get3A_75, %get3A_76] {strides = array<i32>} : memref<8x128xf32, #tpu.memory_space<vmem>>, vector<1x16xf32>,
    %get3A_78 = vector.shape_cast %get3A_77 : vector<1x16xf32> to vector<16xf32>
    %scan3A = arith.constant 0 : i32
    %scan3A_79 = arith.constant 0 : i32
    %scan3A_80 = arith.constant 32 : i32
    %scan3A_81 = arith.addi %scan3A_79, %scan3A_80 : i32
    %scan3A_82 = arith.constant 1 : i32
    %scan3A_83 = scf.for %scan3A_832 = %scan3A_79 to %scan3A_81 step %scan3A_82 iter_args(%scan3A_833 = %scan3A) -> (i32)  : i32 {
      %swap3A = arith.constant 0 : i32
      %swap3A_834 = arith.index_cast %swap3A : i32 to index
      %swap3A_835 = arith.index_cast %scan3A_832 : i32 to index
      %swap3A_836 = arith.constant 128 : index
      %swap3A_837 = tpu.vector_load %arg5[%swap3A_834, %swap3A_835, %swap3A_836] {strides = array<i32>} : memref<8x32x256xf32, #tpu.memory_space<vmem>>, vector<1x1x16xf32>,
      %swap3A_838 = vector.shape_cast %swap3A_837 : vector<1x1x16xf32> to vector<16xf32>
      %swap3A_839 = vector.shape_cast %get3A_43 : vector<16xf32> to vector<1x1x16xf32>
      tpu.vector_store %arg5[%swap3A_834, %swap3A_835, %swap3A_836], %swap3A_839 {strides = array<i32>} : memref<8x32x256xf32, #tpu.memory_space<vmem>>, vector<1x1x16xf32>,
      %swap3A_840 = arith.constant 0 : i32
      %swap3A_841 = arith.index_cast %swap3A_840 : i32 to index
      %swap3A_842 = arith.index_cast %scan3A_832 : i32 to index
      %swap3A_843 = arith.constant 144 : index
      %swap3A_844 = tpu.vector_load %arg5[%swap3A_841, %swap3A_842, %swap3A_843] {strides = array<i32>} : memref<8x32x256xf32, #tpu.memory_space<vmem>>, vector<1x1x16xf32>,
      %swap3A_845 = vector.shape_cast %swap3A_844 : vector<1x1x16xf32> to vector<16xf32>
      %swap3A_846 = vector.shape_cast %get3A_48 : vector<16xf32> to vector<1x1x16xf32>
      tpu.vector_store %arg5[%swap3A_841, %swap3A_842, %swap3A_843], %swap3A_846 {strides = array<i32>} : memref<8x32x256xf32, #tpu.memory_space<vmem>>, vector<1x1x16xf32>,
      %swap3A_847 = arith.constant 0 : i32
      %swap3A_848 = arith.index_cast %swap3A_847 : i32 to index
      %swap3A_849 = arith.index_cast %scan3A_832 : i32 to index
      %swap3A_850 = arith.constant 160 : index
      %swap3A_851 = tpu.vector_load %arg5[%swap3A_848, %swap3A_849, %swap3A_850] {strides = array<i32>} : memref<8x32x256xf32, #tpu.memory_space<vmem>>, vector<1x1x16xf32>,
      %swap3A_852 = vector.shape_cast %swap3A_851 : vector<1x1x16xf32> to vector<16xf32>
      %swap3A_853 = vector.shape_cast %get3A_53 : vector<16xf32> to vector<1x1x16xf32>
      tpu.vector_store %arg5[%swap3A_848, %swap3A_849, %swap3A_850], %swap3A_853 {strides = array<i32>} : memref<8x32x256xf32, #tpu.memory_space<vmem>>, vector<1x1x16xf32>,
      %swap3A_854 = arith.constant 0 : i32
      %swap3A_855 = arith.index_cast %swap3A_854 : i32 to index
      %swap3A_856 = arith.index_cast %scan3A_832 : i32 to index
      %swap3A_857 = arith.constant 176 : index
      %swap3A_858 = tpu.vector_load %arg5[%swap3A_855, %swap3A_856, %swap3A_857] {strides = array<i32>} : memref<8x32x256xf32, #tpu.memory_space<vmem>>, vector<1x1x16xf32>,
      %swap3A_859 = vector.shape_cast %swap3A_858 : vector<1x1x16xf32> to vector<16xf32>
      %swap3A_860 = vector.shape_cast %get3A_58 : vector<16xf32> to vector<1x1x16xf32>
      tpu.vector_store %arg5[%swap3A_855, %swap3A_856, %swap3A_857], %swap3A_860 {strides = array<i32>} : memref<8x32x256xf32, #tpu.memory_space<vmem>>, vector<1x1x16xf32>,
      %swap3A_861 = arith.constant 0 : i32
      %swap3A_862 = arith.index_cast %swap3A_861 : i32 to index
      %swap3A_863 = arith.index_cast %scan3A_832 : i32 to index
      %swap3A_864 = arith.constant 192 : index
      %swap3A_865 = tpu.vector_load %arg5[%swap3A_862, %swap3A_863, %swap3A_864] {strides = array<i32>} : memref<8x32x256xf32, #tpu.memory_space<vmem>>, vector<1x1x16xf32>,
      %swap3A_866 = vector.shape_cast %swap3A_865 : vector<1x1x16xf32> to vector<16xf32>
      %swap3A_867 = vector.shape_cast %get3A_63 : vector<16xf32> to vector<1x1x16xf32>
      tpu.vector_store %arg5[%swap3A_862, %swap3A_863, %swap3A_864], %swap3A_867 {strides = array<i32>} : memref<8x32x256xf32, #tpu.memory_space<vmem>>, vector<1x1x16xf32>,
      %swap3A_868 = arith.constant 0 : i32
      %swap3A_869 = arith.index_cast %swap3A_868 : i32 to index
      %swap3A_870 = arith.index_cast %scan3A_832 : i32 to index
      %swap3A_871 = arith.constant 208 : index
      %swap3A_872 = tpu.vector_load %arg5[%swap3A_869, %swap3A_870, %swap3A_871] {strides = array<i32>} : memref<8x32x256xf32, #tpu.memory_space<vmem>>, vector<1x1x16xf32>,
      %swap3A_873 = vector.shape_cast %swap3A_872 : vector<1x1x16xf32> to vector<16xf32>
      %swap3A_874 = vector.shape_cast %get3A_68 : vector<16xf32> to vector<1x1x16xf32>
      tpu.vector_store %arg5[%swap3A_869, %swap3A_870, %swap3A_871], %swap3A_874 {strides = array<i32>} : memref<8x32x256xf32, #tpu.memory_space<vmem>>, vector<1x1x16xf32>,
      %swap3A_875 = arith.constant 0 : i32
      %swap3A_876 = arith.index_cast %swap3A_875 : i32 to index
      %swap3A_877 = arith.index_cast %scan3A_832 : i32 to index
      %swap3A_878 = arith.constant 224 : index
      %swap3A_879 = tpu.vector_load %arg5[%swap3A_876, %swap3A_877, %swap3A_878] {strides = array<i32>} : memref<8x32x256xf32, #tpu.memory_space<vmem>>, vector<1x1x16xf32>,
      %swap3A_880 = vector.shape_cast %swap3A_879 : vector<1x1x16xf32> to vector<16xf32>
      %swap3A_881 = vector.shape_cast %get3A_73 : vector<16xf32> to vector<1x1x16xf32>
      tpu.vector_store %arg5[%swap3A_876, %swap3A_877, %swap3A_878], %swap3A_881 {strides = array<i32>} : memref<8x32x256xf32, #tpu.memory_space<vmem>>, vector<1x1x16xf32>,
      %swap3A_882 = arith.constant 0 : i32
      %swap3A_883 = arith.index_cast %swap3A_882 : i32 to index
      %swap3A_884 = arith.index_cast %scan3A_832 : i32 to index
      %swap3A_885 = arith.constant 240 : index
      %swap3A_886 = tpu.vector_load %arg5[%swap3A_883, %swap3A_884, %swap3A_885] {strides = array<i32>} : memref<8x32x256xf32, #tpu.memory_space<vmem>>, vector<1x1x16xf32>,
      %swap3A_887 = vector.shape_cast %swap3A_886 : vector<1x1x16xf32> to vector<16xf32>
      %swap3A_888 = vector.shape_cast %get3A_78 : vector<16xf32> to vector<1x1x16xf32>
      tpu.vector_store %arg5[%swap3A_883, %swap3A_884, %swap3A_885], %swap3A_888 {strides = array<i32>} : memref<8x32x256xf32, #tpu.memory_space<vmem>>, vector<1x1x16xf32>,
      %scan3A_889 = arith.constant 0 : i32
      scf.yield %scan3A_889 : i32
    }
    %scan3A_84 = arith.constant 32 : i32
    %get3A_85 = arith.constant 1 : i32
    %get3A_86 = arith.index_cast %get3A_85 : i32 to index
    %get3A_87 = arith.constant 0 : index
    %get3A_88 = tpu.vector_load %arg6[%get3A_86, %get3A_87] {strides = array<i32>} : memref<8x128xf32, #tpu.memory_space<vmem>>, vector<1x16xf32>,
    %get3A_89 = vector.shape_cast %get3A_88 : vector<1x16xf32> to vector<16xf32>
    %get3A_90 = arith.constant 1 : i32
    %get3A_91 = arith.index_cast %get3A_90 : i32 to index
    %get3A_92 = arith.constant 16 : index
    %get3A_93 = tpu.vector_load %arg6[%get3A_91, %get3A_92] {strides = array<i32>} : memref<8x128xf32, #tpu.memory_space<vmem>>, vector<1x16xf32>,
    %get3A_94 = vector.shape_cast %get3A_93 : vector<1x16xf32> to vector<16xf32>
    %get3A_95 = arith.constant 1 : i32
    %get3A_96 = arith.index_cast %get3A_95 : i32 to index
    %get3A_97 = arith.constant 32 : index
    %get3A_98 = tpu.vector_load %arg6[%get3A_96, %get3A_97] {strides = array<i32>} : memref<8x128xf32, #tpu.memory_space<vmem>>, vector<1x16xf32>,
    %get3A_99 = vector.shape_cast %get3A_98 : vector<1x16xf32> to vector<16xf32>
    %get3A_100 = arith.constant 1 : i32
    %get3A_101 = arith.index_cast %get3A_100 : i32 to index
    %get3A_102 = arith.constant 48 : index
    %get3A_103 = tpu.vector_load %arg6[%get3A_101, %get3A_102] {strides = array<i32>} : memref<8x128xf32, #tpu.memory_space<vmem>>, vector<1x16xf32>,
    %get3A_104 = vector.shape_cast %get3A_103 : vector<1x16xf32> to vector<16xf32>
    %get3A_105 = arith.constant 1 : i32
    %get3A_106 = arith.index_cast %get3A_105 : i32 to index
    %get3A_107 = arith.constant 64 : index
    %get3A_108 = tpu.vector_load %arg6[%get3A_106, %get3A_107] {strides = array<i32>} : memref<8x128xf32, #tpu.memory_space<vmem>>, vector<1x16xf32>,
    %get3A_109 = vector.shape_cast %get3A_108 : vector<1x16xf32> to vector<16xf32>
    %get3A_110 = arith.constant 1 : i32
    %get3A_111 = arith.index_cast %get3A_110 : i32 to index
    %get3A_112 = arith.constant 80 : index
    %get3A_113 = tpu.vector_load %arg6[%get3A_111, %get3A_112] {strides = array<i32>} : memref<8x128xf32, #tpu.memory_space<vmem>>, vector<1x16xf32>,
    %get3A_114 = vector.shape_cast %get3A_113 : vector<1x16xf32> to vector<16xf32>
    %get3A_115 = arith.constant 1 : i32
    %get3A_116 = arith.index_cast %get3A_115 : i32 to index
    %get3A_117 = arith.constant 96 : index
    %get3A_118 = tpu.vector_load %arg6[%get3A_116, %get3A_117] {strides = array<i32>} : memref<8x128xf32, #tpu.memory_space<vmem>>, vector<1x16xf32>,
    %get3A_119 = vector.shape_cast %get3A_118 : vector<1x16xf32> to vector<16xf32>
    %get3A_120 = arith.constant 1 : i32
    %get3A_121 = arith.index_cast %get3A_120 : i32 to index
    %get3A_122 = arith.constant 112 : index
    %get3A_123 = tpu.vector_load %arg6[%get3A_121, %get3A_122] {strides = array<i32>} : memref<8x128xf32, #tpu.memory_space<vmem>>, vector<1x16xf32>,
    %get3A_124 = vector.shape_cast %get3A_123 : vector<1x16xf32> to vector<16xf32>
    %scan3A_125 = arith.constant 0 : i32
    %scan3A_126 = arith.constant 0 : i32
    %scan3A_127 = arith.constant 32 : i32
    %scan3A_128 = arith.addi %scan3A_126, %scan3A_127 : i32
    %scan3A_129 = arith.constant 1 : i32
    %scan3A_130 = scf.for %scan3A_832 = %scan3A_126 to %scan3A_128 step %scan3A_129 iter_args(%scan3A_833 = %scan3A_125) -> (i32)  : i32 {
      %swap3A = arith.constant 1 : i32
      %swap3A_834 = arith.index_cast %swap3A : i32 to index
      %swap3A_835 = arith.index_cast %scan3A_832 : i32 to index
      %swap3A_836 = arith.constant 128 : index
      %swap3A_837 = tpu.vector_load %arg5[%swap3A_834, %swap3A_835, %swap3A_836] {strides = array<i32>} : memref<8x32x256xf32, #tpu.memory_space<vmem>>, vector<1x1x16xf32>,
      %swap3A_838 = vector.shape_cast %swap3A_837 : vector<1x1x16xf32> to vector<16xf32>
      %swap3A_839 = vector.shape_cast %get3A_89 : vector<16xf32> to vector<1x1x16xf32>
      tpu.vector_store %arg5[%swap3A_834, %swap3A_835, %swap3A_836], %swap3A_839 {strides = array<i32>} : memref<8x32x256xf32, #tpu.memory_space<vmem>>, vector<1x1x16xf32>,
      %swap3A_840 = arith.constant 1 : i32
      %swap3A_841 = arith.index_cast %swap3A_840 : i32 to index
      %swap3A_842 = arith.index_cast %scan3A_832 : i32 to index
      %swap3A_843 = arith.constant 144 : index
      %swap3A_844 = tpu.vector_load %arg5[%swap3A_841, %swap3A_842, %swap3A_843] {strides = array<i32>} : memref<8x32x256xf32, #tpu.memory_space<vmem>>, vector<1x1x16xf32>,
      %swap3A_845 = vector.shape_cast %swap3A_844 : vector<1x1x16xf32> to vector<16xf32>
      %swap3A_846 = vector.shape_cast %get3A_94 : vector<16xf32> to vector<1x1x16xf32>
      tpu.vector_store %arg5[%swap3A_841, %swap3A_842, %swap3A_843], %swap3A_846 {strides = array<i32>} : memref<8x32x256xf32, #tpu.memory_space<vmem>>, vector<1x1x16xf32>,
      %swap3A_847 = arith.constant 1 : i32
      %swap3A_848 = arith.index_cast %swap3A_847 : i32 to index
      %swap3A_849 = arith.index_cast %scan3A_832 : i32 to index
      %swap3A_850 = arith.constant 160 : index
      %swap3A_851 = tpu.vector_load %arg5[%swap3A_848, %swap3A_849, %swap3A_850] {strides = array<i32>} : memref<8x32x256xf32, #tpu.memory_space<vmem>>, vector<1x1x16xf32>,
      %swap3A_852 = vector.shape_cast %swap3A_851 : vector<1x1x16xf32> to vector<16xf32>
      %swap3A_853 = vector.shape_cast %get3A_99 : vector<16xf32> to vector<1x1x16xf32>
      tpu.vector_store %arg5[%swap3A_848, %swap3A_849, %swap3A_850], %swap3A_853 {strides = array<i32>} : memref<8x32x256xf32, #tpu.memory_space<vmem>>, vector<1x1x16xf32>,
      %swap3A_854 = arith.constant 1 : i32
      %swap3A_855 = arith.index_cast %swap3A_854 : i32 to index
      %swap3A_856 = arith.index_cast %scan3A_832 : i32 to index
      %swap3A_857 = arith.constant 176 : index
      %swap3A_858 = tpu.vector_load %arg5[%swap3A_855, %swap3A_856, %swap3A_857] {strides = array<i32>} : memref<8x32x256xf32, #tpu.memory_space<vmem>>, vector<1x1x16xf32>,
      %swap3A_859 = vector.shape_cast %swap3A_858 : vector<1x1x16xf32> to vector<16xf32>
      %swap3A_860 = vector.shape_cast %get3A_104 : vector<16xf32> to vector<1x1x16xf32>
      tpu.vector_store %arg5[%swap3A_855, %swap3A_856, %swap3A_857], %swap3A_860 {strides = array<i32>} : memref<8x32x256xf32, #tpu.memory_space<vmem>>, vector<1x1x16xf32>,
      %swap3A_861 = arith.constant 1 : i32
      %swap3A_862 = arith.index_cast %swap3A_861 : i32 to index
      %swap3A_863 = arith.index_cast %scan3A_832 : i32 to index
      %swap3A_864 = arith.constant 192 : index
      %swap3A_865 = tpu.vector_load %arg5[%swap3A_862, %swap3A_863, %swap3A_864] {strides = array<i32>} : memref<8x32x256xf32, #tpu.memory_space<vmem>>, vector<1x1x16xf32>,
      %swap3A_866 = vector.shape_cast %swap3A_865 : vector<1x1x16xf32> to vector<16xf32>
      %swap3A_867 = vector.shape_cast %get3A_109 : vector<16xf32> to vector<1x1x16xf32>
      tpu.vector_store %arg5[%swap3A_862, %swap3A_863, %swap3A_864], %swap3A_867 {strides = array<i32>} : memref<8x32x256xf32, #tpu.memory_space<vmem>>, vector<1x1x16xf32>,
      %swap3A_868 = arith.constant 1 : i32
      %swap3A_869 = arith.index_cast %swap3A_868 : i32 to index
      %swap3A_870 = arith.index_cast %scan3A_832 : i32 to index
      %swap3A_871 = arith.constant 208 : index
      %swap3A_872 = tpu.vector_load %arg5[%swap3A_869, %swap3A_870, %swap3A_871] {strides = array<i32>} : memref<8x32x256xf32, #tpu.memory_space<vmem>>, vector<1x1x16xf32>,
      %swap3A_873 = vector.shape_cast %swap3A_872 : vector<1x1x16xf32> to vector<16xf32>
      %swap3A_874 = vector.shape_cast %get3A_114 : vector<16xf32> to vector<1x1x16xf32>
      tpu.vector_store %arg5[%swap3A_869, %swap3A_870, %swap3A_871], %swap3A_874 {strides = array<i32>} : memref<8x32x256xf32, #tpu.memory_space<vmem>>, vector<1x1x16xf32>,
      %swap3A_875 = arith.constant 1 : i32
      %swap3A_876 = arith.index_cast %swap3A_875 : i32 to index
      %swap3A_877 = arith.index_cast %scan3A_832 : i32 to index
      %swap3A_878 = arith.constant 224 : index
      %swap3A_879 = tpu.vector_load %arg5[%swap3A_876, %swap3A_877, %swap3A_878] {strides = array<i32>} : memref<8x32x256xf32, #tpu.memory_space<vmem>>, vector<1x1x16xf32>,
      %swap3A_880 = vector.shape_cast %swap3A_879 : vector<1x1x16xf32> to vector<16xf32>
      %swap3A_881 = vector.shape_cast %get3A_119 : vector<16xf32> to vector<1x1x16xf32>
      tpu.vector_store %arg5[%swap3A_876, %swap3A_877, %swap3A_878], %swap3A_881 {strides = array<i32>} : memref<8x32x256xf32, #tpu.memory_space<vmem>>, vector<1x1x16xf32>,
      %swap3A_882 = arith.constant 1 : i32
      %swap3A_883 = arith.index_cast %swap3A_882 : i32 to index
      %swap3A_884 = arith.index_cast %scan3A_832 : i32 to index
      %swap3A_885 = arith.constant 240 : index
      %swap3A_886 = tpu.vector_load %arg5[%swap3A_883, %swap3A_884, %swap3A_885] {strides = array<i32>} : memref<8x32x256xf32, #tpu.memory_space<vmem>>, vector<1x1x16xf32>,
      %swap3A_887 = vector.shape_cast %swap3A_886 : vector<1x1x16xf32> to vector<16xf32>
      %swap3A_888 = vector.shape_cast %get3A_124 : vector<16xf32> to vector<1x1x16xf32>
      tpu.vector_store %arg5[%swap3A_883, %swap3A_884, %swap3A_885], %swap3A_888 {strides = array<i32>} : memref<8x32x256xf32, #tpu.memory_space<vmem>>, vector<1x1x16xf32>,
      %scan3A_889 = arith.constant 0 : i32
      scf.yield %scan3A_889 : i32
    }
    %scan3A_131 = arith.constant 32 : i32
    %get3A_132 = arith.constant 2 : i32
    %get3A_133 = arith.index_cast %get3A_132 : i32 to index
    %get3A_134 = arith.constant 0 : index
    %get3A_135 = tpu.vector_load %arg6[%get3A_133, %get3A_134] {strides = array<i32>} : memref<8x128xf32, #tpu.memory_space<vmem>>, vector<1x16xf32>,
    %get3A_136 = vector.shape_cast %get3A_135 : vector<1x16xf32> to vector<16xf32>
    %get3A_137 = arith.constant 2 : i32
    %get3A_138 = arith.index_cast %get3A_137 : i32 to index
    %get3A_139 = arith.constant 16 : index
    %get3A_140 = tpu.vector_load %arg6[%get3A_138, %get3A_139] {strides = array<i32>} : memref<8x128xf32, #tpu.memory_space<vmem>>, vector<1x16xf32>,
    %get3A_141 = vector.shape_cast %get3A_140 : vector<1x16xf32> to vector<16xf32>
    %get3A_142 = arith.constant 2 : i32
    %get3A_143 = arith.index_cast %get3A_142 : i32 to index
    %get3A_144 = arith.constant 32 : index
    %get3A_145 = tpu.vector_load %arg6[%get3A_143, %get3A_144] {strides = array<i32>} : memref<8x128xf32, #tpu.memory_space<vmem>>, vector<1x16xf32>,
    %get3A_146 = vector.shape_cast %get3A_145 : vector<1x16xf32> to vector<16xf32>
    %get3A_147 = arith.constant 2 : i32
    %get3A_148 = arith.index_cast %get3A_147 : i32 to index
    %get3A_149 = arith.constant 48 : index
    %get3A_150 = tpu.vector_load %arg6[%get3A_148, %get3A_149] {strides = array<i32>} : memref<8x128xf32, #tpu.memory_space<vmem>>, vector<1x16xf32>,
    %get3A_151 = vector.shape_cast %get3A_150 : vector<1x16xf32> to vector<16xf32>
    %get3A_152 = arith.constant 2 : i32
    %get3A_153 = arith.index_cast %get3A_152 : i32 to index
    %get3A_154 = arith.constant 64 : index
    %get3A_155 = tpu.vector_load %arg6[%get3A_153, %get3A_154] {strides = array<i32>} : memref<8x128xf32, #tpu.memory_space<vmem>>, vector<1x16xf32>,
    %get3A_156 = vector.shape_cast %get3A_155 : vector<1x16xf32> to vector<16xf32>
    %get3A_157 = arith.constant 2 : i32
    %get3A_158 = arith.index_cast %get3A_157 : i32 to index
    %get3A_159 = arith.constant 80 : index
    %get3A_160 = tpu.vector_load %arg6[%get3A_158, %get3A_159] {strides = array<i32>} : memref<8x128xf32, #tpu.memory_space<vmem>>, vector<1x16xf32>,
    %get3A_161 = vector.shape_cast %get3A_160 : vector<1x16xf32> to vector<16xf32>
    %get3A_162 = arith.constant 2 : i32
    %get3A_163 = arith.index_cast %get3A_162 : i32 to index
    %get3A_164 = arith.constant 96 : index
    %get3A_165 = tpu.vector_load %arg6[%get3A_163, %get3A_164] {strides = array<i32>} : memref<8x128xf32, #tpu.memory_space<vmem>>, vector<1x16xf32>,
    %get3A_166 = vector.shape_cast %get3A_165 : vector<1x16xf32> to vector<16xf32>
    %get3A_167 = arith.constant 2 : i32
    %get3A_168 = arith.index_cast %get3A_167 : i32 to index
    %get3A_169 = arith.constant 112 : index
    %get3A_170 = tpu.vector_load %arg6[%get3A_168, %get3A_169] {strides = array<i32>} : memref<8x128xf32, #tpu.memory_space<vmem>>, vector<1x16xf32>,
    %get3A_171 = vector.shape_cast %get3A_170 : vector<1x16xf32> to vector<16xf32>
    %scan3A_172 = arith.constant 0 : i32
    %scan3A_173 = arith.constant 0 : i32
    %scan3A_174 = arith.constant 32 : i32
    %scan3A_175 = arith.addi %scan3A_173, %scan3A_174 : i32
    %scan3A_176 = arith.constant 1 : i32
    %scan3A_177 = scf.for %scan3A_832 = %scan3A_173 to %scan3A_175 step %scan3A_176 iter_args(%scan3A_833 = %scan3A_172) -> (i32)  : i32 {
      %swap3A = arith.constant 2 : i32
      %swap3A_834 = arith.index_cast %swap3A : i32 to index
      %swap3A_835 = arith.index_cast %scan3A_832 : i32 to index
      %swap3A_836 = arith.constant 128 : index
      %swap3A_837 = tpu.vector_load %arg5[%swap3A_834, %swap3A_835, %swap3A_836] {strides = array<i32>} : memref<8x32x256xf32, #tpu.memory_space<vmem>>, vector<1x1x16xf32>,
      %swap3A_838 = vector.shape_cast %swap3A_837 : vector<1x1x16xf32> to vector<16xf32>
      %swap3A_839 = vector.shape_cast %get3A_136 : vector<16xf32> to vector<1x1x16xf32>
      tpu.vector_store %arg5[%swap3A_834, %swap3A_835, %swap3A_836], %swap3A_839 {strides = array<i32>} : memref<8x32x256xf32, #tpu.memory_space<vmem>>, vector<1x1x16xf32>,
      %swap3A_840 = arith.constant 2 : i32
      %swap3A_841 = arith.index_cast %swap3A_840 : i32 to index
      %swap3A_842 = arith.index_cast %scan3A_832 : i32 to index
      %swap3A_843 = arith.constant 144 : index
      %swap3A_844 = tpu.vector_load %arg5[%swap3A_841, %swap3A_842, %swap3A_843] {strides = array<i32>} : memref<8x32x256xf32, #tpu.memory_space<vmem>>, vector<1x1x16xf32>,
      %swap3A_845 = vector.shape_cast %swap3A_844 : vector<1x1x16xf32> to vector<16xf32>
      %swap3A_846 = vector.shape_cast %get3A_141 : vector<16xf32> to vector<1x1x16xf32>
      tpu.vector_store %arg5[%swap3A_841, %swap3A_842, %swap3A_843], %swap3A_846 {strides = array<i32>} : memref<8x32x256xf32, #tpu.memory_space<vmem>>, vector<1x1x16xf32>,
      %swap3A_847 = arith.constant 2 : i32
      %swap3A_848 = arith.index_cast %swap3A_847 : i32 to index
      %swap3A_849 = arith.index_cast %scan3A_832 : i32 to index
      %swap3A_850 = arith.constant 160 : index
      %swap3A_851 = tpu.vector_load %arg5[%swap3A_848, %swap3A_849, %swap3A_850] {strides = array<i32>} : memref<8x32x256xf32, #tpu.memory_space<vmem>>, vector<1x1x16xf32>,
      %swap3A_852 = vector.shape_cast %swap3A_851 : vector<1x1x16xf32> to vector<16xf32>
      %swap3A_853 = vector.shape_cast %get3A_146 : vector<16xf32> to vector<1x1x16xf32>
      tpu.vector_store %arg5[%swap3A_848, %swap3A_849, %swap3A_850], %swap3A_853 {strides = array<i32>} : memref<8x32x256xf32, #tpu.memory_space<vmem>>, vector<1x1x16xf32>,
      %swap3A_854 = arith.constant 2 : i32
      %swap3A_855 = arith.index_cast %swap3A_854 : i32 to index
      %swap3A_856 = arith.index_cast %scan3A_832 : i32 to index
      %swap3A_857 = arith.constant 176 : index
      %swap3A_858 = tpu.vector_load %arg5[%swap3A_855, %swap3A_856, %swap3A_857] {strides = array<i32>} : memref<8x32x256xf32, #tpu.memory_space<vmem>>, vector<1x1x16xf32>,
      %swap3A_859 = vector.shape_cast %swap3A_858 : vector<1x1x16xf32> to vector<16xf32>
      %swap3A_860 = vector.shape_cast %get3A_151 : vector<16xf32> to vector<1x1x16xf32>
      tpu.vector_store %arg5[%swap3A_855, %swap3A_856, %swap3A_857], %swap3A_860 {strides = array<i32>} : memref<8x32x256xf32, #tpu.memory_space<vmem>>, vector<1x1x16xf32>,
      %swap3A_861 = arith.constant 2 : i32
      %swap3A_862 = arith.index_cast %swap3A_861 : i32 to index
      %swap3A_863 = arith.index_cast %scan3A_832 : i32 to index
      %swap3A_864 = arith.constant 192 : index
      %swap3A_865 = tpu.vector_load %arg5[%swap3A_862, %swap3A_863, %swap3A_864] {strides = array<i32>} : memref<8x32x256xf32, #tpu.memory_space<vmem>>, vector<1x1x16xf32>,
      %swap3A_866 = vector.shape_cast %swap3A_865 : vector<1x1x16xf32> to vector<16xf32>
      %swap3A_867 = vector.shape_cast %get3A_156 : vector<16xf32> to vector<1x1x16xf32>
      tpu.vector_store %arg5[%swap3A_862, %swap3A_863, %swap3A_864], %swap3A_867 {strides = array<i32>} : memref<8x32x256xf32, #tpu.memory_space<vmem>>, vector<1x1x16xf32>,
      %swap3A_868 = arith.constant 2 : i32
      %swap3A_869 = arith.index_cast %swap3A_868 : i32 to index
      %swap3A_870 = arith.index_cast %scan3A_832 : i32 to index
      %swap3A_871 = arith.constant 208 : index
      %swap3A_872 = tpu.vector_load %arg5[%swap3A_869, %swap3A_870, %swap3A_871] {strides = array<i32>} : memref<8x32x256xf32, #tpu.memory_space<vmem>>, vector<1x1x16xf32>,
      %swap3A_873 = vector.shape_cast %swap3A_872 : vector<1x1x16xf32> to vector<16xf32>
      %swap3A_874 = vector.shape_cast %get3A_161 : vector<16xf32> to vector<1x1x16xf32>
      tpu.vector_store %arg5[%swap3A_869, %swap3A_870, %swap3A_871], %swap3A_874 {strides = array<i32>} : memref<8x32x256xf32, #tpu.memory_space<vmem>>, vector<1x1x16xf32>,
      %swap3A_875 = arith.constant 2 : i32
      %swap3A_876 = arith.index_cast %swap3A_875 : i32 to index
      %swap3A_877 = arith.index_cast %scan3A_832 : i32 to index
      %swap3A_878 = arith.constant 224 : index
      %swap3A_879 = tpu.vector_load %arg5[%swap3A_876, %swap3A_877, %swap3A_878] {strides = array<i32>} : memref<8x32x256xf32, #tpu.memory_space<vmem>>, vector<1x1x16xf32>,
      %swap3A_880 = vector.shape_cast %swap3A_879 : vector<1x1x16xf32> to vector<16xf32>
      %swap3A_881 = vector.shape_cast %get3A_166 : vector<16xf32> to vector<1x1x16xf32>
      tpu.vector_store %arg5[%swap3A_876, %swap3A_877, %swap3A_878], %swap3A_881 {strides = array<i32>} : memref<8x32x256xf32, #tpu.memory_space<vmem>>, vector<1x1x16xf32>,
      %swap3A_882 = arith.constant 2 : i32
      %swap3A_883 = arith.index_cast %swap3A_882 : i32 to index
      %swap3A_884 = arith.index_cast %scan3A_832 : i32 to index
      %swap3A_885 = arith.constant 240 : index
      %swap3A_886 = tpu.vector_load %arg5[%swap3A_883, %swap3A_884, %swap3A_885] {strides = array<i32>} : memref<8x32x256xf32, #tpu.memory_space<vmem>>, vector<1x1x16xf32>,
      %swap3A_887 = vector.shape_cast %swap3A_886 : vector<1x1x16xf32> to vector<16xf32>
      %swap3A_888 = vector.shape_cast %get3A_171 : vector<16xf32> to vector<1x1x16xf32>
      tpu.vector_store %arg5[%swap3A_883, %swap3A_884, %swap3A_885], %swap3A_888 {strides = array<i32>} : memref<8x32x256xf32, #tpu.memory_space<vmem>>, vector<1x1x16xf32>,
      %scan3A_889 = arith.constant 0 : i32
      scf.yield %scan3A_889 : i32
    }
    %scan3A_178 = arith.constant 32 : i32
    %get3A_179 = arith.constant 3 : i32
    %get3A_180 = arith.index_cast %get3A_179 : i32 to index
    %get3A_181 = arith.constant 0 : index
    %get3A_182 = tpu.vector_load %arg6[%get3A_180, %get3A_181] {strides = array<i32>} : memref<8x128xf32, #tpu.memory_space<vmem>>, vector<1x16xf32>,
    %get3A_183 = vector.shape_cast %get3A_182 : vector<1x16xf32> to vector<16xf32>
    %get3A_184 = arith.constant 3 : i32
    %get3A_185 = arith.index_cast %get3A_184 : i32 to index
    %get3A_186 = arith.constant 16 : index
    %get3A_187 = tpu.vector_load %arg6[%get3A_185, %get3A_186] {strides = array<i32>} : memref<8x128xf32, #tpu.memory_space<vmem>>, vector<1x16xf32>,
    %get3A_188 = vector.shape_cast %get3A_187 : vector<1x16xf32> to vector<16xf32>
    %get3A_189 = arith.constant 3 : i32
    %get3A_190 = arith.index_cast %get3A_189 : i32 to index
    %get3A_191 = arith.constant 32 : index
    %get3A_192 = tpu.vector_load %arg6[%get3A_190, %get3A_191] {strides = array<i32>} : memref<8x128xf32, #tpu.memory_space<vmem>>, vector<1x16xf32>,
    %get3A_193 = vector.shape_cast %get3A_192 : vector<1x16xf32> to vector<16xf32>
    %get3A_194 = arith.constant 3 : i32
    %get3A_195 = arith.index_cast %get3A_194 : i32 to index
    %get3A_196 = arith.constant 48 : index
    %get3A_197 = tpu.vector_load %arg6[%get3A_195, %get3A_196] {strides = array<i32>} : memref<8x128xf32, #tpu.memory_space<vmem>>, vector<1x16xf32>,
    %get3A_198 = vector.shape_cast %get3A_197 : vector<1x16xf32> to vector<16xf32>
    %get3A_199 = arith.constant 3 : i32
    %get3A_200 = arith.index_cast %get3A_199 : i32 to index
    %get3A_201 = arith.constant 64 : index
    %get3A_202 = tpu.vector_load %arg6[%get3A_200, %get3A_201] {strides = array<i32>} : memref<8x128xf32, #tpu.memory_space<vmem>>, vector<1x16xf32>,
    %get3A_203 = vector.shape_cast %get3A_202 : vector<1x16xf32> to vector<16xf32>
    %get3A_204 = arith.constant 3 : i32
    %get3A_205 = arith.index_cast %get3A_204 : i32 to index
    %get3A_206 = arith.constant 80 : index
    %get3A_207 = tpu.vector_load %arg6[%get3A_205, %get3A_206] {strides = array<i32>} : memref<8x128xf32, #tpu.memory_space<vmem>>, vector<1x16xf32>,
    %get3A_208 = vector.shape_cast %get3A_207 : vector<1x16xf32> to vector<16xf32>
    %get3A_209 = arith.constant 3 : i32
    %get3A_210 = arith.index_cast %get3A_209 : i32 to index
    %get3A_211 = arith.constant 96 : index
    %get3A_212 = tpu.vector_load %arg6[%get3A_210, %get3A_211] {strides = array<i32>} : memref<8x128xf32, #tpu.memory_space<vmem>>, vector<1x16xf32>,
    %get3A_213 = vector.shape_cast %get3A_212 : vector<1x16xf32> to vector<16xf32>
    %get3A_214 = arith.constant 3 : i32
    %get3A_215 = arith.index_cast %get3A_214 : i32 to index
    %get3A_216 = arith.constant 112 : index
    %get3A_217 = tpu.vector_load %arg6[%get3A_215, %get3A_216] {strides = array<i32>} : memref<8x128xf32, #tpu.memory_space<vmem>>, vector<1x16xf32>,
    %get3A_218 = vector.shape_cast %get3A_217 : vector<1x16xf32> to vector<16xf32>
    %scan3A_219 = arith.constant 0 : i32
    %scan3A_220 = arith.constant 0 : i32
    %scan3A_221 = arith.constant 32 : i32
    %scan3A_222 = arith.addi %scan3A_220, %scan3A_221 : i32
    %scan3A_223 = arith.constant 1 : i32
    %scan3A_224 = scf.for %scan3A_832 = %scan3A_220 to %scan3A_222 step %scan3A_223 iter_args(%scan3A_833 = %scan3A_219) -> (i32)  : i32 {
      %swap3A = arith.constant 3 : i32
      %swap3A_834 = arith.index_cast %swap3A : i32 to index
      %swap3A_835 = arith.index_cast %scan3A_832 : i32 to index
      %swap3A_836 = arith.constant 128 : index
      %swap3A_837 = tpu.vector_load %arg5[%swap3A_834, %swap3A_835, %swap3A_836] {strides = array<i32>} : memref<8x32x256xf32, #tpu.memory_space<vmem>>, vector<1x1x16xf32>,
      %swap3A_838 = vector.shape_cast %swap3A_837 : vector<1x1x16xf32> to vector<16xf32>
      %swap3A_839 = vector.shape_cast %get3A_183 : vector<16xf32> to vector<1x1x16xf32>
      tpu.vector_store %arg5[%swap3A_834, %swap3A_835, %swap3A_836], %swap3A_839 {strides = array<i32>} : memref<8x32x256xf32, #tpu.memory_space<vmem>>, vector<1x1x16xf32>,
      %swap3A_840 = arith.constant 3 : i32
      %swap3A_841 = arith.index_cast %swap3A_840 : i32 to index
      %swap3A_842 = arith.index_cast %scan3A_832 : i32 to index
      %swap3A_843 = arith.constant 144 : index
      %swap3A_844 = tpu.vector_load %arg5[%swap3A_841, %swap3A_842, %swap3A_843] {strides = array<i32>} : memref<8x32x256xf32, #tpu.memory_space<vmem>>, vector<1x1x16xf32>,
      %swap3A_845 = vector.shape_cast %swap3A_844 : vector<1x1x16xf32> to vector<16xf32>
      %swap3A_846 = vector.shape_cast %get3A_188 : vector<16xf32> to vector<1x1x16xf32>
      tpu.vector_store %arg5[%swap3A_841, %swap3A_842, %swap3A_843], %swap3A_846 {strides = array<i32>} : memref<8x32x256xf32, #tpu.memory_space<vmem>>, vector<1x1x16xf32>,
      %swap3A_847 = arith.constant 3 : i32
      %swap3A_848 = arith.index_cast %swap3A_847 : i32 to index
      %swap3A_849 = arith.index_cast %scan3A_832 : i32 to index
      %swap3A_850 = arith.constant 160 : index
      %swap3A_851 = tpu.vector_load %arg5[%swap3A_848, %swap3A_849, %swap3A_850] {strides = array<i32>} : memref<8x32x256xf32, #tpu.memory_space<vmem>>, vector<1x1x16xf32>,
      %swap3A_852 = vector.shape_cast %swap3A_851 : vector<1x1x16xf32> to vector<16xf32>
      %swap3A_853 = vector.shape_cast %get3A_193 : vector<16xf32> to vector<1x1x16xf32>
      tpu.vector_store %arg5[%swap3A_848, %swap3A_849, %swap3A_850], %swap3A_853 {strides = array<i32>} : memref<8x32x256xf32, #tpu.memory_space<vmem>>, vector<1x1x16xf32>,
      %swap3A_854 = arith.constant 3 : i32
      %swap3A_855 = arith.index_cast %swap3A_854 : i32 to index
      %swap3A_856 = arith.index_cast %scan3A_832 : i32 to index
      %swap3A_857 = arith.constant 176 : index
      %swap3A_858 = tpu.vector_load %arg5[%swap3A_855, %swap3A_856, %swap3A_857] {strides = array<i32>} : memref<8x32x256xf32, #tpu.memory_space<vmem>>, vector<1x1x16xf32>,
      %swap3A_859 = vector.shape_cast %swap3A_858 : vector<1x1x16xf32> to vector<16xf32>
      %swap3A_860 = vector.shape_cast %get3A_198 : vector<16xf32> to vector<1x1x16xf32>
      tpu.vector_store %arg5[%swap3A_855, %swap3A_856, %swap3A_857], %swap3A_860 {strides = array<i32>} : memref<8x32x256xf32, #tpu.memory_space<vmem>>, vector<1x1x16xf32>,
      %swap3A_861 = arith.constant 3 : i32
      %swap3A_862 = arith.index_cast %swap3A_861 : i32 to index
      %swap3A_863 = arith.index_cast %scan3A_832 : i32 to index
      %swap3A_864 = arith.constant 192 : index
      %swap3A_865 = tpu.vector_load %arg5[%swap3A_862, %swap3A_863, %swap3A_864] {strides = array<i32>} : memref<8x32x256xf32, #tpu.memory_space<vmem>>, vector<1x1x16xf32>,
      %swap3A_866 = vector.shape_cast %swap3A_865 : vector<1x1x16xf32> to vector<16xf32>
      %swap3A_867 = vector.shape_cast %get3A_203 : vector<16xf32> to vector<1x1x16xf32>
      tpu.vector_store %arg5[%swap3A_862, %swap3A_863, %swap3A_864], %swap3A_867 {strides = array<i32>} : memref<8x32x256xf32, #tpu.memory_space<vmem>>, vector<1x1x16xf32>,
      %swap3A_868 = arith.constant 3 : i32
      %swap3A_869 = arith.index_cast %swap3A_868 : i32 to index
      %swap3A_870 = arith.index_cast %scan3A_832 : i32 to index
      %swap3A_871 = arith.constant 208 : index
      %swap3A_872 = tpu.vector_load %arg5[%swap3A_869, %swap3A_870, %swap3A_871] {strides = array<i32>} : memref<8x32x256xf32, #tpu.memory_space<vmem>>, vector<1x1x16xf32>,
      %swap3A_873 = vector.shape_cast %swap3A_872 : vector<1x1x16xf32> to vector<16xf32>
      %swap3A_874 = vector.shape_cast %get3A_208 : vector<16xf32> to vector<1x1x16xf32>
      tpu.vector_store %arg5[%swap3A_869, %swap3A_870, %swap3A_871], %swap3A_874 {strides = array<i32>} : memref<8x32x256xf32, #tpu.memory_space<vmem>>, vector<1x1x16xf32>,
      %swap3A_875 = arith.constant 3 : i32
      %swap3A_876 = arith.index_cast %swap3A_875 : i32 to index
      %swap3A_877 = arith.index_cast %scan3A_832 : i32 to index
      %swap3A_878 = arith.constant 224 : index
      %swap3A_879 = tpu.vector_load %arg5[%swap3A_876, %swap3A_877, %swap3A_878] {strides = array<i32>} : memref<8x32x256xf32, #tpu.memory_space<vmem>>, vector<1x1x16xf32>,
      %swap3A_880 = vector.shape_cast %swap3A_879 : vector<1x1x16xf32> to vector<16xf32>
      %swap3A_881 = vector.shape_cast %get3A_213 : vector<16xf32> to vector<1x1x16xf32>
      tpu.vector_store %arg5[%swap3A_876, %swap3A_877, %swap3A_878], %swap3A_881 {strides = array<i32>} : memref<8x32x256xf32, #tpu.memory_space<vmem>>, vector<1x1x16xf32>,
      %swap3A_882 = arith.constant 3 : i32
      %swap3A_883 = arith.index_cast %swap3A_882 : i32 to index
      %swap3A_884 = arith.index_cast %scan3A_832 : i32 to index
      %swap3A_885 = arith.constant 240 : index
      %swap3A_886 = tpu.vector_load %arg5[%swap3A_883, %swap3A_884, %swap3A_885] {strides = array<i32>} : memref<8x32x256xf32, #tpu.memory_space<vmem>>, vector<1x1x16xf32>,
      %swap3A_887 = vector.shape_cast %swap3A_886 : vector<1x1x16xf32> to vector<16xf32>
      %swap3A_888 = vector.shape_cast %get3A_218 : vector<16xf32> to vector<1x1x16xf32>
      tpu.vector_store %arg5[%swap3A_883, %swap3A_884, %swap3A_885], %swap3A_888 {strides = array<i32>} : memref<8x32x256xf32, #tpu.memory_space<vmem>>, vector<1x1x16xf32>,
      %scan3A_889 = arith.constant 0 : i32
      scf.yield %scan3A_889 : i32
    }
    %scan3A_225 = arith.constant 32 : i32
    %get3A_226 = arith.constant 4 : i32
    %get3A_227 = arith.index_cast %get3A_226 : i32 to index
    %get3A_228 = arith.constant 0 : index
    %get3A_229 = tpu.vector_load %arg6[%get3A_227, %get3A_228] {strides = array<i32>} : memref<8x128xf32, #tpu.memory_space<vmem>>, vector<1x16xf32>,
    %get3A_230 = vector.shape_cast %get3A_229 : vector<1x16xf32> to vector<16xf32>
    %get3A_231 = arith.constant 4 : i32
    %get3A_232 = arith.index_cast %get3A_231 : i32 to index
    %get3A_233 = arith.constant 16 : index
    %get3A_234 = tpu.vector_load %arg6[%get3A_232, %get3A_233] {strides = array<i32>} : memref<8x128xf32, #tpu.memory_space<vmem>>, vector<1x16xf32>,
    %get3A_235 = vector.shape_cast %get3A_234 : vector<1x16xf32> to vector<16xf32>
    %get3A_236 = arith.constant 4 : i32
    %get3A_237 = arith.index_cast %get3A_236 : i32 to index
    %get3A_238 = arith.constant 32 : index
    %get3A_239 = tpu.vector_load %arg6[%get3A_237, %get3A_238] {strides = array<i32>} : memref<8x128xf32, #tpu.memory_space<vmem>>, vector<1x16xf32>,
    %get3A_240 = vector.shape_cast %get3A_239 : vector<1x16xf32> to vector<16xf32>
    %get3A_241 = arith.constant 4 : i32
    %get3A_242 = arith.index_cast %get3A_241 : i32 to index
    %get3A_243 = arith.constant 48 : index
    %get3A_244 = tpu.vector_load %arg6[%get3A_242, %get3A_243] {strides = array<i32>} : memref<8x128xf32, #tpu.memory_space<vmem>>, vector<1x16xf32>,
    %get3A_245 = vector.shape_cast %get3A_244 : vector<1x16xf32> to vector<16xf32>
    %get3A_246 = arith.constant 4 : i32
    %get3A_247 = arith.index_cast %get3A_246 : i32 to index
    %get3A_248 = arith.constant 64 : index
    %get3A_249 = tpu.vector_load %arg6[%get3A_247, %get3A_248] {strides = array<i32>} : memref<8x128xf32, #tpu.memory_space<vmem>>, vector<1x16xf32>,
    %get3A_250 = vector.shape_cast %get3A_249 : vector<1x16xf32> to vector<16xf32>
    %get3A_251 = arith.constant 4 : i32
    %get3A_252 = arith.index_cast %get3A_251 : i32 to index
    %get3A_253 = arith.constant 80 : index
    %get3A_254 = tpu.vector_load %arg6[%get3A_252, %get3A_253] {strides = array<i32>} : memref<8x128xf32, #tpu.memory_space<vmem>>, vector<1x16xf32>,
    %get3A_255 = vector.shape_cast %get3A_254 : vector<1x16xf32> to vector<16xf32>
    %get3A_256 = arith.constant 4 : i32
    %get3A_257 = arith.index_cast %get3A_256 : i32 to index
    %get3A_258 = arith.constant 96 : index
    %get3A_259 = tpu.vector_load %arg6[%get3A_257, %get3A_258] {strides = array<i32>} : memref<8x128xf32, #tpu.memory_space<vmem>>, vector<1x16xf32>,
    %get3A_260 = vector.shape_cast %get3A_259 : vector<1x16xf32> to vector<16xf32>
    %get3A_261 = arith.constant 4 : i32
    %get3A_262 = arith.index_cast %get3A_261 : i32 to index
    %get3A_263 = arith.constant 112 : index
    %get3A_264 = tpu.vector_load %arg6[%get3A_262, %get3A_263] {strides = array<i32>} : memref<8x128xf32, #tpu.memory_space<vmem>>, vector<1x16xf32>,
    %get3A_265 = vector.shape_cast %get3A_264 : vector<1x16xf32> to vector<16xf32>
    %scan3A_266 = arith.constant 0 : i32
    %scan3A_267 = arith.constant 0 : i32
    %scan3A_268 = arith.constant 32 : i32
    %scan3A_269 = arith.addi %scan3A_267, %scan3A_268 : i32
    %scan3A_270 = arith.constant 1 : i32
    %scan3A_271 = scf.for %scan3A_832 = %scan3A_267 to %scan3A_269 step %scan3A_270 iter_args(%scan3A_833 = %scan3A_266) -> (i32)  : i32 {
      %swap3A = arith.constant 4 : i32
      %swap3A_834 = arith.index_cast %swap3A : i32 to index
      %swap3A_835 = arith.index_cast %scan3A_832 : i32 to index
      %swap3A_836 = arith.constant 128 : index
      %swap3A_837 = tpu.vector_load %arg5[%swap3A_834, %swap3A_835, %swap3A_836] {strides = array<i32>} : memref<8x32x256xf32, #tpu.memory_space<vmem>>, vector<1x1x16xf32>,
      %swap3A_838 = vector.shape_cast %swap3A_837 : vector<1x1x16xf32> to vector<16xf32>
      %swap3A_839 = vector.shape_cast %get3A_230 : vector<16xf32> to vector<1x1x16xf32>
      tpu.vector_store %arg5[%swap3A_834, %swap3A_835, %swap3A_836], %swap3A_839 {strides = array<i32>} : memref<8x32x256xf32, #tpu.memory_space<vmem>>, vector<1x1x16xf32>,
      %swap3A_840 = arith.constant 4 : i32
      %swap3A_841 = arith.index_cast %swap3A_840 : i32 to index
      %swap3A_842 = arith.index_cast %scan3A_832 : i32 to index
      %swap3A_843 = arith.constant 144 : index
      %swap3A_844 = tpu.vector_load %arg5[%swap3A_841, %swap3A_842, %swap3A_843] {strides = array<i32>} : memref<8x32x256xf32, #tpu.memory_space<vmem>>, vector<1x1x16xf32>,
      %swap3A_845 = vector.shape_cast %swap3A_844 : vector<1x1x16xf32> to vector<16xf32>
      %swap3A_846 = vector.shape_cast %get3A_235 : vector<16xf32> to vector<1x1x16xf32>
      tpu.vector_store %arg5[%swap3A_841, %swap3A_842, %swap3A_843], %swap3A_846 {strides = array<i32>} : memref<8x32x256xf32, #tpu.memory_space<vmem>>, vector<1x1x16xf32>,
      %swap3A_847 = arith.constant 4 : i32
      %swap3A_848 = arith.index_cast %swap3A_847 : i32 to index
      %swap3A_849 = arith.index_cast %scan3A_832 : i32 to index
      %swap3A_850 = arith.constant 160 : index
      %swap3A_851 = tpu.vector_load %arg5[%swap3A_848, %swap3A_849, %swap3A_850] {strides = array<i32>} : memref<8x32x256xf32, #tpu.memory_space<vmem>>, vector<1x1x16xf32>,
      %swap3A_852 = vector.shape_cast %swap3A_851 : vector<1x1x16xf32> to vector<16xf32>
      %swap3A_853 = vector.shape_cast %get3A_240 : vector<16xf32> to vector<1x1x16xf32>
      tpu.vector_store %arg5[%swap3A_848, %swap3A_849, %swap3A_850], %swap3A_853 {strides = array<i32>} : memref<8x32x256xf32, #tpu.memory_space<vmem>>, vector<1x1x16xf32>,
      %swap3A_854 = arith.constant 4 : i32
      %swap3A_855 = arith.index_cast %swap3A_854 : i32 to index
      %swap3A_856 = arith.index_cast %scan3A_832 : i32 to index
      %swap3A_857 = arith.constant 176 : index
      %swap3A_858 = tpu.vector_load %arg5[%swap3A_855, %swap3A_856, %swap3A_857] {strides = array<i32>} : memref<8x32x256xf32, #tpu.memory_space<vmem>>, vector<1x1x16xf32>,
      %swap3A_859 = vector.shape_cast %swap3A_858 : vector<1x1x16xf32> to vector<16xf32>
      %swap3A_860 = vector.shape_cast %get3A_245 : vector<16xf32> to vector<1x1x16xf32>
      tpu.vector_store %arg5[%swap3A_855, %swap3A_856, %swap3A_857], %swap3A_860 {strides = array<i32>} : memref<8x32x256xf32, #tpu.memory_space<vmem>>, vector<1x1x16xf32>,
      %swap3A_861 = arith.constant 4 : i32
      %swap3A_862 = arith.index_cast %swap3A_861 : i32 to index
      %swap3A_863 = arith.index_cast %scan3A_832 : i32 to index
      %swap3A_864 = arith.constant 192 : index
      %swap3A_865 = tpu.vector_load %arg5[%swap3A_862, %swap3A_863, %swap3A_864] {strides = array<i32>} : memref<8x32x256xf32, #tpu.memory_space<vmem>>, vector<1x1x16xf32>,
      %swap3A_866 = vector.shape_cast %swap3A_865 : vector<1x1x16xf32> to vector<16xf32>
      %swap3A_867 = vector.shape_cast %get3A_250 : vector<16xf32> to vector<1x1x16xf32>
      tpu.vector_store %arg5[%swap3A_862, %swap3A_863, %swap3A_864], %swap3A_867 {strides = array<i32>} : memref<8x32x256xf32, #tpu.memory_space<vmem>>, vector<1x1x16xf32>,
      %swap3A_868 = arith.constant 4 : i32
      %swap3A_869 = arith.index_cast %swap3A_868 : i32 to index
      %swap3A_870 = arith.index_cast %scan3A_832 : i32 to index
      %swap3A_871 = arith.constant 208 : index
      %swap3A_872 = tpu.vector_load %arg5[%swap3A_869, %swap3A_870, %swap3A_871] {strides = array<i32>} : memref<8x32x256xf32, #tpu.memory_space<vmem>>, vector<1x1x16xf32>,
      %swap3A_873 = vector.shape_cast %swap3A_872 : vector<1x1x16xf32> to vector<16xf32>
      %swap3A_874 = vector.shape_cast %get3A_255 : vector<16xf32> to vector<1x1x16xf32>
      tpu.vector_store %arg5[%swap3A_869, %swap3A_870, %swap3A_871], %swap3A_874 {strides = array<i32>} : memref<8x32x256xf32, #tpu.memory_space<vmem>>, vector<1x1x16xf32>,
      %swap3A_875 = arith.constant 4 : i32
      %swap3A_876 = arith.index_cast %swap3A_875 : i32 to index
      %swap3A_877 = arith.index_cast %scan3A_832 : i32 to index
      %swap3A_878 = arith.constant 224 : index
      %swap3A_879 = tpu.vector_load %arg5[%swap3A_876, %swap3A_877, %swap3A_878] {strides = array<i32>} : memref<8x32x256xf32, #tpu.memory_space<vmem>>, vector<1x1x16xf32>,
      %swap3A_880 = vector.shape_cast %swap3A_879 : vector<1x1x16xf32> to vector<16xf32>
      %swap3A_881 = vector.shape_cast %get3A_260 : vector<16xf32> to vector<1x1x16xf32>
      tpu.vector_store %arg5[%swap3A_876, %swap3A_877, %swap3A_878], %swap3A_881 {strides = array<i32>} : memref<8x32x256xf32, #tpu.memory_space<vmem>>, vector<1x1x16xf32>,
      %swap3A_882 = arith.constant 4 : i32
      %swap3A_883 = arith.index_cast %swap3A_882 : i32 to index
      %swap3A_884 = arith.index_cast %scan3A_832 : i32 to index
      %swap3A_885 = arith.constant 240 : index
      %swap3A_886 = tpu.vector_load %arg5[%swap3A_883, %swap3A_884, %swap3A_885] {strides = array<i32>} : memref<8x32x256xf32, #tpu.memory_space<vmem>>, vector<1x1x16xf32>,
      %swap3A_887 = vector.shape_cast %swap3A_886 : vector<1x1x16xf32> to vector<16xf32>
      %swap3A_888 = vector.shape_cast %get3A_265 : vector<16xf32> to vector<1x1x16xf32>
      tpu.vector_store %arg5[%swap3A_883, %swap3A_884, %swap3A_885], %swap3A_888 {strides = array<i32>} : memref<8x32x256xf32, #tpu.memory_space<vmem>>, vector<1x1x16xf32>,
      %scan3A_889 = arith.constant 0 : i32
      scf.yield %scan3A_889 : i32
    }
    %scan3A_272 = arith.constant 32 : i32
    %get3A_273 = arith.constant 5 : i32
    %get3A_274 = arith.index_cast %get3A_273 : i32 to index
    %get3A_275 = arith.constant 0 : index
    %get3A_276 = tpu.vector_load %arg6[%get3A_274, %get3A_275] {strides = array<i32>} : memref<8x128xf32, #tpu.memory_space<vmem>>, vector<1x16xf32>,
    %get3A_277 = vector.shape_cast %get3A_276 : vector<1x16xf32> to vector<16xf32>
    %get3A_278 = arith.constant 5 : i32
    %get3A_279 = arith.index_cast %get3A_278 : i32 to index
    %get3A_280 = arith.constant 16 : index
    %get3A_281 = tpu.vector_load %arg6[%get3A_279, %get3A_280] {strides = array<i32>} : memref<8x128xf32, #tpu.memory_space<vmem>>, vector<1x16xf32>,
    %get3A_282 = vector.shape_cast %get3A_281 : vector<1x16xf32> to vector<16xf32>
    %get3A_283 = arith.constant 5 : i32
    %get3A_284 = arith.index_cast %get3A_283 : i32 to index
    %get3A_285 = arith.constant 32 : index
    %get3A_286 = tpu.vector_load %arg6[%get3A_284, %get3A_285] {strides = array<i32>} : memref<8x128xf32, #tpu.memory_space<vmem>>, vector<1x16xf32>,
    %get3A_287 = vector.shape_cast %get3A_286 : vector<1x16xf32> to vector<16xf32>
    %get3A_288 = arith.constant 5 : i32
    %get3A_289 = arith.index_cast %get3A_288 : i32 to index
    %get3A_290 = arith.constant 48 : index
    %get3A_291 = tpu.vector_load %arg6[%get3A_289, %get3A_290] {strides = array<i32>} : memref<8x128xf32, #tpu.memory_space<vmem>>, vector<1x16xf32>,
    %get3A_292 = vector.shape_cast %get3A_291 : vector<1x16xf32> to vector<16xf32>
    %get3A_293 = arith.constant 5 : i32
    %get3A_294 = arith.index_cast %get3A_293 : i32 to index
    %get3A_295 = arith.constant 64 : index
    %get3A_296 = tpu.vector_load %arg6[%get3A_294, %get3A_295] {strides = array<i32>} : memref<8x128xf32, #tpu.memory_space<vmem>>, vector<1x16xf32>,
    %get3A_297 = vector.shape_cast %get3A_296 : vector<1x16xf32> to vector<16xf32>
    %get3A_298 = arith.constant 5 : i32
    %get3A_299 = arith.index_cast %get3A_298 : i32 to index
    %get3A_300 = arith.constant 80 : index
    %get3A_301 = tpu.vector_load %arg6[%get3A_299, %get3A_300] {strides = array<i32>} : memref<8x128xf32, #tpu.memory_space<vmem>>, vector<1x16xf32>,
    %get3A_302 = vector.shape_cast %get3A_301 : vector<1x16xf32> to vector<16xf32>
    %get3A_303 = arith.constant 5 : i32
    %get3A_304 = arith.index_cast %get3A_303 : i32 to index
    %get3A_305 = arith.constant 96 : index
    %get3A_306 = tpu.vector_load %arg6[%get3A_304, %get3A_305] {strides = array<i32>} : memref<8x128xf32, #tpu.memory_space<vmem>>, vector<1x16xf32>,
    %get3A_307 = vector.shape_cast %get3A_306 : vector<1x16xf32> to vector<16xf32>
    %get3A_308 = arith.constant 5 : i32
    %get3A_309 = arith.index_cast %get3A_308 : i32 to index
    %get3A_310 = arith.constant 112 : index
    %get3A_311 = tpu.vector_load %arg6[%get3A_309, %get3A_310] {strides = array<i32>} : memref<8x128xf32, #tpu.memory_space<vmem>>, vector<1x16xf32>,
    %get3A_312 = vector.shape_cast %get3A_311 : vector<1x16xf32> to vector<16xf32>
    %scan3A_313 = arith.constant 0 : i32
    %scan3A_314 = arith.constant 0 : i32
    %scan3A_315 = arith.constant 32 : i32
    %scan3A_316 = arith.addi %scan3A_314, %scan3A_315 : i32
    %scan3A_317 = arith.constant 1 : i32
    %scan3A_318 = scf.for %scan3A_832 = %scan3A_314 to %scan3A_316 step %scan3A_317 iter_args(%scan3A_833 = %scan3A_313) -> (i32)  : i32 {
      %swap3A = arith.constant 5 : i32
      %swap3A_834 = arith.index_cast %swap3A : i32 to index
      %swap3A_835 = arith.index_cast %scan3A_832 : i32 to index
      %swap3A_836 = arith.constant 128 : index
      %swap3A_837 = tpu.vector_load %arg5[%swap3A_834, %swap3A_835, %swap3A_836] {strides = array<i32>} : memref<8x32x256xf32, #tpu.memory_space<vmem>>, vector<1x1x16xf32>,
      %swap3A_838 = vector.shape_cast %swap3A_837 : vector<1x1x16xf32> to vector<16xf32>
      %swap3A_839 = vector.shape_cast %get3A_277 : vector<16xf32> to vector<1x1x16xf32>
      tpu.vector_store %arg5[%swap3A_834, %swap3A_835, %swap3A_836], %swap3A_839 {strides = array<i32>} : memref<8x32x256xf32, #tpu.memory_space<vmem>>, vector<1x1x16xf32>,
      %swap3A_840 = arith.constant 5 : i32
      %swap3A_841 = arith.index_cast %swap3A_840 : i32 to index
      %swap3A_842 = arith.index_cast %scan3A_832 : i32 to index
      %swap3A_843 = arith.constant 144 : index
      %swap3A_844 = tpu.vector_load %arg5[%swap3A_841, %swap3A_842, %swap3A_843] {strides = array<i32>} : memref<8x32x256xf32, #tpu.memory_space<vmem>>, vector<1x1x16xf32>,
      %swap3A_845 = vector.shape_cast %swap3A_844 : vector<1x1x16xf32> to vector<16xf32>
      %swap3A_846 = vector.shape_cast %get3A_282 : vector<16xf32> to vector<1x1x16xf32>
      tpu.vector_store %arg5[%swap3A_841, %swap3A_842, %swap3A_843], %swap3A_846 {strides = array<i32>} : memref<8x32x256xf32, #tpu.memory_space<vmem>>, vector<1x1x16xf32>,
      %swap3A_847 = arith.constant 5 : i32
      %swap3A_848 = arith.index_cast %swap3A_847 : i32 to index
      %swap3A_849 = arith.index_cast %scan3A_832 : i32 to index
      %swap3A_850 = arith.constant 160 : index
      %swap3A_851 = tpu.vector_load %arg5[%swap3A_848, %swap3A_849, %swap3A_850] {strides = array<i32>} : memref<8x32x256xf32, #tpu.memory_space<vmem>>, vector<1x1x16xf32>,
      %swap3A_852 = vector.shape_cast %swap3A_851 : vector<1x1x16xf32> to vector<16xf32>
      %swap3A_853 = vector.shape_cast %get3A_287 : vector<16xf32> to vector<1x1x16xf32>
      tpu.vector_store %arg5[%swap3A_848, %swap3A_849, %swap3A_850], %swap3A_853 {strides = array<i32>} : memref<8x32x256xf32, #tpu.memory_space<vmem>>, vector<1x1x16xf32>,
      %swap3A_854 = arith.constant 5 : i32
      %swap3A_855 = arith.index_cast %swap3A_854 : i32 to index
      %swap3A_856 = arith.index_cast %scan3A_832 : i32 to index
      %swap3A_857 = arith.constant 176 : index
      %swap3A_858 = tpu.vector_load %arg5[%swap3A_855, %swap3A_856, %swap3A_857] {strides = array<i32>} : memref<8x32x256xf32, #tpu.memory_space<vmem>>, vector<1x1x16xf32>,
      %swap3A_859 = vector.shape_cast %swap3A_858 : vector<1x1x16xf32> to vector<16xf32>
      %swap3A_860 = vector.shape_cast %get3A_292 : vector<16xf32> to vector<1x1x16xf32>
      tpu.vector_store %arg5[%swap3A_855, %swap3A_856, %swap3A_857], %swap3A_860 {strides = array<i32>} : memref<8x32x256xf32, #tpu.memory_space<vmem>>, vector<1x1x16xf32>,
      %swap3A_861 = arith.constant 5 : i32
      %swap3A_862 = arith.index_cast %swap3A_861 : i32 to index
      %swap3A_863 = arith.index_cast %scan3A_832 : i32 to index
      %swap3A_864 = arith.constant 192 : index
      %swap3A_865 = tpu.vector_load %arg5[%swap3A_862, %swap3A_863, %swap3A_864] {strides = array<i32>} : memref<8x32x256xf32, #tpu.memory_space<vmem>>, vector<1x1x16xf32>,
      %swap3A_866 = vector.shape_cast %swap3A_865 : vector<1x1x16xf32> to vector<16xf32>
      %swap3A_867 = vector.shape_cast %get3A_297 : vector<16xf32> to vector<1x1x16xf32>
      tpu.vector_store %arg5[%swap3A_862, %swap3A_863, %swap3A_864], %swap3A_867 {strides = array<i32>} : memref<8x32x256xf32, #tpu.memory_space<vmem>>, vector<1x1x16xf32>,
      %swap3A_868 = arith.constant 5 : i32
      %swap3A_869 = arith.index_cast %swap3A_868 : i32 to index
      %swap3A_870 = arith.index_cast %scan3A_832 : i32 to index
      %swap3A_871 = arith.constant 208 : index
      %swap3A_872 = tpu.vector_load %arg5[%swap3A_869, %swap3A_870, %swap3A_871] {strides = array<i32>} : memref<8x32x256xf32, #tpu.memory_space<vmem>>, vector<1x1x16xf32>,
      %swap3A_873 = vector.shape_cast %swap3A_872 : vector<1x1x16xf32> to vector<16xf32>
      %swap3A_874 = vector.shape_cast %get3A_302 : vector<16xf32> to vector<1x1x16xf32>
      tpu.vector_store %arg5[%swap3A_869, %swap3A_870, %swap3A_871], %swap3A_874 {strides = array<i32>} : memref<8x32x256xf32, #tpu.memory_space<vmem>>, vector<1x1x16xf32>,
      %swap3A_875 = arith.constant 5 : i32
      %swap3A_876 = arith.index_cast %swap3A_875 : i32 to index
      %swap3A_877 = arith.index_cast %scan3A_832 : i32 to index
      %swap3A_878 = arith.constant 224 : index
      %swap3A_879 = tpu.vector_load %arg5[%swap3A_876, %swap3A_877, %swap3A_878] {strides = array<i32>} : memref<8x32x256xf32, #tpu.memory_space<vmem>>, vector<1x1x16xf32>,
      %swap3A_880 = vector.shape_cast %swap3A_879 : vector<1x1x16xf32> to vector<16xf32>
      %swap3A_881 = vector.shape_cast %get3A_307 : vector<16xf32> to vector<1x1x16xf32>
      tpu.vector_store %arg5[%swap3A_876, %swap3A_877, %swap3A_878], %swap3A_881 {strides = array<i32>} : memref<8x32x256xf32, #tpu.memory_space<vmem>>, vector<1x1x16xf32>,
      %swap3A_882 = arith.constant 5 : i32
      %swap3A_883 = arith.index_cast %swap3A_882 : i32 to index
      %swap3A_884 = arith.index_cast %scan3A_832 : i32 to index
      %swap3A_885 = arith.constant 240 : index
      %swap3A_886 = tpu.vector_load %arg5[%swap3A_883, %swap3A_884, %swap3A_885] {strides = array<i32>} : memref<8x32x256xf32, #tpu.memory_space<vmem>>, vector<1x1x16xf32>,
      %swap3A_887 = vector.shape_cast %swap3A_886 : vector<1x1x16xf32> to vector<16xf32>
      %swap3A_888 = vector.shape_cast %get3A_312 : vector<16xf32> to vector<1x1x16xf32>
      tpu.vector_store %arg5[%swap3A_883, %swap3A_884, %swap3A_885], %swap3A_888 {strides = array<i32>} : memref<8x32x256xf32, #tpu.memory_space<vmem>>, vector<1x1x16xf32>,
      %scan3A_889 = arith.constant 0 : i32
      scf.yield %scan3A_889 : i32
    }
    %scan3A_319 = arith.constant 32 : i32
    %get3A_320 = arith.constant 6 : i32
    %get3A_321 = arith.index_cast %get3A_320 : i32 to index
    %get3A_322 = arith.constant 0 : index
    %get3A_323 = tpu.vector_load %arg6[%get3A_321, %get3A_322] {strides = array<i32>} : memref<8x128xf32, #tpu.memory_space<vmem>>, vector<1x16xf32>,
    %get3A_324 = vector.shape_cast %get3A_323 : vector<1x16xf32> to vector<16xf32>
    %get3A_325 = arith.constant 6 : i32
    %get3A_326 = arith.index_cast %get3A_325 : i32 to index
    %get3A_327 = arith.constant 16 : index
    %get3A_328 = tpu.vector_load %arg6[%get3A_326, %get3A_327] {strides = array<i32>} : memref<8x128xf32, #tpu.memory_space<vmem>>, vector<1x16xf32>,
    %get3A_329 = vector.shape_cast %get3A_328 : vector<1x16xf32> to vector<16xf32>
    %get3A_330 = arith.constant 6 : i32
    %get3A_331 = arith.index_cast %get3A_330 : i32 to index
    %get3A_332 = arith.constant 32 : index
    %get3A_333 = tpu.vector_load %arg6[%get3A_331, %get3A_332] {strides = array<i32>} : memref<8x128xf32, #tpu.memory_space<vmem>>, vector<1x16xf32>,
    %get3A_334 = vector.shape_cast %get3A_333 : vector<1x16xf32> to vector<16xf32>
    %get3A_335 = arith.constant 6 : i32
    %get3A_336 = arith.index_cast %get3A_335 : i32 to index
    %get3A_337 = arith.constant 48 : index
    %get3A_338 = tpu.vector_load %arg6[%get3A_336, %get3A_337] {strides = array<i32>} : memref<8x128xf32, #tpu.memory_space<vmem>>, vector<1x16xf32>,
    %get3A_339 = vector.shape_cast %get3A_338 : vector<1x16xf32> to vector<16xf32>
    %get3A_340 = arith.constant 6 : i32
    %get3A_341 = arith.index_cast %get3A_340 : i32 to index
    %get3A_342 = arith.constant 64 : index
    %get3A_343 = tpu.vector_load %arg6[%get3A_341, %get3A_342] {strides = array<i32>} : memref<8x128xf32, #tpu.memory_space<vmem>>, vector<1x16xf32>,
    %get3A_344 = vector.shape_cast %get3A_343 : vector<1x16xf32> to vector<16xf32>
    %get3A_345 = arith.constant 6 : i32
    %get3A_346 = arith.index_cast %get3A_345 : i32 to index
    %get3A_347 = arith.constant 80 : index
    %get3A_348 = tpu.vector_load %arg6[%get3A_346, %get3A_347] {strides = array<i32>} : memref<8x128xf32, #tpu.memory_space<vmem>>, vector<1x16xf32>,
    %get3A_349 = vector.shape_cast %get3A_348 : vector<1x16xf32> to vector<16xf32>
    %get3A_350 = arith.constant 6 : i32
    %get3A_351 = arith.index_cast %get3A_350 : i32 to index
    %get3A_352 = arith.constant 96 : index
    %get3A_353 = tpu.vector_load %arg6[%get3A_351, %get3A_352] {strides = array<i32>} : memref<8x128xf32, #tpu.memory_space<vmem>>, vector<1x16xf32>,
    %get3A_354 = vector.shape_cast %get3A_353 : vector<1x16xf32> to vector<16xf32>
    %get3A_355 = arith.constant 6 : i32
    %get3A_356 = arith.index_cast %get3A_355 : i32 to index
    %get3A_357 = arith.constant 112 : index
    %get3A_358 = tpu.vector_load %arg6[%get3A_356, %get3A_357] {strides = array<i32>} : memref<8x128xf32, #tpu.memory_space<vmem>>, vector<1x16xf32>,
    %get3A_359 = vector.shape_cast %get3A_358 : vector<1x16xf32> to vector<16xf32>
    %scan3A_360 = arith.constant 0 : i32
    %scan3A_361 = arith.constant 0 : i32
    %scan3A_362 = arith.constant 32 : i32
    %scan3A_363 = arith.addi %scan3A_361, %scan3A_362 : i32
    %scan3A_364 = arith.constant 1 : i32
    %scan3A_365 = scf.for %scan3A_832 = %scan3A_361 to %scan3A_363 step %scan3A_364 iter_args(%scan3A_833 = %scan3A_360) -> (i32)  : i32 {
      %swap3A = arith.constant 6 : i32
      %swap3A_834 = arith.index_cast %swap3A : i32 to index
      %swap3A_835 = arith.index_cast %scan3A_832 : i32 to index
      %swap3A_836 = arith.constant 128 : index
      %swap3A_837 = tpu.vector_load %arg5[%swap3A_834, %swap3A_835, %swap3A_836] {strides = array<i32>} : memref<8x32x256xf32, #tpu.memory_space<vmem>>, vector<1x1x16xf32>,
      %swap3A_838 = vector.shape_cast %swap3A_837 : vector<1x1x16xf32> to vector<16xf32>
      %swap3A_839 = vector.shape_cast %get3A_324 : vector<16xf32> to vector<1x1x16xf32>
      tpu.vector_store %arg5[%swap3A_834, %swap3A_835, %swap3A_836], %swap3A_839 {strides = array<i32>} : memref<8x32x256xf32, #tpu.memory_space<vmem>>, vector<1x1x16xf32>,
      %swap3A_840 = arith.constant 6 : i32
      %swap3A_841 = arith.index_cast %swap3A_840 : i32 to index
      %swap3A_842 = arith.index_cast %scan3A_832 : i32 to index
      %swap3A_843 = arith.constant 144 : index
      %swap3A_844 = tpu.vector_load %arg5[%swap3A_841, %swap3A_842, %swap3A_843] {strides = array<i32>} : memref<8x32x256xf32, #tpu.memory_space<vmem>>, vector<1x1x16xf32>,
      %swap3A_845 = vector.shape_cast %swap3A_844 : vector<1x1x16xf32> to vector<16xf32>
      %swap3A_846 = vector.shape_cast %get3A_329 : vector<16xf32> to vector<1x1x16xf32>
      tpu.vector_store %arg5[%swap3A_841, %swap3A_842, %swap3A_843], %swap3A_846 {strides = array<i32>} : memref<8x32x256xf32, #tpu.memory_space<vmem>>, vector<1x1x16xf32>,
      %swap3A_847 = arith.constant 6 : i32
      %swap3A_848 = arith.index_cast %swap3A_847 : i32 to index
      %swap3A_849 = arith.index_cast %scan3A_832 : i32 to index
      %swap3A_850 = arith.constant 160 : index
      %swap3A_851 = tpu.vector_load %arg5[%swap3A_848, %swap3A_849, %swap3A_850] {strides = array<i32>} : memref<8x32x256xf32, #tpu.memory_space<vmem>>, vector<1x1x16xf32>,
      %swap3A_852 = vector.shape_cast %swap3A_851 : vector<1x1x16xf32> to vector<16xf32>
      %swap3A_853 = vector.shape_cast %get3A_334 : vector<16xf32> to vector<1x1x16xf32>
      tpu.vector_store %arg5[%swap3A_848, %swap3A_849, %swap3A_850], %swap3A_853 {strides = array<i32>} : memref<8x32x256xf32, #tpu.memory_space<vmem>>, vector<1x1x16xf32>,
      %swap3A_854 = arith.constant 6 : i32
      %swap3A_855 = arith.index_cast %swap3A_854 : i32 to index
      %swap3A_856 = arith.index_cast %scan3A_832 : i32 to index
      %swap3A_857 = arith.constant 176 : index
      %swap3A_858 = tpu.vector_load %arg5[%swap3A_855, %swap3A_856, %swap3A_857] {strides = array<i32>} : memref<8x32x256xf32, #tpu.memory_space<vmem>>, vector<1x1x16xf32>,
      %swap3A_859 = vector.shape_cast %swap3A_858 : vector<1x1x16xf32> to vector<16xf32>
      %swap3A_860 = vector.shape_cast %get3A_339 : vector<16xf32> to vector<1x1x16xf32>
      tpu.vector_store %arg5[%swap3A_855, %swap3A_856, %swap3A_857], %swap3A_860 {strides = array<i32>} : memref<8x32x256xf32, #tpu.memory_space<vmem>>, vector<1x1x16xf32>,
      %swap3A_861 = arith.constant 6 : i32
      %swap3A_862 = arith.index_cast %swap3A_861 : i32 to index
      %swap3A_863 = arith.index_cast %scan3A_832 : i32 to index
      %swap3A_864 = arith.constant 192 : index
      %swap3A_865 = tpu.vector_load %arg5[%swap3A_862, %swap3A_863, %swap3A_864] {strides = array<i32>} : memref<8x32x256xf32, #tpu.memory_space<vmem>>, vector<1x1x16xf32>,
      %swap3A_866 = vector.shape_cast %swap3A_865 : vector<1x1x16xf32> to vector<16xf32>
      %swap3A_867 = vector.shape_cast %get3A_344 : vector<16xf32> to vector<1x1x16xf32>
      tpu.vector_store %arg5[%swap3A_862, %swap3A_863, %swap3A_864], %swap3A_867 {strides = array<i32>} : memref<8x32x256xf32, #tpu.memory_space<vmem>>, vector<1x1x16xf32>,
      %swap3A_868 = arith.constant 6 : i32
      %swap3A_869 = arith.index_cast %swap3A_868 : i32 to index
      %swap3A_870 = arith.index_cast %scan3A_832 : i32 to index
      %swap3A_871 = arith.constant 208 : index
      %swap3A_872 = tpu.vector_load %arg5[%swap3A_869, %swap3A_870, %swap3A_871] {strides = array<i32>} : memref<8x32x256xf32, #tpu.memory_space<vmem>>, vector<1x1x16xf32>,
      %swap3A_873 = vector.shape_cast %swap3A_872 : vector<1x1x16xf32> to vector<16xf32>
      %swap3A_874 = vector.shape_cast %get3A_349 : vector<16xf32> to vector<1x1x16xf32>
      tpu.vector_store %arg5[%swap3A_869, %swap3A_870, %swap3A_871], %swap3A_874 {strides = array<i32>} : memref<8x32x256xf32, #tpu.memory_space<vmem>>, vector<1x1x16xf32>,
      %swap3A_875 = arith.constant 6 : i32
      %swap3A_876 = arith.index_cast %swap3A_875 : i32 to index
      %swap3A_877 = arith.index_cast %scan3A_832 : i32 to index
      %swap3A_878 = arith.constant 224 : index
      %swap3A_879 = tpu.vector_load %arg5[%swap3A_876, %swap3A_877, %swap3A_878] {strides = array<i32>} : memref<8x32x256xf32, #tpu.memory_space<vmem>>, vector<1x1x16xf32>,
      %swap3A_880 = vector.shape_cast %swap3A_879 : vector<1x1x16xf32> to vector<16xf32>
      %swap3A_881 = vector.shape_cast %get3A_354 : vector<16xf32> to vector<1x1x16xf32>
      tpu.vector_store %arg5[%swap3A_876, %swap3A_877, %swap3A_878], %swap3A_881 {strides = array<i32>} : memref<8x32x256xf32, #tpu.memory_space<vmem>>, vector<1x1x16xf32>,
      %swap3A_882 = arith.constant 6 : i32
      %swap3A_883 = arith.index_cast %swap3A_882 : i32 to index
      %swap3A_884 = arith.index_cast %scan3A_832 : i32 to index
      %swap3A_885 = arith.constant 240 : index
      %swap3A_886 = tpu.vector_load %arg5[%swap3A_883, %swap3A_884, %swap3A_885] {strides = array<i32>} : memref<8x32x256xf32, #tpu.memory_space<vmem>>, vector<1x1x16xf32>,
      %swap3A_887 = vector.shape_cast %swap3A_886 : vector<1x1x16xf32> to vector<16xf32>
      %swap3A_888 = vector.shape_cast %get3A_359 : vector<16xf32> to vector<1x1x16xf32>
      tpu.vector_store %arg5[%swap3A_883, %swap3A_884, %swap3A_885], %swap3A_888 {strides = array<i32>} : memref<8x32x256xf32, #tpu.memory_space<vmem>>, vector<1x1x16xf32>,
      %scan3A_889 = arith.constant 0 : i32
      scf.yield %scan3A_889 : i32
    }
    %scan3A_366 = arith.constant 32 : i32
    %get3A_367 = arith.constant 7 : i32
    %get3A_368 = arith.index_cast %get3A_367 : i32 to index
    %get3A_369 = arith.constant 0 : index
    %get3A_370 = tpu.vector_load %arg6[%get3A_368, %get3A_369] {strides = array<i32>} : memref<8x128xf32, #tpu.memory_space<vmem>>, vector<1x16xf32>,
    %get3A_371 = vector.shape_cast %get3A_370 : vector<1x16xf32> to vector<16xf32>
    %get3A_372 = arith.constant 7 : i32
    %get3A_373 = arith.index_cast %get3A_372 : i32 to index
    %get3A_374 = arith.constant 16 : index
    %get3A_375 = tpu.vector_load %arg6[%get3A_373, %get3A_374] {strides = array<i32>} : memref<8x128xf32, #tpu.memory_space<vmem>>, vector<1x16xf32>,
    %get3A_376 = vector.shape_cast %get3A_375 : vector<1x16xf32> to vector<16xf32>
    %get3A_377 = arith.constant 7 : i32
    %get3A_378 = arith.index_cast %get3A_377 : i32 to index
    %get3A_379 = arith.constant 32 : index
    %get3A_380 = tpu.vector_load %arg6[%get3A_378, %get3A_379] {strides = array<i32>} : memref<8x128xf32, #tpu.memory_space<vmem>>, vector<1x16xf32>,
    %get3A_381 = vector.shape_cast %get3A_380 : vector<1x16xf32> to vector<16xf32>
    %get3A_382 = arith.constant 7 : i32
    %get3A_383 = arith.index_cast %get3A_382 : i32 to index
    %get3A_384 = arith.constant 48 : index
    %get3A_385 = tpu.vector_load %arg6[%get3A_383, %get3A_384] {strides = array<i32>} : memref<8x128xf32, #tpu.memory_space<vmem>>, vector<1x16xf32>,
    %get3A_386 = vector.shape_cast %get3A_385 : vector<1x16xf32> to vector<16xf32>
    %get3A_387 = arith.constant 7 : i32
    %get3A_388 = arith.index_cast %get3A_387 : i32 to index
    %get3A_389 = arith.constant 64 : index
    %get3A_390 = tpu.vector_load %arg6[%get3A_388, %get3A_389] {strides = array<i32>} : memref<8x128xf32, #tpu.memory_space<vmem>>, vector<1x16xf32>,
    %get3A_391 = vector.shape_cast %get3A_390 : vector<1x16xf32> to vector<16xf32>
    %get3A_392 = arith.constant 7 : i32
    %get3A_393 = arith.index_cast %get3A_392 : i32 to index
    %get3A_394 = arith.constant 80 : index
    %get3A_395 = tpu.vector_load %arg6[%get3A_393, %get3A_394] {strides = array<i32>} : memref<8x128xf32, #tpu.memory_space<vmem>>, vector<1x16xf32>,
    %get3A_396 = vector.shape_cast %get3A_395 : vector<1x16xf32> to vector<16xf32>
    %get3A_397 = arith.constant 7 : i32
    %get3A_398 = arith.index_cast %get3A_397 : i32 to index
    %get3A_399 = arith.constant 96 : index
    %get3A_400 = tpu.vector_load %arg6[%get3A_398, %get3A_399] {strides = array<i32>} : memref<8x128xf32, #tpu.memory_space<vmem>>, vector<1x16xf32>,
    %get3A_401 = vector.shape_cast %get3A_400 : vector<1x16xf32> to vector<16xf32>
    %get3A_402 = arith.constant 7 : i32
    %get3A_403 = arith.index_cast %get3A_402 : i32 to index
    %get3A_404 = arith.constant 112 : index
    %get3A_405 = tpu.vector_load %arg6[%get3A_403, %get3A_404] {strides = array<i32>} : memref<8x128xf32, #tpu.memory_space<vmem>>, vector<1x16xf32>,
    %get3A_406 = vector.shape_cast %get3A_405 : vector<1x16xf32> to vector<16xf32>
    %scan3A_407 = arith.constant 0 : i32
    %scan3A_408 = arith.constant 0 : i32
    %scan3A_409 = arith.constant 32 : i32
    %scan3A_410 = arith.addi %scan3A_408, %scan3A_409 : i32
    %scan3A_411 = arith.constant 1 : i32
    %scan3A_412 = scf.for %scan3A_832 = %scan3A_408 to %scan3A_410 step %scan3A_411 iter_args(%scan3A_833 = %scan3A_407) -> (i32)  : i32 {
      %swap3A = arith.constant 7 : i32
      %swap3A_834 = arith.index_cast %swap3A : i32 to index
      %swap3A_835 = arith.index_cast %scan3A_832 : i32 to index
      %swap3A_836 = arith.constant 128 : index
      %swap3A_837 = tpu.vector_load %arg5[%swap3A_834, %swap3A_835, %swap3A_836] {strides = array<i32>} : memref<8x32x256xf32, #tpu.memory_space<vmem>>, vector<1x1x16xf32>,
      %swap3A_838 = vector.shape_cast %swap3A_837 : vector<1x1x16xf32> to vector<16xf32>
      %swap3A_839 = vector.shape_cast %get3A_371 : vector<16xf32> to vector<1x1x16xf32>
      tpu.vector_store %arg5[%swap3A_834, %swap3A_835, %swap3A_836], %swap3A_839 {strides = array<i32>} : memref<8x32x256xf32, #tpu.memory_space<vmem>>, vector<1x1x16xf32>,
      %swap3A_840 = arith.constant 7 : i32
      %swap3A_841 = arith.index_cast %swap3A_840 : i32 to index
      %swap3A_842 = arith.index_cast %scan3A_832 : i32 to index
      %swap3A_843 = arith.constant 144 : index
      %swap3A_844 = tpu.vector_load %arg5[%swap3A_841, %swap3A_842, %swap3A_843] {strides = array<i32>} : memref<8x32x256xf32, #tpu.memory_space<vmem>>, vector<1x1x16xf32>,
      %swap3A_845 = vector.shape_cast %swap3A_844 : vector<1x1x16xf32> to vector<16xf32>
      %swap3A_846 = vector.shape_cast %get3A_376 : vector<16xf32> to vector<1x1x16xf32>
      tpu.vector_store %arg5[%swap3A_841, %swap3A_842, %swap3A_843], %swap3A_846 {strides = array<i32>} : memref<8x32x256xf32, #tpu.memory_space<vmem>>, vector<1x1x16xf32>,
      %swap3A_847 = arith.constant 7 : i32
      %swap3A_848 = arith.index_cast %swap3A_847 : i32 to index
      %swap3A_849 = arith.index_cast %scan3A_832 : i32 to index
      %swap3A_850 = arith.constant 160 : index
      %swap3A_851 = tpu.vector_load %arg5[%swap3A_848, %swap3A_849, %swap3A_850] {strides = array<i32>} : memref<8x32x256xf32, #tpu.memory_space<vmem>>, vector<1x1x16xf32>,
      %swap3A_852 = vector.shape_cast %swap3A_851 : vector<1x1x16xf32> to vector<16xf32>
      %swap3A_853 = vector.shape_cast %get3A_381 : vector<16xf32> to vector<1x1x16xf32>
      tpu.vector_store %arg5[%swap3A_848, %swap3A_849, %swap3A_850], %swap3A_853 {strides = array<i32>} : memref<8x32x256xf32, #tpu.memory_space<vmem>>, vector<1x1x16xf32>,
      %swap3A_854 = arith.constant 7 : i32
      %swap3A_855 = arith.index_cast %swap3A_854 : i32 to index
      %swap3A_856 = arith.index_cast %scan3A_832 : i32 to index
      %swap3A_857 = arith.constant 176 : index
      %swap3A_858 = tpu.vector_load %arg5[%swap3A_855, %swap3A_856, %swap3A_857] {strides = array<i32>} : memref<8x32x256xf32, #tpu.memory_space<vmem>>, vector<1x1x16xf32>,
      %swap3A_859 = vector.shape_cast %swap3A_858 : vector<1x1x16xf32> to vector<16xf32>
      %swap3A_860 = vector.shape_cast %get3A_386 : vector<16xf32> to vector<1x1x16xf32>
      tpu.vector_store %arg5[%swap3A_855, %swap3A_856, %swap3A_857], %swap3A_860 {strides = array<i32>} : memref<8x32x256xf32, #tpu.memory_space<vmem>>, vector<1x1x16xf32>,
      %swap3A_861 = arith.constant 7 : i32
      %swap3A_862 = arith.index_cast %swap3A_861 : i32 to index
      %swap3A_863 = arith.index_cast %scan3A_832 : i32 to index
      %swap3A_864 = arith.constant 192 : index
      %swap3A_865 = tpu.vector_load %arg5[%swap3A_862, %swap3A_863, %swap3A_864] {strides = array<i32>} : memref<8x32x256xf32, #tpu.memory_space<vmem>>, vector<1x1x16xf32>,
      %swap3A_866 = vector.shape_cast %swap3A_865 : vector<1x1x16xf32> to vector<16xf32>
      %swap3A_867 = vector.shape_cast %get3A_391 : vector<16xf32> to vector<1x1x16xf32>
      tpu.vector_store %arg5[%swap3A_862, %swap3A_863, %swap3A_864], %swap3A_867 {strides = array<i32>} : memref<8x32x256xf32, #tpu.memory_space<vmem>>, vector<1x1x16xf32>,
      %swap3A_868 = arith.constant 7 : i32
      %swap3A_869 = arith.index_cast %swap3A_868 : i32 to index
      %swap3A_870 = arith.index_cast %scan3A_832 : i32 to index
      %swap3A_871 = arith.constant 208 : index
      %swap3A_872 = tpu.vector_load %arg5[%swap3A_869, %swap3A_870, %swap3A_871] {strides = array<i32>} : memref<8x32x256xf32, #tpu.memory_space<vmem>>, vector<1x1x16xf32>,
      %swap3A_873 = vector.shape_cast %swap3A_872 : vector<1x1x16xf32> to vector<16xf32>
      %swap3A_874 = vector.shape_cast %get3A_396 : vector<16xf32> to vector<1x1x16xf32>
      tpu.vector_store %arg5[%swap3A_869, %swap3A_870, %swap3A_871], %swap3A_874 {strides = array<i32>} : memref<8x32x256xf32, #tpu.memory_space<vmem>>, vector<1x1x16xf32>,
      %swap3A_875 = arith.constant 7 : i32
      %swap3A_876 = arith.index_cast %swap3A_875 : i32 to index
      %swap3A_877 = arith.index_cast %scan3A_832 : i32 to index
      %swap3A_878 = arith.constant 224 : index
      %swap3A_879 = tpu.vector_load %arg5[%swap3A_876, %swap3A_877, %swap3A_878] {strides = array<i32>} : memref<8x32x256xf32, #tpu.memory_space<vmem>>, vector<1x1x16xf32>,
      %swap3A_880 = vector.shape_cast %swap3A_879 : vector<1x1x16xf32> to vector<16xf32>
      %swap3A_881 = vector.shape_cast %get3A_401 : vector<16xf32> to vector<1x1x16xf32>
      tpu.vector_store %arg5[%swap3A_876, %swap3A_877, %swap3A_878], %swap3A_881 {strides = array<i32>} : memref<8x32x256xf32, #tpu.memory_space<vmem>>, vector<1x1x16xf32>,
      %swap3A_882 = arith.constant 7 : i32
      %swap3A_883 = arith.index_cast %swap3A_882 : i32 to index
      %swap3A_884 = arith.index_cast %scan3A_832 : i32 to index
      %swap3A_885 = arith.constant 240 : index
      %swap3A_886 = tpu.vector_load %arg5[%swap3A_883, %swap3A_884, %swap3A_885] {strides = array<i32>} : memref<8x32x256xf32, #tpu.memory_space<vmem>>, vector<1x1x16xf32>,
      %swap3A_887 = vector.shape_cast %swap3A_886 : vector<1x1x16xf32> to vector<16xf32>
      %swap3A_888 = vector.shape_cast %get3A_406 : vector<16xf32> to vector<1x1x16xf32>
      tpu.vector_store %arg5[%swap3A_883, %swap3A_884, %swap3A_885], %swap3A_888 {strides = array<i32>} : memref<8x32x256xf32, #tpu.memory_space<vmem>>, vector<1x1x16xf32>,
      %scan3A_889 = arith.constant 0 : i32
      scf.yield %scan3A_889 : i32
    }
    %scan3A_413 = arith.constant 32 : i32
    %dma_start3A = arith.constant 0 : i32
    %dma_start3A_414 = arith.constant 0 : i32
    %dma_start3A_415 = tpu.memref_slice %arg4[%select_n3A, %mul3A_32, %dma_start3A, %dma_start3A_414] : memref<16x32x32x256xf32, #tpu.memory_space<hbm>> -> memref<1x8x32x256xf32, #tpu.memory_space<hbm>>
    %dma_start3A_416 = tpu.memref_squeeze %dma_start3A_415 : memref<1x8x32x256xf32, #tpu.memory_space<hbm>> -> memref<8x32x256xf32, #tpu.memory_space<hbm>>
    %dma_start3A_417 = arith.constant 0 : i32
    %dma_start3A_418 = arith.constant 0 : i32
    %dma_start3A_419 = tpu.memref_slice %arg4[%select_n3A, %mul3A_32, %dma_start3A_417, %dma_start3A_418] : memref<16x32x32x256xf32, #tpu.memory_space<hbm>> -> memref<1x8x32x256xf32, #tpu.memory_space<hbm>>
    %dma_start3A_420 = tpu.memref_squeeze %dma_start3A_419 : memref<1x8x32x256xf32, #tpu.memory_space<hbm>> -> memref<8x32x256xf32, #tpu.memory_space<hbm>>
    tpu.enqueue_dma source(%arg5 : memref<8x32x256xf32, #tpu.memory_space<vmem>>) target(%dma_start3A_420 : memref<8x32x256xf32, #tpu.memory_space<hbm>>) target_semaphore(%arg7 : memref<!tpu.dma_semaphore, #tpu.memory_space<semaphore_mem>>)
    %dma_wait3A = arith.constant 0 : i32
    %dma_wait3A_421 = arith.constant 0 : i32
    %dma_wait3A_422 = tpu.memref_slice %arg4[%select_n3A, %mul3A_32, %dma_wait3A, %dma_wait3A_421] : memref<16x32x32x256xf32, #tpu.memory_space<hbm>> -> memref<1x8x32x256xf32, #tpu.memory_space<hbm>>
    %dma_wait3A_423 = tpu.memref_squeeze %dma_wait3A_422 : memref<1x8x32x256xf32, #tpu.memory_space<hbm>> -> memref<8x32x256xf32, #tpu.memory_space<hbm>>
    %dma_wait3A_424 = arith.constant 0 : i32
    %dma_wait3A_425 = arith.constant 0 : i32
    %dma_wait3A_426 = tpu.memref_slice %arg4[%select_n3A, %mul3A_32, %dma_wait3A_424, %dma_wait3A_425] : memref<16x32x32x256xf32, #tpu.memory_space<hbm>> -> memref<1x8x32x256xf32, #tpu.memory_space<hbm>>
    %dma_wait3A_427 = tpu.memref_squeeze %dma_wait3A_426 : memref<1x8x32x256xf32, #tpu.memory_space<hbm>> -> memref<8x32x256xf32, #tpu.memory_space<hbm>>
    tpu.wait_dma2 semaphore(%arg7 : memref<!tpu.dma_semaphore, #tpu.memory_space<semaphore_mem>>) src(%arg5 : memref<8x32x256xf32, #tpu.memory_space<vmem>>) dst(%dma_wait3A_427 : memref<8x32x256xf32, #tpu.memory_space<hbm>>)
    %add3A_428 = arith.constant 8 : i32
    %add3A_429 = arith.addi %mul3A_32, %add3A_428 : i32
    %run_scoped3A_430 = arith.constant 0 : i32
    "tpu.region"() ({
      %run_scoped3A_832 = tpu.sem_alloc : memref<!tpu.dma_semaphore, #tpu.memory_space<semaphore_mem>>
      %dma_start3A_833 = arith.constant 0 : i32
      %dma_start3A_834 = arith.constant 0 : i32
      %dma_start3A_835 = tpu.memref_slice %arg5[%run_scoped3A_430, %dma_start3A_833, %dma_start3A_834] : memref<8x32x256xf32, #tpu.memory_space<vmem>> -> memref<1x32x128xf32, #tpu.memory_space<vmem>>
      %dma_start3A_836 = tpu.memref_squeeze %dma_start3A_835 : memref<1x32x128xf32, #tpu.memory_space<vmem>> -> memref<32x128xf32, #tpu.memory_space<vmem>>
      %dma_start3A_837 = arith.constant 0 : i32
      %dma_start3A_838 = arith.constant 0 : i32
      %dma_start3A_839 = tpu.memref_slice %arg2[%dma_start3A_837, %dma_start3A_838] : memref<50x128xf32, #tpu.memory_space<hbm>> -> memref<32x128xf32, #tpu.memory_space<hbm>>
      %dma_start3A_840 = arith.constant 0 : i32
      %dma_start3A_841 = arith.constant 0 : i32
      %dma_start3A_842 = tpu.memref_slice %arg5[%run_scoped3A_430, %dma_start3A_840, %dma_start3A_841] : memref<8x32x256xf32, #tpu.memory_space<vmem>> -> memref<1x32x128xf32, #tpu.memory_space<vmem>>
      %dma_start3A_843 = tpu.memref_squeeze %dma_start3A_842 : memref<1x32x128xf32, #tpu.memory_space<vmem>> -> memref<32x128xf32, #tpu.memory_space<vmem>>
      %dma_start3A_844 = arith.constant 0 : i32
      %dma_start3A_845 = arith.constant 0 : i32
      %dma_start3A_846 = tpu.memref_slice %arg2[%dma_start3A_844, %dma_start3A_845] : memref<50x128xf32, #tpu.memory_space<hbm>> -> memref<32x128xf32, #tpu.memory_space<hbm>>
      tpu.enqueue_dma source(%dma_start3A_846 : memref<32x128xf32, #tpu.memory_space<hbm>>) target(%dma_start3A_843 : memref<32x128xf32, #tpu.memory_space<vmem>>) target_semaphore(%run_scoped3A_832 : memref<!tpu.dma_semaphore, #tpu.memory_space<semaphore_mem>>)
      %dma_wait3A_847 = arith.constant 0 : i32
      %dma_wait3A_848 = arith.constant 0 : i32
      %dma_wait3A_849 = tpu.memref_slice %arg5[%run_scoped3A_430, %dma_wait3A_847, %dma_wait3A_848] : memref<8x32x256xf32, #tpu.memory_space<vmem>> -> memref<1x32x128xf32, #tpu.memory_space<vmem>>
      %dma_wait3A_850 = tpu.memref_squeeze %dma_wait3A_849 : memref<1x32x128xf32, #tpu.memory_space<vmem>> -> memref<32x128xf32, #tpu.memory_space<vmem>>
      %dma_wait3A_851 = arith.constant 0 : i32
      %dma_wait3A_852 = arith.constant 0 : i32
      %dma_wait3A_853 = tpu.memref_slice %arg2[%dma_wait3A_851, %dma_wait3A_852] : memref<50x128xf32, #tpu.memory_space<hbm>> -> memref<32x128xf32, #tpu.memory_space<hbm>>
      %dma_wait3A_854 = arith.constant 0 : i32
      %dma_wait3A_855 = arith.constant 0 : i32
      %dma_wait3A_856 = tpu.memref_slice %arg5[%run_scoped3A_430, %dma_wait3A_854, %dma_wait3A_855] : memref<8x32x256xf32, #tpu.memory_space<vmem>> -> memref<1x32x128xf32, #tpu.memory_space<vmem>>
      %dma_wait3A_857 = tpu.memref_squeeze %dma_wait3A_856 : memref<1x32x128xf32, #tpu.memory_space<vmem>> -> memref<32x128xf32, #tpu.memory_space<vmem>>
      %dma_wait3A_858 = arith.constant 0 : i32
      %dma_wait3A_859 = arith.constant 0 : i32
      %dma_wait3A_860 = tpu.memref_slice %arg2[%dma_wait3A_858, %dma_wait3A_859] : memref<50x128xf32, #tpu.memory_space<hbm>> -> memref<32x128xf32, #tpu.memory_space<hbm>>
      tpu.wait_dma2 semaphore(%run_scoped3A_832 : memref<!tpu.dma_semaphore, #tpu.memory_space<semaphore_mem>>) src(%dma_wait3A_860 : memref<32x128xf32, #tpu.memory_space<hbm>>) dst(%dma_wait3A_857 : memref<32x128xf32, #tpu.memory_space<vmem>>)
      tpu.yield
    }) : () -> ()
    %run_scoped3A_431 = arith.constant 1 : i32
    "tpu.region"() ({
      %run_scoped3A_832 = tpu.sem_alloc : memref<!tpu.dma_semaphore, #tpu.memory_space<semaphore_mem>>
      %dma_start3A_833 = arith.constant 0 : i32
      %dma_start3A_834 = arith.constant 0 : i32
      %dma_start3A_835 = tpu.memref_slice %arg5[%run_scoped3A_431, %dma_start3A_833, %dma_start3A_834] : memref<8x32x256xf32, #tpu.memory_space<vmem>> -> memref<1x32x128xf32, #tpu.memory_space<vmem>>
      %dma_start3A_836 = tpu.memref_squeeze %dma_start3A_835 : memref<1x32x128xf32, #tpu.memory_space<vmem>> -> memref<32x128xf32, #tpu.memory_space<vmem>>
      %dma_start3A_837 = arith.constant 0 : i32
      %dma_start3A_838 = arith.constant 0 : i32
      %dma_start3A_839 = tpu.memref_slice %arg2[%dma_start3A_837, %dma_start3A_838] : memref<50x128xf32, #tpu.memory_space<hbm>> -> memref<32x128xf32, #tpu.memory_space<hbm>>
      %dma_start3A_840 = arith.constant 0 : i32
      %dma_start3A_841 = arith.constant 0 : i32
      %dma_start3A_842 = tpu.memref_slice %arg5[%run_scoped3A_431, %dma_start3A_840, %dma_start3A_841] : memref<8x32x256xf32, #tpu.memory_space<vmem>> -> memref<1x32x128xf32, #tpu.memory_space<vmem>>
      %dma_start3A_843 = tpu.memref_squeeze %dma_start3A_842 : memref<1x32x128xf32, #tpu.memory_space<vmem>> -> memref<32x128xf32, #tpu.memory_space<vmem>>
      %dma_start3A_844 = arith.constant 0 : i32
      %dma_start3A_845 = arith.constant 0 : i32
      %dma_start3A_846 = tpu.memref_slice %arg2[%dma_start3A_844, %dma_start3A_845] : memref<50x128xf32, #tpu.memory_space<hbm>> -> memref<32x128xf32, #tpu.memory_space<hbm>>
      tpu.enqueue_dma source(%dma_start3A_846 : memref<32x128xf32, #tpu.memory_space<hbm>>) target(%dma_start3A_843 : memref<32x128xf32, #tpu.memory_space<vmem>>) target_semaphore(%run_scoped3A_832 : memref<!tpu.dma_semaphore, #tpu.memory_space<semaphore_mem>>)
      %dma_wait3A_847 = arith.constant 0 : i32
      %dma_wait3A_848 = arith.constant 0 : i32
      %dma_wait3A_849 = tpu.memref_slice %arg5[%run_scoped3A_431, %dma_wait3A_847, %dma_wait3A_848] : memref<8x32x256xf32, #tpu.memory_space<vmem>> -> memref<1x32x128xf32, #tpu.memory_space<vmem>>
      %dma_wait3A_850 = tpu.memref_squeeze %dma_wait3A_849 : memref<1x32x128xf32, #tpu.memory_space<vmem>> -> memref<32x128xf32, #tpu.memory_space<vmem>>
      %dma_wait3A_851 = arith.constant 0 : i32
      %dma_wait3A_852 = arith.constant 0 : i32
      %dma_wait3A_853 = tpu.memref_slice %arg2[%dma_wait3A_851, %dma_wait3A_852] : memref<50x128xf32, #tpu.memory_space<hbm>> -> memref<32x128xf32, #tpu.memory_space<hbm>>
      %dma_wait3A_854 = arith.constant 0 : i32
      %dma_wait3A_855 = arith.constant 0 : i32
      %dma_wait3A_856 = tpu.memref_slice %arg5[%run_scoped3A_431, %dma_wait3A_854, %dma_wait3A_855] : memref<8x32x256xf32, #tpu.memory_space<vmem>> -> memref<1x32x128xf32, #tpu.memory_space<vmem>>
      %dma_wait3A_857 = tpu.memref_squeeze %dma_wait3A_856 : memref<1x32x128xf32, #tpu.memory_space<vmem>> -> memref<32x128xf32, #tpu.memory_space<vmem>>
      %dma_wait3A_858 = arith.constant 0 : i32
      %dma_wait3A_859 = arith.constant 0 : i32
      %dma_wait3A_860 = tpu.memref_slice %arg2[%dma_wait3A_858, %dma_wait3A_859] : memref<50x128xf32, #tpu.memory_space<hbm>> -> memref<32x128xf32, #tpu.memory_space<hbm>>
      tpu.wait_dma2 semaphore(%run_scoped3A_832 : memref<!tpu.dma_semaphore, #tpu.memory_space<semaphore_mem>>) src(%dma_wait3A_860 : memref<32x128xf32, #tpu.memory_space<hbm>>) dst(%dma_wait3A_857 : memref<32x128xf32, #tpu.memory_space<vmem>>)
      tpu.yield
    }) : () -> ()
    %run_scoped3A_432 = arith.constant 2 : i32
    "tpu.region"() ({
      %run_scoped3A_832 = tpu.sem_alloc : memref<!tpu.dma_semaphore, #tpu.memory_space<semaphore_mem>>
      %dma_start3A_833 = arith.constant 0 : i32
      %dma_start3A_834 = arith.constant 0 : i32
      %dma_start3A_835 = tpu.memref_slice %arg5[%run_scoped3A_432, %dma_start3A_833, %dma_start3A_834] : memref<8x32x256xf32, #tpu.memory_space<vmem>> -> memref<1x32x128xf32, #tpu.memory_space<vmem>>
      %dma_start3A_836 = tpu.memref_squeeze %dma_start3A_835 : memref<1x32x128xf32, #tpu.memory_space<vmem>> -> memref<32x128xf32, #tpu.memory_space<vmem>>
      %dma_start3A_837 = arith.constant 0 : i32
      %dma_start3A_838 = arith.constant 0 : i32
      %dma_start3A_839 = tpu.memref_slice %arg2[%dma_start3A_837, %dma_start3A_838] : memref<50x128xf32, #tpu.memory_space<hbm>> -> memref<32x128xf32, #tpu.memory_space<hbm>>
      %dma_start3A_840 = arith.constant 0 : i32
      %dma_start3A_841 = arith.constant 0 : i32
      %dma_start3A_842 = tpu.memref_slice %arg5[%run_scoped3A_432, %dma_start3A_840, %dma_start3A_841] : memref<8x32x256xf32, #tpu.memory_space<vmem>> -> memref<1x32x128xf32, #tpu.memory_space<vmem>>
      %dma_start3A_843 = tpu.memref_squeeze %dma_start3A_842 : memref<1x32x128xf32, #tpu.memory_space<vmem>> -> memref<32x128xf32, #tpu.memory_space<vmem>>
      %dma_start3A_844 = arith.constant 0 : i32
      %dma_start3A_845 = arith.constant 0 : i32
      %dma_start3A_846 = tpu.memref_slice %arg2[%dma_start3A_844, %dma_start3A_845] : memref<50x128xf32, #tpu.memory_space<hbm>> -> memref<32x128xf32, #tpu.memory_space<hbm>>
      tpu.enqueue_dma source(%dma_start3A_846 : memref<32x128xf32, #tpu.memory_space<hbm>>) target(%dma_start3A_843 : memref<32x128xf32, #tpu.memory_space<vmem>>) target_semaphore(%run_scoped3A_832 : memref<!tpu.dma_semaphore, #tpu.memory_space<semaphore_mem>>)
      %dma_wait3A_847 = arith.constant 0 : i32
      %dma_wait3A_848 = arith.constant 0 : i32
      %dma_wait3A_849 = tpu.memref_slice %arg5[%run_scoped3A_432, %dma_wait3A_847, %dma_wait3A_848] : memref<8x32x256xf32, #tpu.memory_space<vmem>> -> memref<1x32x128xf32, #tpu.memory_space<vmem>>
      %dma_wait3A_850 = tpu.memref_squeeze %dma_wait3A_849 : memref<1x32x128xf32, #tpu.memory_space<vmem>> -> memref<32x128xf32, #tpu.memory_space<vmem>>
      %dma_wait3A_851 = arith.constant 0 : i32
      %dma_wait3A_852 = arith.constant 0 : i32
      %dma_wait3A_853 = tpu.memref_slice %arg2[%dma_wait3A_851, %dma_wait3A_852] : memref<50x128xf32, #tpu.memory_space<hbm>> -> memref<32x128xf32, #tpu.memory_space<hbm>>
      %dma_wait3A_854 = arith.constant 0 : i32
      %dma_wait3A_855 = arith.constant 0 : i32
      %dma_wait3A_856 = tpu.memref_slice %arg5[%run_scoped3A_432, %dma_wait3A_854, %dma_wait3A_855] : memref<8x32x256xf32, #tpu.memory_space<vmem>> -> memref<1x32x128xf32, #tpu.memory_space<vmem>>
      %dma_wait3A_857 = tpu.memref_squeeze %dma_wait3A_856 : memref<1x32x128xf32, #tpu.memory_space<vmem>> -> memref<32x128xf32, #tpu.memory_space<vmem>>
      %dma_wait3A_858 = arith.constant 0 : i32
      %dma_wait3A_859 = arith.constant 0 : i32
      %dma_wait3A_860 = tpu.memref_slice %arg2[%dma_wait3A_858, %dma_wait3A_859] : memref<50x128xf32, #tpu.memory_space<hbm>> -> memref<32x128xf32, #tpu.memory_space<hbm>>
      tpu.wait_dma2 semaphore(%run_scoped3A_832 : memref<!tpu.dma_semaphore, #tpu.memory_space<semaphore_mem>>) src(%dma_wait3A_860 : memref<32x128xf32, #tpu.memory_space<hbm>>) dst(%dma_wait3A_857 : memref<32x128xf32, #tpu.memory_space<vmem>>)
      tpu.yield
    }) : () -> ()
    %run_scoped3A_433 = arith.constant 3 : i32
    "tpu.region"() ({
      %run_scoped3A_832 = tpu.sem_alloc : memref<!tpu.dma_semaphore, #tpu.memory_space<semaphore_mem>>
      %dma_start3A_833 = arith.constant 0 : i32
      %dma_start3A_834 = arith.constant 0 : i32
      %dma_start3A_835 = tpu.memref_slice %arg5[%run_scoped3A_433, %dma_start3A_833, %dma_start3A_834] : memref<8x32x256xf32, #tpu.memory_space<vmem>> -> memref<1x32x128xf32, #tpu.memory_space<vmem>>
      %dma_start3A_836 = tpu.memref_squeeze %dma_start3A_835 : memref<1x32x128xf32, #tpu.memory_space<vmem>> -> memref<32x128xf32, #tpu.memory_space<vmem>>
      %dma_start3A_837 = arith.constant 0 : i32
      %dma_start3A_838 = arith.constant 0 : i32
      %dma_start3A_839 = tpu.memref_slice %arg2[%dma_start3A_837, %dma_start3A_838] : memref<50x128xf32, #tpu.memory_space<hbm>> -> memref<32x128xf32, #tpu.memory_space<hbm>>
      %dma_start3A_840 = arith.constant 0 : i32
      %dma_start3A_841 = arith.constant 0 : i32
      %dma_start3A_842 = tpu.memref_slice %arg5[%run_scoped3A_433, %dma_start3A_840, %dma_start3A_841] : memref<8x32x256xf32, #tpu.memory_space<vmem>> -> memref<1x32x128xf32, #tpu.memory_space<vmem>>
      %dma_start3A_843 = tpu.memref_squeeze %dma_start3A_842 : memref<1x32x128xf32, #tpu.memory_space<vmem>> -> memref<32x128xf32, #tpu.memory_space<vmem>>
      %dma_start3A_844 = arith.constant 0 : i32
      %dma_start3A_845 = arith.constant 0 : i32
      %dma_start3A_846 = tpu.memref_slice %arg2[%dma_start3A_844, %dma_start3A_845] : memref<50x128xf32, #tpu.memory_space<hbm>> -> memref<32x128xf32, #tpu.memory_space<hbm>>
      tpu.enqueue_dma source(%dma_start3A_846 : memref<32x128xf32, #tpu.memory_space<hbm>>) target(%dma_start3A_843 : memref<32x128xf32, #tpu.memory_space<vmem>>) target_semaphore(%run_scoped3A_832 : memref<!tpu.dma_semaphore, #tpu.memory_space<semaphore_mem>>)
      %dma_wait3A_847 = arith.constant 0 : i32
      %dma_wait3A_848 = arith.constant 0 : i32
      %dma_wait3A_849 = tpu.memref_slice %arg5[%run_scoped3A_433, %dma_wait3A_847, %dma_wait3A_848] : memref<8x32x256xf32, #tpu.memory_space<vmem>> -> memref<1x32x128xf32, #tpu.memory_space<vmem>>
      %dma_wait3A_850 = tpu.memref_squeeze %dma_wait3A_849 : memref<1x32x128xf32, #tpu.memory_space<vmem>> -> memref<32x128xf32, #tpu.memory_space<vmem>>
      %dma_wait3A_851 = arith.constant 0 : i32
      %dma_wait3A_852 = arith.constant 0 : i32
      %dma_wait3A_853 = tpu.memref_slice %arg2[%dma_wait3A_851, %dma_wait3A_852] : memref<50x128xf32, #tpu.memory_space<hbm>> -> memref<32x128xf32, #tpu.memory_space<hbm>>
      %dma_wait3A_854 = arith.constant 0 : i32
      %dma_wait3A_855 = arith.constant 0 : i32
      %dma_wait3A_856 = tpu.memref_slice %arg5[%run_scoped3A_433, %dma_wait3A_854, %dma_wait3A_855] : memref<8x32x256xf32, #tpu.memory_space<vmem>> -> memref<1x32x128xf32, #tpu.memory_space<vmem>>
      %dma_wait3A_857 = tpu.memref_squeeze %dma_wait3A_856 : memref<1x32x128xf32, #tpu.memory_space<vmem>> -> memref<32x128xf32, #tpu.memory_space<vmem>>
      %dma_wait3A_858 = arith.constant 0 : i32
      %dma_wait3A_859 = arith.constant 0 : i32
      %dma_wait3A_860 = tpu.memref_slice %arg2[%dma_wait3A_858, %dma_wait3A_859] : memref<50x128xf32, #tpu.memory_space<hbm>> -> memref<32x128xf32, #tpu.memory_space<hbm>>
      tpu.wait_dma2 semaphore(%run_scoped3A_832 : memref<!tpu.dma_semaphore, #tpu.memory_space<semaphore_mem>>) src(%dma_wait3A_860 : memref<32x128xf32, #tpu.memory_space<hbm>>) dst(%dma_wait3A_857 : memref<32x128xf32, #tpu.memory_space<vmem>>)
      tpu.yield
    }) : () -> ()
    %run_scoped3A_434 = arith.constant 4 : i32
    "tpu.region"() ({
      %run_scoped3A_832 = tpu.sem_alloc : memref<!tpu.dma_semaphore, #tpu.memory_space<semaphore_mem>>
      %dma_start3A_833 = arith.constant 0 : i32
      %dma_start3A_834 = arith.constant 0 : i32
      %dma_start3A_835 = tpu.memref_slice %arg5[%run_scoped3A_434, %dma_start3A_833, %dma_start3A_834] : memref<8x32x256xf32, #tpu.memory_space<vmem>> -> memref<1x32x128xf32, #tpu.memory_space<vmem>>
      %dma_start3A_836 = tpu.memref_squeeze %dma_start3A_835 : memref<1x32x128xf32, #tpu.memory_space<vmem>> -> memref<32x128xf32, #tpu.memory_space<vmem>>
      %dma_start3A_837 = arith.constant 0 : i32
      %dma_start3A_838 = arith.constant 0 : i32
      %dma_start3A_839 = tpu.memref_slice %arg2[%dma_start3A_837, %dma_start3A_838] : memref<50x128xf32, #tpu.memory_space<hbm>> -> memref<32x128xf32, #tpu.memory_space<hbm>>
      %dma_start3A_840 = arith.constant 0 : i32
      %dma_start3A_841 = arith.constant 0 : i32
      %dma_start3A_842 = tpu.memref_slice %arg5[%run_scoped3A_434, %dma_start3A_840, %dma_start3A_841] : memref<8x32x256xf32, #tpu.memory_space<vmem>> -> memref<1x32x128xf32, #tpu.memory_space<vmem>>
      %dma_start3A_843 = tpu.memref_squeeze %dma_start3A_842 : memref<1x32x128xf32, #tpu.memory_space<vmem>> -> memref<32x128xf32, #tpu.memory_space<vmem>>
      %dma_start3A_844 = arith.constant 0 : i32
      %dma_start3A_845 = arith.constant 0 : i32
      %dma_start3A_846 = tpu.memref_slice %arg2[%dma_start3A_844, %dma_start3A_845] : memref<50x128xf32, #tpu.memory_space<hbm>> -> memref<32x128xf32, #tpu.memory_space<hbm>>
      tpu.enqueue_dma source(%dma_start3A_846 : memref<32x128xf32, #tpu.memory_space<hbm>>) target(%dma_start3A_843 : memref<32x128xf32, #tpu.memory_space<vmem>>) target_semaphore(%run_scoped3A_832 : memref<!tpu.dma_semaphore, #tpu.memory_space<semaphore_mem>>)
      %dma_wait3A_847 = arith.constant 0 : i32
      %dma_wait3A_848 = arith.constant 0 : i32
      %dma_wait3A_849 = tpu.memref_slice %arg5[%run_scoped3A_434, %dma_wait3A_847, %dma_wait3A_848] : memref<8x32x256xf32, #tpu.memory_space<vmem>> -> memref<1x32x128xf32, #tpu.memory_space<vmem>>
      %dma_wait3A_850 = tpu.memref_squeeze %dma_wait3A_849 : memref<1x32x128xf32, #tpu.memory_space<vmem>> -> memref<32x128xf32, #tpu.memory_space<vmem>>
      %dma_wait3A_851 = arith.constant 0 : i32
      %dma_wait3A_852 = arith.constant 0 : i32
      %dma_wait3A_853 = tpu.memref_slice %arg2[%dma_wait3A_851, %dma_wait3A_852] : memref<50x128xf32, #tpu.memory_space<hbm>> -> memref<32x128xf32, #tpu.memory_space<hbm>>
      %dma_wait3A_854 = arith.constant 0 : i32
      %dma_wait3A_855 = arith.constant 0 : i32
      %dma_wait3A_856 = tpu.memref_slice %arg5[%run_scoped3A_434, %dma_wait3A_854, %dma_wait3A_855] : memref<8x32x256xf32, #tpu.memory_space<vmem>> -> memref<1x32x128xf32, #tpu.memory_space<vmem>>
      %dma_wait3A_857 = tpu.memref_squeeze %dma_wait3A_856 : memref<1x32x128xf32, #tpu.memory_space<vmem>> -> memref<32x128xf32, #tpu.memory_space<vmem>>
      %dma_wait3A_858 = arith.constant 0 : i32
      %dma_wait3A_859 = arith.constant 0 : i32
      %dma_wait3A_860 = tpu.memref_slice %arg2[%dma_wait3A_858, %dma_wait3A_859] : memref<50x128xf32, #tpu.memory_space<hbm>> -> memref<32x128xf32, #tpu.memory_space<hbm>>
      tpu.wait_dma2 semaphore(%run_scoped3A_832 : memref<!tpu.dma_semaphore, #tpu.memory_space<semaphore_mem>>) src(%dma_wait3A_860 : memref<32x128xf32, #tpu.memory_space<hbm>>) dst(%dma_wait3A_857 : memref<32x128xf32, #tpu.memory_space<vmem>>)
      tpu.yield
    }) : () -> ()
    %run_scoped3A_435 = arith.constant 5 : i32
    "tpu.region"() ({
      %run_scoped3A_832 = tpu.sem_alloc : memref<!tpu.dma_semaphore, #tpu.memory_space<semaphore_mem>>
      %dma_start3A_833 = arith.constant 0 : i32
      %dma_start3A_834 = arith.constant 0 : i32
      %dma_start3A_835 = tpu.memref_slice %arg5[%run_scoped3A_435, %dma_start3A_833, %dma_start3A_834] : memref<8x32x256xf32, #tpu.memory_space<vmem>> -> memref<1x32x128xf32, #tpu.memory_space<vmem>>
      %dma_start3A_836 = tpu.memref_squeeze %dma_start3A_835 : memref<1x32x128xf32, #tpu.memory_space<vmem>> -> memref<32x128xf32, #tpu.memory_space<vmem>>
      %dma_start3A_837 = arith.constant 0 : i32
      %dma_start3A_838 = arith.constant 0 : i32
      %dma_start3A_839 = tpu.memref_slice %arg2[%dma_start3A_837, %dma_start3A_838] : memref<50x128xf32, #tpu.memory_space<hbm>> -> memref<32x128xf32, #tpu.memory_space<hbm>>
      %dma_start3A_840 = arith.constant 0 : i32
      %dma_start3A_841 = arith.constant 0 : i32
      %dma_start3A_842 = tpu.memref_slice %arg5[%run_scoped3A_435, %dma_start3A_840, %dma_start3A_841] : memref<8x32x256xf32, #tpu.memory_space<vmem>> -> memref<1x32x128xf32, #tpu.memory_space<vmem>>
      %dma_start3A_843 = tpu.memref_squeeze %dma_start3A_842 : memref<1x32x128xf32, #tpu.memory_space<vmem>> -> memref<32x128xf32, #tpu.memory_space<vmem>>
      %dma_start3A_844 = arith.constant 0 : i32
      %dma_start3A_845 = arith.constant 0 : i32
      %dma_start3A_846 = tpu.memref_slice %arg2[%dma_start3A_844, %dma_start3A_845] : memref<50x128xf32, #tpu.memory_space<hbm>> -> memref<32x128xf32, #tpu.memory_space<hbm>>
      tpu.enqueue_dma source(%dma_start3A_846 : memref<32x128xf32, #tpu.memory_space<hbm>>) target(%dma_start3A_843 : memref<32x128xf32, #tpu.memory_space<vmem>>) target_semaphore(%run_scoped3A_832 : memref<!tpu.dma_semaphore, #tpu.memory_space<semaphore_mem>>)
      %dma_wait3A_847 = arith.constant 0 : i32
      %dma_wait3A_848 = arith.constant 0 : i32
      %dma_wait3A_849 = tpu.memref_slice %arg5[%run_scoped3A_435, %dma_wait3A_847, %dma_wait3A_848] : memref<8x32x256xf32, #tpu.memory_space<vmem>> -> memref<1x32x128xf32, #tpu.memory_space<vmem>>
      %dma_wait3A_850 = tpu.memref_squeeze %dma_wait3A_849 : memref<1x32x128xf32, #tpu.memory_space<vmem>> -> memref<32x128xf32, #tpu.memory_space<vmem>>
      %dma_wait3A_851 = arith.constant 0 : i32
      %dma_wait3A_852 = arith.constant 0 : i32
      %dma_wait3A_853 = tpu.memref_slice %arg2[%dma_wait3A_851, %dma_wait3A_852] : memref<50x128xf32, #tpu.memory_space<hbm>> -> memref<32x128xf32, #tpu.memory_space<hbm>>
      %dma_wait3A_854 = arith.constant 0 : i32
      %dma_wait3A_855 = arith.constant 0 : i32
      %dma_wait3A_856 = tpu.memref_slice %arg5[%run_scoped3A_435, %dma_wait3A_854, %dma_wait3A_855] : memref<8x32x256xf32, #tpu.memory_space<vmem>> -> memref<1x32x128xf32, #tpu.memory_space<vmem>>
      %dma_wait3A_857 = tpu.memref_squeeze %dma_wait3A_856 : memref<1x32x128xf32, #tpu.memory_space<vmem>> -> memref<32x128xf32, #tpu.memory_space<vmem>>
      %dma_wait3A_858 = arith.constant 0 : i32
      %dma_wait3A_859 = arith.constant 0 : i32
      %dma_wait3A_860 = tpu.memref_slice %arg2[%dma_wait3A_858, %dma_wait3A_859] : memref<50x128xf32, #tpu.memory_space<hbm>> -> memref<32x128xf32, #tpu.memory_space<hbm>>
      tpu.wait_dma2 semaphore(%run_scoped3A_832 : memref<!tpu.dma_semaphore, #tpu.memory_space<semaphore_mem>>) src(%dma_wait3A_860 : memref<32x128xf32, #tpu.memory_space<hbm>>) dst(%dma_wait3A_857 : memref<32x128xf32, #tpu.memory_space<vmem>>)
      tpu.yield
    }) : () -> ()
    %run_scoped3A_436 = arith.constant 6 : i32
    "tpu.region"() ({
      %run_scoped3A_832 = tpu.sem_alloc : memref<!tpu.dma_semaphore, #tpu.memory_space<semaphore_mem>>
      %dma_start3A_833 = arith.constant 0 : i32
      %dma_start3A_834 = arith.constant 0 : i32
      %dma_start3A_835 = tpu.memref_slice %arg5[%run_scoped3A_436, %dma_start3A_833, %dma_start3A_834] : memref<8x32x256xf32, #tpu.memory_space<vmem>> -> memref<1x32x128xf32, #tpu.memory_space<vmem>>
      %dma_start3A_836 = tpu.memref_squeeze %dma_start3A_835 : memref<1x32x128xf32, #tpu.memory_space<vmem>> -> memref<32x128xf32, #tpu.memory_space<vmem>>
      %dma_start3A_837 = arith.constant 0 : i32
      %dma_start3A_838 = arith.constant 0 : i32
      %dma_start3A_839 = tpu.memref_slice %arg2[%dma_start3A_837, %dma_start3A_838] : memref<50x128xf32, #tpu.memory_space<hbm>> -> memref<32x128xf32, #tpu.memory_space<hbm>>
      %dma_start3A_840 = arith.constant 0 : i32
      %dma_start3A_841 = arith.constant 0 : i32
      %dma_start3A_842 = tpu.memref_slice %arg5[%run_scoped3A_436, %dma_start3A_840, %dma_start3A_841] : memref<8x32x256xf32, #tpu.memory_space<vmem>> -> memref<1x32x128xf32, #tpu.memory_space<vmem>>
      %dma_start3A_843 = tpu.memref_squeeze %dma_start3A_842 : memref<1x32x128xf32, #tpu.memory_space<vmem>> -> memref<32x128xf32, #tpu.memory_space<vmem>>
      %dma_start3A_844 = arith.constant 0 : i32
      %dma_start3A_845 = arith.constant 0 : i32
      %dma_start3A_846 = tpu.memref_slice %arg2[%dma_start3A_844, %dma_start3A_845] : memref<50x128xf32, #tpu.memory_space<hbm>> -> memref<32x128xf32, #tpu.memory_space<hbm>>
      tpu.enqueue_dma source(%dma_start3A_846 : memref<32x128xf32, #tpu.memory_space<hbm>>) target(%dma_start3A_843 : memref<32x128xf32, #tpu.memory_space<vmem>>) target_semaphore(%run_scoped3A_832 : memref<!tpu.dma_semaphore, #tpu.memory_space<semaphore_mem>>)
      %dma_wait3A_847 = arith.constant 0 : i32
      %dma_wait3A_848 = arith.constant 0 : i32
      %dma_wait3A_849 = tpu.memref_slice %arg5[%run_scoped3A_436, %dma_wait3A_847, %dma_wait3A_848] : memref<8x32x256xf32, #tpu.memory_space<vmem>> -> memref<1x32x128xf32, #tpu.memory_space<vmem>>
      %dma_wait3A_850 = tpu.memref_squeeze %dma_wait3A_849 : memref<1x32x128xf32, #tpu.memory_space<vmem>> -> memref<32x128xf32, #tpu.memory_space<vmem>>
      %dma_wait3A_851 = arith.constant 0 : i32
      %dma_wait3A_852 = arith.constant 0 : i32
      %dma_wait3A_853 = tpu.memref_slice %arg2[%dma_wait3A_851, %dma_wait3A_852] : memref<50x128xf32, #tpu.memory_space<hbm>> -> memref<32x128xf32, #tpu.memory_space<hbm>>
      %dma_wait3A_854 = arith.constant 0 : i32
      %dma_wait3A_855 = arith.constant 0 : i32
      %dma_wait3A_856 = tpu.memref_slice %arg5[%run_scoped3A_436, %dma_wait3A_854, %dma_wait3A_855] : memref<8x32x256xf32, #tpu.memory_space<vmem>> -> memref<1x32x128xf32, #tpu.memory_space<vmem>>
      %dma_wait3A_857 = tpu.memref_squeeze %dma_wait3A_856 : memref<1x32x128xf32, #tpu.memory_space<vmem>> -> memref<32x128xf32, #tpu.memory_space<vmem>>
      %dma_wait3A_858 = arith.constant 0 : i32
      %dma_wait3A_859 = arith.constant 0 : i32
      %dma_wait3A_860 = tpu.memref_slice %arg2[%dma_wait3A_858, %dma_wait3A_859] : memref<50x128xf32, #tpu.memory_space<hbm>> -> memref<32x128xf32, #tpu.memory_space<hbm>>
      tpu.wait_dma2 semaphore(%run_scoped3A_832 : memref<!tpu.dma_semaphore, #tpu.memory_space<semaphore_mem>>) src(%dma_wait3A_860 : memref<32x128xf32, #tpu.memory_space<hbm>>) dst(%dma_wait3A_857 : memref<32x128xf32, #tpu.memory_space<vmem>>)
      tpu.yield
    }) : () -> ()
    %run_scoped3A_437 = arith.constant 7 : i32
    "tpu.region"() ({
      %run_scoped3A_832 = tpu.sem_alloc : memref<!tpu.dma_semaphore, #tpu.memory_space<semaphore_mem>>
      %dma_start3A_833 = arith.constant 0 : i32
      %dma_start3A_834 = arith.constant 0 : i32
      %dma_start3A_835 = tpu.memref_slice %arg5[%run_scoped3A_437, %dma_start3A_833, %dma_start3A_834] : memref<8x32x256xf32, #tpu.memory_space<vmem>> -> memref<1x32x128xf32, #tpu.memory_space<vmem>>
      %dma_start3A_836 = tpu.memref_squeeze %dma_start3A_835 : memref<1x32x128xf32, #tpu.memory_space<vmem>> -> memref<32x128xf32, #tpu.memory_space<vmem>>
      %dma_start3A_837 = arith.constant 0 : i32
      %dma_start3A_838 = arith.constant 0 : i32
      %dma_start3A_839 = tpu.memref_slice %arg2[%dma_start3A_837, %dma_start3A_838] : memref<50x128xf32, #tpu.memory_space<hbm>> -> memref<32x128xf32, #tpu.memory_space<hbm>>
      %dma_start3A_840 = arith.constant 0 : i32
      %dma_start3A_841 = arith.constant 0 : i32
      %dma_start3A_842 = tpu.memref_slice %arg5[%run_scoped3A_437, %dma_start3A_840, %dma_start3A_841] : memref<8x32x256xf32, #tpu.memory_space<vmem>> -> memref<1x32x128xf32, #tpu.memory_space<vmem>>
      %dma_start3A_843 = tpu.memref_squeeze %dma_start3A_842 : memref<1x32x128xf32, #tpu.memory_space<vmem>> -> memref<32x128xf32, #tpu.memory_space<vmem>>
      %dma_start3A_844 = arith.constant 0 : i32
      %dma_start3A_845 = arith.constant 0 : i32
      %dma_start3A_846 = tpu.memref_slice %arg2[%dma_start3A_844, %dma_start3A_845] : memref<50x128xf32, #tpu.memory_space<hbm>> -> memref<32x128xf32, #tpu.memory_space<hbm>>
      tpu.enqueue_dma source(%dma_start3A_846 : memref<32x128xf32, #tpu.memory_space<hbm>>) target(%dma_start3A_843 : memref<32x128xf32, #tpu.memory_space<vmem>>) target_semaphore(%run_scoped3A_832 : memref<!tpu.dma_semaphore, #tpu.memory_space<semaphore_mem>>)
      %dma_wait3A_847 = arith.constant 0 : i32
      %dma_wait3A_848 = arith.constant 0 : i32
      %dma_wait3A_849 = tpu.memref_slice %arg5[%run_scoped3A_437, %dma_wait3A_847, %dma_wait3A_848] : memref<8x32x256xf32, #tpu.memory_space<vmem>> -> memref<1x32x128xf32, #tpu.memory_space<vmem>>
      %dma_wait3A_850 = tpu.memref_squeeze %dma_wait3A_849 : memref<1x32x128xf32, #tpu.memory_space<vmem>> -> memref<32x128xf32, #tpu.memory_space<vmem>>
      %dma_wait3A_851 = arith.constant 0 : i32
      %dma_wait3A_852 = arith.constant 0 : i32
      %dma_wait3A_853 = tpu.memref_slice %arg2[%dma_wait3A_851, %dma_wait3A_852] : memref<50x128xf32, #tpu.memory_space<hbm>> -> memref<32x128xf32, #tpu.memory_space<hbm>>
      %dma_wait3A_854 = arith.constant 0 : i32
      %dma_wait3A_855 = arith.constant 0 : i32
      %dma_wait3A_856 = tpu.memref_slice %arg5[%run_scoped3A_437, %dma_wait3A_854, %dma_wait3A_855] : memref<8x32x256xf32, #tpu.memory_space<vmem>> -> memref<1x32x128xf32, #tpu.memory_space<vmem>>
      %dma_wait3A_857 = tpu.memref_squeeze %dma_wait3A_856 : memref<1x32x128xf32, #tpu.memory_space<vmem>> -> memref<32x128xf32, #tpu.memory_space<vmem>>
      %dma_wait3A_858 = arith.constant 0 : i32
      %dma_wait3A_859 = arith.constant 0 : i32
      %dma_wait3A_860 = tpu.memref_slice %arg2[%dma_wait3A_858, %dma_wait3A_859] : memref<50x128xf32, #tpu.memory_space<hbm>> -> memref<32x128xf32, #tpu.memory_space<hbm>>
      tpu.wait_dma2 semaphore(%run_scoped3A_832 : memref<!tpu.dma_semaphore, #tpu.memory_space<semaphore_mem>>) src(%dma_wait3A_860 : memref<32x128xf32, #tpu.memory_space<hbm>>) dst(%dma_wait3A_857 : memref<32x128xf32, #tpu.memory_space<vmem>>)
      tpu.yield
    }) : () -> ()
    "tpu.region"() ({
      %run_scoped3A_832 = tpu.sem_alloc : memref<!tpu.dma_semaphore, #tpu.memory_space<semaphore_mem>>
      %dma_start3A_833 = arith.constant 0 : i32
      %dma_start3A_834 = tpu.memref_slice %arg3[%add3A_429, %dma_start3A_833] : memref<50x128xf32, #tpu.memory_space<hbm>> -> memref<8x128xf32, #tpu.memory_space<hbm>>
      %dma_start3A_835 = arith.constant 0 : i32
      %dma_start3A_836 = tpu.memref_slice %arg3[%add3A_429, %dma_start3A_835] : memref<50x128xf32, #tpu.memory_space<hbm>> -> memref<8x128xf32, #tpu.memory_space<hbm>>
      tpu.enqueue_dma source(%dma_start3A_836 : memref<8x128xf32, #tpu.memory_space<hbm>>) target(%arg6 : memref<8x128xf32, #tpu.memory_space<vmem>>) target_semaphore(%run_scoped3A_832 : memref<!tpu.dma_semaphore, #tpu.memory_space<semaphore_mem>>)
      %dma_wait3A_837 = arith.constant 0 : i32
      %dma_wait3A_838 = tpu.memref_slice %arg3[%add3A_429, %dma_wait3A_837] : memref<50x128xf32, #tpu.memory_space<hbm>> -> memref<8x128xf32, #tpu.memory_space<hbm>>
      %dma_wait3A_839 = arith.constant 0 : i32
      %dma_wait3A_840 = tpu.memref_slice %arg3[%add3A_429, %dma_wait3A_839] : memref<50x128xf32, #tpu.memory_space<hbm>> -> memref<8x128xf32, #tpu.memory_space<hbm>>
      tpu.wait_dma2 semaphore(%run_scoped3A_832 : memref<!tpu.dma_semaphore, #tpu.memory_space<semaphore_mem>>) src(%dma_wait3A_840 : memref<8x128xf32, #tpu.memory_space<hbm>>) dst(%arg6 : memref<8x128xf32, #tpu.memory_space<vmem>>)
      tpu.yield
    }) : () -> ()
    %get3A_438 = arith.constant 0 : i32
    %get3A_439 = arith.index_cast %get3A_438 : i32 to index
    %get3A_440 = arith.constant 0 : index
    %get3A_441 = tpu.vector_load %arg6[%get3A_439, %get3A_440] {strides = array<i32>} : memref<8x128xf32, #tpu.memory_space<vmem>>, vector<1x16xf32>,
    %get3A_442 = vector.shape_cast %get3A_441 : vector<1x16xf32> to vector<16xf32>
    %get3A_443 = arith.constant 0 : i32
    %get3A_444 = arith.index_cast %get3A_443 : i32 to index
    %get3A_445 = arith.constant 16 : index
    %get3A_446 = tpu.vector_load %arg6[%get3A_444, %get3A_445] {strides = array<i32>} : memref<8x128xf32, #tpu.memory_space<vmem>>, vector<1x16xf32>,
    %get3A_447 = vector.shape_cast %get3A_446 : vector<1x16xf32> to vector<16xf32>
    %get3A_448 = arith.constant 0 : i32
    %get3A_449 = arith.index_cast %get3A_448 : i32 to index
    %get3A_450 = arith.constant 32 : index
    %get3A_451 = tpu.vector_load %arg6[%get3A_449, %get3A_450] {strides = array<i32>} : memref<8x128xf32, #tpu.memory_space<vmem>>, vector<1x16xf32>,
    %get3A_452 = vector.shape_cast %get3A_451 : vector<1x16xf32> to vector<16xf32>
    %get3A_453 = arith.constant 0 : i32
    %get3A_454 = arith.index_cast %get3A_453 : i32 to index
    %get3A_455 = arith.constant 48 : index
    %get3A_456 = tpu.vector_load %arg6[%get3A_454, %get3A_455] {strides = array<i32>} : memref<8x128xf32, #tpu.memory_space<vmem>>, vector<1x16xf32>,
    %get3A_457 = vector.shape_cast %get3A_456 : vector<1x16xf32> to vector<16xf32>
    %get3A_458 = arith.constant 0 : i32
    %get3A_459 = arith.index_cast %get3A_458 : i32 to index
    %get3A_460 = arith.constant 64 : index
    %get3A_461 = tpu.vector_load %arg6[%get3A_459, %get3A_460] {strides = array<i32>} : memref<8x128xf32, #tpu.memory_space<vmem>>, vector<1x16xf32>,
    %get3A_462 = vector.shape_cast %get3A_461 : vector<1x16xf32> to vector<16xf32>
    %get3A_463 = arith.constant 0 : i32
    %get3A_464 = arith.index_cast %get3A_463 : i32 to index
    %get3A_465 = arith.constant 80 : index
    %get3A_466 = tpu.vector_load %arg6[%get3A_464, %get3A_465] {strides = array<i32>} : memref<8x128xf32, #tpu.memory_space<vmem>>, vector<1x16xf32>,
    %get3A_467 = vector.shape_cast %get3A_466 : vector<1x16xf32> to vector<16xf32>
    %get3A_468 = arith.constant 0 : i32
    %get3A_469 = arith.index_cast %get3A_468 : i32 to index
    %get3A_470 = arith.constant 96 : index
    %get3A_471 = tpu.vector_load %arg6[%get3A_469, %get3A_470] {strides = array<i32>} : memref<8x128xf32, #tpu.memory_space<vmem>>, vector<1x16xf32>,
    %get3A_472 = vector.shape_cast %get3A_471 : vector<1x16xf32> to vector<16xf32>
    %get3A_473 = arith.constant 0 : i32
    %get3A_474 = arith.index_cast %get3A_473 : i32 to index
    %get3A_475 = arith.constant 112 : index
    %get3A_476 = tpu.vector_load %arg6[%get3A_474, %get3A_475] {strides = array<i32>} : memref<8x128xf32, #tpu.memory_space<vmem>>, vector<1x16xf32>,
    %get3A_477 = vector.shape_cast %get3A_476 : vector<1x16xf32> to vector<16xf32>
    %scan3A_478 = arith.constant 0 : i32
    %scan3A_479 = arith.constant 0 : i32
    %scan3A_480 = arith.constant 32 : i32
    %scan3A_481 = arith.addi %scan3A_479, %scan3A_480 : i32
    %scan3A_482 = arith.constant 1 : i32
    %scan3A_483 = scf.for %scan3A_832 = %scan3A_479 to %scan3A_481 step %scan3A_482 iter_args(%scan3A_833 = %scan3A_478) -> (i32)  : i32 {
      %swap3A = arith.constant 0 : i32
      %swap3A_834 = arith.index_cast %swap3A : i32 to index
      %swap3A_835 = arith.index_cast %scan3A_832 : i32 to index
      %swap3A_836 = arith.constant 128 : index
      %swap3A_837 = tpu.vector_load %arg5[%swap3A_834, %swap3A_835, %swap3A_836] {strides = array<i32>} : memref<8x32x256xf32, #tpu.memory_space<vmem>>, vector<1x1x16xf32>,
      %swap3A_838 = vector.shape_cast %swap3A_837 : vector<1x1x16xf32> to vector<16xf32>
      %swap3A_839 = vector.shape_cast %get3A_442 : vector<16xf32> to vector<1x1x16xf32>
      tpu.vector_store %arg5[%swap3A_834, %swap3A_835, %swap3A_836], %swap3A_839 {strides = array<i32>} : memref<8x32x256xf32, #tpu.memory_space<vmem>>, vector<1x1x16xf32>,
      %swap3A_840 = arith.constant 0 : i32
      %swap3A_841 = arith.index_cast %swap3A_840 : i32 to index
      %swap3A_842 = arith.index_cast %scan3A_832 : i32 to index
      %swap3A_843 = arith.constant 144 : index
      %swap3A_844 = tpu.vector_load %arg5[%swap3A_841, %swap3A_842, %swap3A_843] {strides = array<i32>} : memref<8x32x256xf32, #tpu.memory_space<vmem>>, vector<1x1x16xf32>,
      %swap3A_845 = vector.shape_cast %swap3A_844 : vector<1x1x16xf32> to vector<16xf32>
      %swap3A_846 = vector.shape_cast %get3A_447 : vector<16xf32> to vector<1x1x16xf32>
      tpu.vector_store %arg5[%swap3A_841, %swap3A_842, %swap3A_843], %swap3A_846 {strides = array<i32>} : memref<8x32x256xf32, #tpu.memory_space<vmem>>, vector<1x1x16xf32>,
      %swap3A_847 = arith.constant 0 : i32
      %swap3A_848 = arith.index_cast %swap3A_847 : i32 to index
      %swap3A_849 = arith.index_cast %scan3A_832 : i32 to index
      %swap3A_850 = arith.constant 160 : index
      %swap3A_851 = tpu.vector_load %arg5[%swap3A_848, %swap3A_849, %swap3A_850] {strides = array<i32>} : memref<8x32x256xf32, #tpu.memory_space<vmem>>, vector<1x1x16xf32>,
      %swap3A_852 = vector.shape_cast %swap3A_851 : vector<1x1x16xf32> to vector<16xf32>
      %swap3A_853 = vector.shape_cast %get3A_452 : vector<16xf32> to vector<1x1x16xf32>
      tpu.vector_store %arg5[%swap3A_848, %swap3A_849, %swap3A_850], %swap3A_853 {strides = array<i32>} : memref<8x32x256xf32, #tpu.memory_space<vmem>>, vector<1x1x16xf32>,
      %swap3A_854 = arith.constant 0 : i32
      %swap3A_855 = arith.index_cast %swap3A_854 : i32 to index
      %swap3A_856 = arith.index_cast %scan3A_832 : i32 to index
      %swap3A_857 = arith.constant 176 : index
      %swap3A_858 = tpu.vector_load %arg5[%swap3A_855, %swap3A_856, %swap3A_857] {strides = array<i32>} : memref<8x32x256xf32, #tpu.memory_space<vmem>>, vector<1x1x16xf32>,
      %swap3A_859 = vector.shape_cast %swap3A_858 : vector<1x1x16xf32> to vector<16xf32>
      %swap3A_860 = vector.shape_cast %get3A_457 : vector<16xf32> to vector<1x1x16xf32>
      tpu.vector_store %arg5[%swap3A_855, %swap3A_856, %swap3A_857], %swap3A_860 {strides = array<i32>} : memref<8x32x256xf32, #tpu.memory_space<vmem>>, vector<1x1x16xf32>,
      %swap3A_861 = arith.constant 0 : i32
      %swap3A_862 = arith.index_cast %swap3A_861 : i32 to index
      %swap3A_863 = arith.index_cast %scan3A_832 : i32 to index
      %swap3A_864 = arith.constant 192 : index
      %swap3A_865 = tpu.vector_load %arg5[%swap3A_862, %swap3A_863, %swap3A_864] {strides = array<i32>} : memref<8x32x256xf32, #tpu.memory_space<vmem>>, vector<1x1x16xf32>,
      %swap3A_866 = vector.shape_cast %swap3A_865 : vector<1x1x16xf32> to vector<16xf32>
      %swap3A_867 = vector.shape_cast %get3A_462 : vector<16xf32> to vector<1x1x16xf32>
      tpu.vector_store %arg5[%swap3A_862, %swap3A_863, %swap3A_864], %swap3A_867 {strides = array<i32>} : memref<8x32x256xf32, #tpu.memory_space<vmem>>, vector<1x1x16xf32>,
      %swap3A_868 = arith.constant 0 : i32
      %swap3A_869 = arith.index_cast %swap3A_868 : i32 to index
      %swap3A_870 = arith.index_cast %scan3A_832 : i32 to index
      %swap3A_871 = arith.constant 208 : index
      %swap3A_872 = tpu.vector_load %arg5[%swap3A_869, %swap3A_870, %swap3A_871] {strides = array<i32>} : memref<8x32x256xf32, #tpu.memory_space<vmem>>, vector<1x1x16xf32>,
      %swap3A_873 = vector.shape_cast %swap3A_872 : vector<1x1x16xf32> to vector<16xf32>
      %swap3A_874 = vector.shape_cast %get3A_467 : vector<16xf32> to vector<1x1x16xf32>
      tpu.vector_store %arg5[%swap3A_869, %swap3A_870, %swap3A_871], %swap3A_874 {strides = array<i32>} : memref<8x32x256xf32, #tpu.memory_space<vmem>>, vector<1x1x16xf32>,
      %swap3A_875 = arith.constant 0 : i32
      %swap3A_876 = arith.index_cast %swap3A_875 : i32 to index
      %swap3A_877 = arith.index_cast %scan3A_832 : i32 to index
      %swap3A_878 = arith.constant 224 : index
      %swap3A_879 = tpu.vector_load %arg5[%swap3A_876, %swap3A_877, %swap3A_878] {strides = array<i32>} : memref<8x32x256xf32, #tpu.memory_space<vmem>>, vector<1x1x16xf32>,
      %swap3A_880 = vector.shape_cast %swap3A_879 : vector<1x1x16xf32> to vector<16xf32>
      %swap3A_881 = vector.shape_cast %get3A_472 : vector<16xf32> to vector<1x1x16xf32>
      tpu.vector_store %arg5[%swap3A_876, %swap3A_877, %swap3A_878], %swap3A_881 {strides = array<i32>} : memref<8x32x256xf32, #tpu.memory_space<vmem>>, vector<1x1x16xf32>,
      %swap3A_882 = arith.constant 0 : i32
      %swap3A_883 = arith.index_cast %swap3A_882 : i32 to index
      %swap3A_884 = arith.index_cast %scan3A_832 : i32 to index
      %swap3A_885 = arith.constant 240 : index
      %swap3A_886 = tpu.vector_load %arg5[%swap3A_883, %swap3A_884, %swap3A_885] {strides = array<i32>} : memref<8x32x256xf32, #tpu.memory_space<vmem>>, vector<1x1x16xf32>,
      %swap3A_887 = vector.shape_cast %swap3A_886 : vector<1x1x16xf32> to vector<16xf32>
      %swap3A_888 = vector.shape_cast %get3A_477 : vector<16xf32> to vector<1x1x16xf32>
      tpu.vector_store %arg5[%swap3A_883, %swap3A_884, %swap3A_885], %swap3A_888 {strides = array<i32>} : memref<8x32x256xf32, #tpu.memory_space<vmem>>, vector<1x1x16xf32>,
      %scan3A_889 = arith.constant 0 : i32
      scf.yield %scan3A_889 : i32
    }
    %scan3A_484 = arith.constant 32 : i32
    %get3A_485 = arith.constant 1 : i32
    %get3A_486 = arith.index_cast %get3A_485 : i32 to index
    %get3A_487 = arith.constant 0 : index
    %get3A_488 = tpu.vector_load %arg6[%get3A_486, %get3A_487] {strides = array<i32>} : memref<8x128xf32, #tpu.memory_space<vmem>>, vector<1x16xf32>,
    %get3A_489 = vector.shape_cast %get3A_488 : vector<1x16xf32> to vector<16xf32>
    %get3A_490 = arith.constant 1 : i32
    %get3A_491 = arith.index_cast %get3A_490 : i32 to index
    %get3A_492 = arith.constant 16 : index
    %get3A_493 = tpu.vector_load %arg6[%get3A_491, %get3A_492] {strides = array<i32>} : memref<8x128xf32, #tpu.memory_space<vmem>>, vector<1x16xf32>,
    %get3A_494 = vector.shape_cast %get3A_493 : vector<1x16xf32> to vector<16xf32>
    %get3A_495 = arith.constant 1 : i32
    %get3A_496 = arith.index_cast %get3A_495 : i32 to index
    %get3A_497 = arith.constant 32 : index
    %get3A_498 = tpu.vector_load %arg6[%get3A_496, %get3A_497] {strides = array<i32>} : memref<8x128xf32, #tpu.memory_space<vmem>>, vector<1x16xf32>,
    %get3A_499 = vector.shape_cast %get3A_498 : vector<1x16xf32> to vector<16xf32>
    %get3A_500 = arith.constant 1 : i32
    %get3A_501 = arith.index_cast %get3A_500 : i32 to index
    %get3A_502 = arith.constant 48 : index
    %get3A_503 = tpu.vector_load %arg6[%get3A_501, %get3A_502] {strides = array<i32>} : memref<8x128xf32, #tpu.memory_space<vmem>>, vector<1x16xf32>,
    %get3A_504 = vector.shape_cast %get3A_503 : vector<1x16xf32> to vector<16xf32>
    %get3A_505 = arith.constant 1 : i32
    %get3A_506 = arith.index_cast %get3A_505 : i32 to index
    %get3A_507 = arith.constant 64 : index
    %get3A_508 = tpu.vector_load %arg6[%get3A_506, %get3A_507] {strides = array<i32>} : memref<8x128xf32, #tpu.memory_space<vmem>>, vector<1x16xf32>,
    %get3A_509 = vector.shape_cast %get3A_508 : vector<1x16xf32> to vector<16xf32>
    %get3A_510 = arith.constant 1 : i32
    %get3A_511 = arith.index_cast %get3A_510 : i32 to index
    %get3A_512 = arith.constant 80 : index
    %get3A_513 = tpu.vector_load %arg6[%get3A_511, %get3A_512] {strides = array<i32>} : memref<8x128xf32, #tpu.memory_space<vmem>>, vector<1x16xf32>,
    %get3A_514 = vector.shape_cast %get3A_513 : vector<1x16xf32> to vector<16xf32>
    %get3A_515 = arith.constant 1 : i32
    %get3A_516 = arith.index_cast %get3A_515 : i32 to index
    %get3A_517 = arith.constant 96 : index
    %get3A_518 = tpu.vector_load %arg6[%get3A_516, %get3A_517] {strides = array<i32>} : memref<8x128xf32, #tpu.memory_space<vmem>>, vector<1x16xf32>,
    %get3A_519 = vector.shape_cast %get3A_518 : vector<1x16xf32> to vector<16xf32>
    %get3A_520 = arith.constant 1 : i32
    %get3A_521 = arith.index_cast %get3A_520 : i32 to index
    %get3A_522 = arith.constant 112 : index
    %get3A_523 = tpu.vector_load %arg6[%get3A_521, %get3A_522] {strides = array<i32>} : memref<8x128xf32, #tpu.memory_space<vmem>>, vector<1x16xf32>,
    %get3A_524 = vector.shape_cast %get3A_523 : vector<1x16xf32> to vector<16xf32>
    %scan3A_525 = arith.constant 0 : i32
    %scan3A_526 = arith.constant 0 : i32
    %scan3A_527 = arith.constant 32 : i32
    %scan3A_528 = arith.addi %scan3A_526, %scan3A_527 : i32
    %scan3A_529 = arith.constant 1 : i32
    %scan3A_530 = scf.for %scan3A_832 = %scan3A_526 to %scan3A_528 step %scan3A_529 iter_args(%scan3A_833 = %scan3A_525) -> (i32)  : i32 {
      %swap3A = arith.constant 1 : i32
      %swap3A_834 = arith.index_cast %swap3A : i32 to index
      %swap3A_835 = arith.index_cast %scan3A_832 : i32 to index
      %swap3A_836 = arith.constant 128 : index
      %swap3A_837 = tpu.vector_load %arg5[%swap3A_834, %swap3A_835, %swap3A_836] {strides = array<i32>} : memref<8x32x256xf32, #tpu.memory_space<vmem>>, vector<1x1x16xf32>,
      %swap3A_838 = vector.shape_cast %swap3A_837 : vector<1x1x16xf32> to vector<16xf32>
      %swap3A_839 = vector.shape_cast %get3A_489 : vector<16xf32> to vector<1x1x16xf32>
      tpu.vector_store %arg5[%swap3A_834, %swap3A_835, %swap3A_836], %swap3A_839 {strides = array<i32>} : memref<8x32x256xf32, #tpu.memory_space<vmem>>, vector<1x1x16xf32>,
      %swap3A_840 = arith.constant 1 : i32
      %swap3A_841 = arith.index_cast %swap3A_840 : i32 to index
      %swap3A_842 = arith.index_cast %scan3A_832 : i32 to index
      %swap3A_843 = arith.constant 144 : index
      %swap3A_844 = tpu.vector_load %arg5[%swap3A_841, %swap3A_842, %swap3A_843] {strides = array<i32>} : memref<8x32x256xf32, #tpu.memory_space<vmem>>, vector<1x1x16xf32>,
      %swap3A_845 = vector.shape_cast %swap3A_844 : vector<1x1x16xf32> to vector<16xf32>
      %swap3A_846 = vector.shape_cast %get3A_494 : vector<16xf32> to vector<1x1x16xf32>
      tpu.vector_store %arg5[%swap3A_841, %swap3A_842, %swap3A_843], %swap3A_846 {strides = array<i32>} : memref<8x32x256xf32, #tpu.memory_space<vmem>>, vector<1x1x16xf32>,
      %swap3A_847 = arith.constant 1 : i32
      %swap3A_848 = arith.index_cast %swap3A_847 : i32 to index
      %swap3A_849 = arith.index_cast %scan3A_832 : i32 to index
      %swap3A_850 = arith.constant 160 : index
      %swap3A_851 = tpu.vector_load %arg5[%swap3A_848, %swap3A_849, %swap3A_850] {strides = array<i32>} : memref<8x32x256xf32, #tpu.memory_space<vmem>>, vector<1x1x16xf32>,
      %swap3A_852 = vector.shape_cast %swap3A_851 : vector<1x1x16xf32> to vector<16xf32>
      %swap3A_853 = vector.shape_cast %get3A_499 : vector<16xf32> to vector<1x1x16xf32>
      tpu.vector_store %arg5[%swap3A_848, %swap3A_849, %swap3A_850], %swap3A_853 {strides = array<i32>} : memref<8x32x256xf32, #tpu.memory_space<vmem>>, vector<1x1x16xf32>,
      %swap3A_854 = arith.constant 1 : i32
      %swap3A_855 = arith.index_cast %swap3A_854 : i32 to index
      %swap3A_856 = arith.index_cast %scan3A_832 : i32 to index
      %swap3A_857 = arith.constant 176 : index
      %swap3A_858 = tpu.vector_load %arg5[%swap3A_855, %swap3A_856, %swap3A_857] {strides = array<i32>} : memref<8x32x256xf32, #tpu.memory_space<vmem>>, vector<1x1x16xf32>,
      %swap3A_859 = vector.shape_cast %swap3A_858 : vector<1x1x16xf32> to vector<16xf32>
      %swap3A_860 = vector.shape_cast %get3A_504 : vector<16xf32> to vector<1x1x16xf32>
      tpu.vector_store %arg5[%swap3A_855, %swap3A_856, %swap3A_857], %swap3A_860 {strides = array<i32>} : memref<8x32x256xf32, #tpu.memory_space<vmem>>, vector<1x1x16xf32>,
      %swap3A_861 = arith.constant 1 : i32
      %swap3A_862 = arith.index_cast %swap3A_861 : i32 to index
      %swap3A_863 = arith.index_cast %scan3A_832 : i32 to index
      %swap3A_864 = arith.constant 192 : index
      %swap3A_865 = tpu.vector_load %arg5[%swap3A_862, %swap3A_863, %swap3A_864] {strides = array<i32>} : memref<8x32x256xf32, #tpu.memory_space<vmem>>, vector<1x1x16xf32>,
      %swap3A_866 = vector.shape_cast %swap3A_865 : vector<1x1x16xf32> to vector<16xf32>
      %swap3A_867 = vector.shape_cast %get3A_509 : vector<16xf32> to vector<1x1x16xf32>
      tpu.vector_store %arg5[%swap3A_862, %swap3A_863, %swap3A_864], %swap3A_867 {strides = array<i32>} : memref<8x32x256xf32, #tpu.memory_space<vmem>>, vector<1x1x16xf32>,
      %swap3A_868 = arith.constant 1 : i32
      %swap3A_869 = arith.index_cast %swap3A_868 : i32 to index
      %swap3A_870 = arith.index_cast %scan3A_832 : i32 to index
      %swap3A_871 = arith.constant 208 : index
      %swap3A_872 = tpu.vector_load %arg5[%swap3A_869, %swap3A_870, %swap3A_871] {strides = array<i32>} : memref<8x32x256xf32, #tpu.memory_space<vmem>>, vector<1x1x16xf32>,
      %swap3A_873 = vector.shape_cast %swap3A_872 : vector<1x1x16xf32> to vector<16xf32>
      %swap3A_874 = vector.shape_cast %get3A_514 : vector<16xf32> to vector<1x1x16xf32>
      tpu.vector_store %arg5[%swap3A_869, %swap3A_870, %swap3A_871], %swap3A_874 {strides = array<i32>} : memref<8x32x256xf32, #tpu.memory_space<vmem>>, vector<1x1x16xf32>,
      %swap3A_875 = arith.constant 1 : i32
      %swap3A_876 = arith.index_cast %swap3A_875 : i32 to index
      %swap3A_877 = arith.index_cast %scan3A_832 : i32 to index
      %swap3A_878 = arith.constant 224 : index
      %swap3A_879 = tpu.vector_load %arg5[%swap3A_876, %swap3A_877, %swap3A_878] {strides = array<i32>} : memref<8x32x256xf32, #tpu.memory_space<vmem>>, vector<1x1x16xf32>,
      %swap3A_880 = vector.shape_cast %swap3A_879 : vector<1x1x16xf32> to vector<16xf32>
      %swap3A_881 = vector.shape_cast %get3A_519 : vector<16xf32> to vector<1x1x16xf32>
      tpu.vector_store %arg5[%swap3A_876, %swap3A_877, %swap3A_878], %swap3A_881 {strides = array<i32>} : memref<8x32x256xf32, #tpu.memory_space<vmem>>, vector<1x1x16xf32>,
      %swap3A_882 = arith.constant 1 : i32
      %swap3A_883 = arith.index_cast %swap3A_882 : i32 to index
      %swap3A_884 = arith.index_cast %scan3A_832 : i32 to index
      %swap3A_885 = arith.constant 240 : index
      %swap3A_886 = tpu.vector_load %arg5[%swap3A_883, %swap3A_884, %swap3A_885] {strides = array<i32>} : memref<8x32x256xf32, #tpu.memory_space<vmem>>, vector<1x1x16xf32>,
      %swap3A_887 = vector.shape_cast %swap3A_886 : vector<1x1x16xf32> to vector<16xf32>
      %swap3A_888 = vector.shape_cast %get3A_524 : vector<16xf32> to vector<1x1x16xf32>
      tpu.vector_store %arg5[%swap3A_883, %swap3A_884, %swap3A_885], %swap3A_888 {strides = array<i32>} : memref<8x32x256xf32, #tpu.memory_space<vmem>>, vector<1x1x16xf32>,
      %scan3A_889 = arith.constant 0 : i32
      scf.yield %scan3A_889 : i32
    }
    %scan3A_531 = arith.constant 32 : i32
    %get3A_532 = arith.constant 2 : i32
    %get3A_533 = arith.index_cast %get3A_532 : i32 to index
    %get3A_534 = arith.constant 0 : index
    %get3A_535 = tpu.vector_load %arg6[%get3A_533, %get3A_534] {strides = array<i32>} : memref<8x128xf32, #tpu.memory_space<vmem>>, vector<1x16xf32>,
    %get3A_536 = vector.shape_cast %get3A_535 : vector<1x16xf32> to vector<16xf32>
    %get3A_537 = arith.constant 2 : i32
    %get3A_538 = arith.index_cast %get3A_537 : i32 to index
    %get3A_539 = arith.constant 16 : index
    %get3A_540 = tpu.vector_load %arg6[%get3A_538, %get3A_539] {strides = array<i32>} : memref<8x128xf32, #tpu.memory_space<vmem>>, vector<1x16xf32>,
    %get3A_541 = vector.shape_cast %get3A_540 : vector<1x16xf32> to vector<16xf32>
    %get3A_542 = arith.constant 2 : i32
    %get3A_543 = arith.index_cast %get3A_542 : i32 to index
    %get3A_544 = arith.constant 32 : index
    %get3A_545 = tpu.vector_load %arg6[%get3A_543, %get3A_544] {strides = array<i32>} : memref<8x128xf32, #tpu.memory_space<vmem>>, vector<1x16xf32>,
    %get3A_546 = vector.shape_cast %get3A_545 : vector<1x16xf32> to vector<16xf32>
    %get3A_547 = arith.constant 2 : i32
    %get3A_548 = arith.index_cast %get3A_547 : i32 to index
    %get3A_549 = arith.constant 48 : index
    %get3A_550 = tpu.vector_load %arg6[%get3A_548, %get3A_549] {strides = array<i32>} : memref<8x128xf32, #tpu.memory_space<vmem>>, vector<1x16xf32>,
    %get3A_551 = vector.shape_cast %get3A_550 : vector<1x16xf32> to vector<16xf32>
    %get3A_552 = arith.constant 2 : i32
    %get3A_553 = arith.index_cast %get3A_552 : i32 to index
    %get3A_554 = arith.constant 64 : index
    %get3A_555 = tpu.vector_load %arg6[%get3A_553, %get3A_554] {strides = array<i32>} : memref<8x128xf32, #tpu.memory_space<vmem>>, vector<1x16xf32>,
    %get3A_556 = vector.shape_cast %get3A_555 : vector<1x16xf32> to vector<16xf32>
    %get3A_557 = arith.constant 2 : i32
    %get3A_558 = arith.index_cast %get3A_557 : i32 to index
    %get3A_559 = arith.constant 80 : index
    %get3A_560 = tpu.vector_load %arg6[%get3A_558, %get3A_559] {strides = array<i32>} : memref<8x128xf32, #tpu.memory_space<vmem>>, vector<1x16xf32>,
    %get3A_561 = vector.shape_cast %get3A_560 : vector<1x16xf32> to vector<16xf32>
    %get3A_562 = arith.constant 2 : i32
    %get3A_563 = arith.index_cast %get3A_562 : i32 to index
    %get3A_564 = arith.constant 96 : index
    %get3A_565 = tpu.vector_load %arg6[%get3A_563, %get3A_564] {strides = array<i32>} : memref<8x128xf32, #tpu.memory_space<vmem>>, vector<1x16xf32>,
    %get3A_566 = vector.shape_cast %get3A_565 : vector<1x16xf32> to vector<16xf32>
    %get3A_567 = arith.constant 2 : i32
    %get3A_568 = arith.index_cast %get3A_567 : i32 to index
    %get3A_569 = arith.constant 112 : index
    %get3A_570 = tpu.vector_load %arg6[%get3A_568, %get3A_569] {strides = array<i32>} : memref<8x128xf32, #tpu.memory_space<vmem>>, vector<1x16xf32>,
    %get3A_571 = vector.shape_cast %get3A_570 : vector<1x16xf32> to vector<16xf32>
    %scan3A_572 = arith.constant 0 : i32
    %scan3A_573 = arith.constant 0 : i32
    %scan3A_574 = arith.constant 32 : i32
    %scan3A_575 = arith.addi %scan3A_573, %scan3A_574 : i32
    %scan3A_576 = arith.constant 1 : i32
    %scan3A_577 = scf.for %scan3A_832 = %scan3A_573 to %scan3A_575 step %scan3A_576 iter_args(%scan3A_833 = %scan3A_572) -> (i32)  : i32 {
      %swap3A = arith.constant 2 : i32
      %swap3A_834 = arith.index_cast %swap3A : i32 to index
      %swap3A_835 = arith.index_cast %scan3A_832 : i32 to index
      %swap3A_836 = arith.constant 128 : index
      %swap3A_837 = tpu.vector_load %arg5[%swap3A_834, %swap3A_835, %swap3A_836] {strides = array<i32>} : memref<8x32x256xf32, #tpu.memory_space<vmem>>, vector<1x1x16xf32>,
      %swap3A_838 = vector.shape_cast %swap3A_837 : vector<1x1x16xf32> to vector<16xf32>
      %swap3A_839 = vector.shape_cast %get3A_536 : vector<16xf32> to vector<1x1x16xf32>
      tpu.vector_store %arg5[%swap3A_834, %swap3A_835, %swap3A_836], %swap3A_839 {strides = array<i32>} : memref<8x32x256xf32, #tpu.memory_space<vmem>>, vector<1x1x16xf32>,
      %swap3A_840 = arith.constant 2 : i32
      %swap3A_841 = arith.index_cast %swap3A_840 : i32 to index
      %swap3A_842 = arith.index_cast %scan3A_832 : i32 to index
      %swap3A_843 = arith.constant 144 : index
      %swap3A_844 = tpu.vector_load %arg5[%swap3A_841, %swap3A_842, %swap3A_843] {strides = array<i32>} : memref<8x32x256xf32, #tpu.memory_space<vmem>>, vector<1x1x16xf32>,
      %swap3A_845 = vector.shape_cast %swap3A_844 : vector<1x1x16xf32> to vector<16xf32>
      %swap3A_846 = vector.shape_cast %get3A_541 : vector<16xf32> to vector<1x1x16xf32>
      tpu.vector_store %arg5[%swap3A_841, %swap3A_842, %swap3A_843], %swap3A_846 {strides = array<i32>} : memref<8x32x256xf32, #tpu.memory_space<vmem>>, vector<1x1x16xf32>,
      %swap3A_847 = arith.constant 2 : i32
      %swap3A_848 = arith.index_cast %swap3A_847 : i32 to index
      %swap3A_849 = arith.index_cast %scan3A_832 : i32 to index
      %swap3A_850 = arith.constant 160 : index
      %swap3A_851 = tpu.vector_load %arg5[%swap3A_848, %swap3A_849, %swap3A_850] {strides = array<i32>} : memref<8x32x256xf32, #tpu.memory_space<vmem>>, vector<1x1x16xf32>,
      %swap3A_852 = vector.shape_cast %swap3A_851 : vector<1x1x16xf32> to vector<16xf32>
      %swap3A_853 = vector.shape_cast %get3A_546 : vector<16xf32> to vector<1x1x16xf32>
      tpu.vector_store %arg5[%swap3A_848, %swap3A_849, %swap3A_850], %swap3A_853 {strides = array<i32>} : memref<8x32x256xf32, #tpu.memory_space<vmem>>, vector<1x1x16xf32>,
      %swap3A_854 = arith.constant 2 : i32
      %swap3A_855 = arith.index_cast %swap3A_854 : i32 to index
      %swap3A_856 = arith.index_cast %scan3A_832 : i32 to index
      %swap3A_857 = arith.constant 176 : index
      %swap3A_858 = tpu.vector_load %arg5[%swap3A_855, %swap3A_856, %swap3A_857] {strides = array<i32>} : memref<8x32x256xf32, #tpu.memory_space<vmem>>, vector<1x1x16xf32>,
      %swap3A_859 = vector.shape_cast %swap3A_858 : vector<1x1x16xf32> to vector<16xf32>
      %swap3A_860 = vector.shape_cast %get3A_551 : vector<16xf32> to vector<1x1x16xf32>
      tpu.vector_store %arg5[%swap3A_855, %swap3A_856, %swap3A_857], %swap3A_860 {strides = array<i32>} : memref<8x32x256xf32, #tpu.memory_space<vmem>>, vector<1x1x16xf32>,
      %swap3A_861 = arith.constant 2 : i32
      %swap3A_862 = arith.index_cast %swap3A_861 : i32 to index
      %swap3A_863 = arith.index_cast %scan3A_832 : i32 to index
      %swap3A_864 = arith.constant 192 : index
      %swap3A_865 = tpu.vector_load %arg5[%swap3A_862, %swap3A_863, %swap3A_864] {strides = array<i32>} : memref<8x32x256xf32, #tpu.memory_space<vmem>>, vector<1x1x16xf32>,
      %swap3A_866 = vector.shape_cast %swap3A_865 : vector<1x1x16xf32> to vector<16xf32>
      %swap3A_867 = vector.shape_cast %get3A_556 : vector<16xf32> to vector<1x1x16xf32>
      tpu.vector_store %arg5[%swap3A_862, %swap3A_863, %swap3A_864], %swap3A_867 {strides = array<i32>} : memref<8x32x256xf32, #tpu.memory_space<vmem>>, vector<1x1x16xf32>,
      %swap3A_868 = arith.constant 2 : i32
      %swap3A_869 = arith.index_cast %swap3A_868 : i32 to index
      %swap3A_870 = arith.index_cast %scan3A_832 : i32 to index
      %swap3A_871 = arith.constant 208 : index
      %swap3A_872 = tpu.vector_load %arg5[%swap3A_869, %swap3A_870, %swap3A_871] {strides = array<i32>} : memref<8x32x256xf32, #tpu.memory_space<vmem>>, vector<1x1x16xf32>,
      %swap3A_873 = vector.shape_cast %swap3A_872 : vector<1x1x16xf32> to vector<16xf32>
      %swap3A_874 = vector.shape_cast %get3A_561 : vector<16xf32> to vector<1x1x16xf32>
      tpu.vector_store %arg5[%swap3A_869, %swap3A_870, %swap3A_871], %swap3A_874 {strides = array<i32>} : memref<8x32x256xf32, #tpu.memory_space<vmem>>, vector<1x1x16xf32>,
      %swap3A_875 = arith.constant 2 : i32
      %swap3A_876 = arith.index_cast %swap3A_875 : i32 to index
      %swap3A_877 = arith.index_cast %scan3A_832 : i32 to index
      %swap3A_878 = arith.constant 224 : index
      %swap3A_879 = tpu.vector_load %arg5[%swap3A_876, %swap3A_877, %swap3A_878] {strides = array<i32>} : memref<8x32x256xf32, #tpu.memory_space<vmem>>, vector<1x1x16xf32>,
      %swap3A_880 = vector.shape_cast %swap3A_879 : vector<1x1x16xf32> to vector<16xf32>
      %swap3A_881 = vector.shape_cast %get3A_566 : vector<16xf32> to vector<1x1x16xf32>
      tpu.vector_store %arg5[%swap3A_876, %swap3A_877, %swap3A_878], %swap3A_881 {strides = array<i32>} : memref<8x32x256xf32, #tpu.memory_space<vmem>>, vector<1x1x16xf32>,
      %swap3A_882 = arith.constant 2 : i32
      %swap3A_883 = arith.index_cast %swap3A_882 : i32 to index
      %swap3A_884 = arith.index_cast %scan3A_832 : i32 to index
      %swap3A_885 = arith.constant 240 : index
      %swap3A_886 = tpu.vector_load %arg5[%swap3A_883, %swap3A_884, %swap3A_885] {strides = array<i32>} : memref<8x32x256xf32, #tpu.memory_space<vmem>>, vector<1x1x16xf32>,
      %swap3A_887 = vector.shape_cast %swap3A_886 : vector<1x1x16xf32> to vector<16xf32>
      %swap3A_888 = vector.shape_cast %get3A_571 : vector<16xf32> to vector<1x1x16xf32>
      tpu.vector_store %arg5[%swap3A_883, %swap3A_884, %swap3A_885], %swap3A_888 {strides = array<i32>} : memref<8x32x256xf32, #tpu.memory_space<vmem>>, vector<1x1x16xf32>,
      %scan3A_889 = arith.constant 0 : i32
      scf.yield %scan3A_889 : i32
    }
    %scan3A_578 = arith.constant 32 : i32
    %get3A_579 = arith.constant 3 : i32
    %get3A_580 = arith.index_cast %get3A_579 : i32 to index
    %get3A_581 = arith.constant 0 : index
    %get3A_582 = tpu.vector_load %arg6[%get3A_580, %get3A_581] {strides = array<i32>} : memref<8x128xf32, #tpu.memory_space<vmem>>, vector<1x16xf32>,
    %get3A_583 = vector.shape_cast %get3A_582 : vector<1x16xf32> to vector<16xf32>
    %get3A_584 = arith.constant 3 : i32
    %get3A_585 = arith.index_cast %get3A_584 : i32 to index
    %get3A_586 = arith.constant 16 : index
    %get3A_587 = tpu.vector_load %arg6[%get3A_585, %get3A_586] {strides = array<i32>} : memref<8x128xf32, #tpu.memory_space<vmem>>, vector<1x16xf32>,
    %get3A_588 = vector.shape_cast %get3A_587 : vector<1x16xf32> to vector<16xf32>
    %get3A_589 = arith.constant 3 : i32
    %get3A_590 = arith.index_cast %get3A_589 : i32 to index
    %get3A_591 = arith.constant 32 : index
    %get3A_592 = tpu.vector_load %arg6[%get3A_590, %get3A_591] {strides = array<i32>} : memref<8x128xf32, #tpu.memory_space<vmem>>, vector<1x16xf32>,
    %get3A_593 = vector.shape_cast %get3A_592 : vector<1x16xf32> to vector<16xf32>
    %get3A_594 = arith.constant 3 : i32
    %get3A_595 = arith.index_cast %get3A_594 : i32 to index
    %get3A_596 = arith.constant 48 : index
    %get3A_597 = tpu.vector_load %arg6[%get3A_595, %get3A_596] {strides = array<i32>} : memref<8x128xf32, #tpu.memory_space<vmem>>, vector<1x16xf32>,
    %get3A_598 = vector.shape_cast %get3A_597 : vector<1x16xf32> to vector<16xf32>
    %get3A_599 = arith.constant 3 : i32
    %get3A_600 = arith.index_cast %get3A_599 : i32 to index
    %get3A_601 = arith.constant 64 : index
    %get3A_602 = tpu.vector_load %arg6[%get3A_600, %get3A_601] {strides = array<i32>} : memref<8x128xf32, #tpu.memory_space<vmem>>, vector<1x16xf32>,
    %get3A_603 = vector.shape_cast %get3A_602 : vector<1x16xf32> to vector<16xf32>
    %get3A_604 = arith.constant 3 : i32
    %get3A_605 = arith.index_cast %get3A_604 : i32 to index
    %get3A_606 = arith.constant 80 : index
    %get3A_607 = tpu.vector_load %arg6[%get3A_605, %get3A_606] {strides = array<i32>} : memref<8x128xf32, #tpu.memory_space<vmem>>, vector<1x16xf32>,
    %get3A_608 = vector.shape_cast %get3A_607 : vector<1x16xf32> to vector<16xf32>
    %get3A_609 = arith.constant 3 : i32
    %get3A_610 = arith.index_cast %get3A_609 : i32 to index
    %get3A_611 = arith.constant 96 : index
    %get3A_612 = tpu.vector_load %arg6[%get3A_610, %get3A_611] {strides = array<i32>} : memref<8x128xf32, #tpu.memory_space<vmem>>, vector<1x16xf32>,
    %get3A_613 = vector.shape_cast %get3A_612 : vector<1x16xf32> to vector<16xf32>
    %get3A_614 = arith.constant 3 : i32
    %get3A_615 = arith.index_cast %get3A_614 : i32 to index
    %get3A_616 = arith.constant 112 : index
    %get3A_617 = tpu.vector_load %arg6[%get3A_615, %get3A_616] {strides = array<i32>} : memref<8x128xf32, #tpu.memory_space<vmem>>, vector<1x16xf32>,
    %get3A_618 = vector.shape_cast %get3A_617 : vector<1x16xf32> to vector<16xf32>
    %scan3A_619 = arith.constant 0 : i32
    %scan3A_620 = arith.constant 0 : i32
    %scan3A_621 = arith.constant 32 : i32
    %scan3A_622 = arith.addi %scan3A_620, %scan3A_621 : i32
    %scan3A_623 = arith.constant 1 : i32
    %scan3A_624 = scf.for %scan3A_832 = %scan3A_620 to %scan3A_622 step %scan3A_623 iter_args(%scan3A_833 = %scan3A_619) -> (i32)  : i32 {
      %swap3A = arith.constant 3 : i32
      %swap3A_834 = arith.index_cast %swap3A : i32 to index
      %swap3A_835 = arith.index_cast %scan3A_832 : i32 to index
      %swap3A_836 = arith.constant 128 : index
      %swap3A_837 = tpu.vector_load %arg5[%swap3A_834, %swap3A_835, %swap3A_836] {strides = array<i32>} : memref<8x32x256xf32, #tpu.memory_space<vmem>>, vector<1x1x16xf32>,
      %swap3A_838 = vector.shape_cast %swap3A_837 : vector<1x1x16xf32> to vector<16xf32>
      %swap3A_839 = vector.shape_cast %get3A_583 : vector<16xf32> to vector<1x1x16xf32>
      tpu.vector_store %arg5[%swap3A_834, %swap3A_835, %swap3A_836], %swap3A_839 {strides = array<i32>} : memref<8x32x256xf32, #tpu.memory_space<vmem>>, vector<1x1x16xf32>,
      %swap3A_840 = arith.constant 3 : i32
      %swap3A_841 = arith.index_cast %swap3A_840 : i32 to index
      %swap3A_842 = arith.index_cast %scan3A_832 : i32 to index
      %swap3A_843 = arith.constant 144 : index
      %swap3A_844 = tpu.vector_load %arg5[%swap3A_841, %swap3A_842, %swap3A_843] {strides = array<i32>} : memref<8x32x256xf32, #tpu.memory_space<vmem>>, vector<1x1x16xf32>,
      %swap3A_845 = vector.shape_cast %swap3A_844 : vector<1x1x16xf32> to vector<16xf32>
      %swap3A_846 = vector.shape_cast %get3A_588 : vector<16xf32> to vector<1x1x16xf32>
      tpu.vector_store %arg5[%swap3A_841, %swap3A_842, %swap3A_843], %swap3A_846 {strides = array<i32>} : memref<8x32x256xf32, #tpu.memory_space<vmem>>, vector<1x1x16xf32>,
      %swap3A_847 = arith.constant 3 : i32
      %swap3A_848 = arith.index_cast %swap3A_847 : i32 to index
      %swap3A_849 = arith.index_cast %scan3A_832 : i32 to index
      %swap3A_850 = arith.constant 160 : index
      %swap3A_851 = tpu.vector_load %arg5[%swap3A_848, %swap3A_849, %swap3A_850] {strides = array<i32>} : memref<8x32x256xf32, #tpu.memory_space<vmem>>, vector<1x1x16xf32>,
      %swap3A_852 = vector.shape_cast %swap3A_851 : vector<1x1x16xf32> to vector<16xf32>
      %swap3A_853 = vector.shape_cast %get3A_593 : vector<16xf32> to vector<1x1x16xf32>
      tpu.vector_store %arg5[%swap3A_848, %swap3A_849, %swap3A_850], %swap3A_853 {strides = array<i32>} : memref<8x32x256xf32, #tpu.memory_space<vmem>>, vector<1x1x16xf32>,
      %swap3A_854 = arith.constant 3 : i32
      %swap3A_855 = arith.index_cast %swap3A_854 : i32 to index
      %swap3A_856 = arith.index_cast %scan3A_832 : i32 to index
      %swap3A_857 = arith.constant 176 : index
      %swap3A_858 = tpu.vector_load %arg5[%swap3A_855, %swap3A_856, %swap3A_857] {strides = array<i32>} : memref<8x32x256xf32, #tpu.memory_space<vmem>>, vector<1x1x16xf32>,
      %swap3A_859 = vector.shape_cast %swap3A_858 : vector<1x1x16xf32> to vector<16xf32>
      %swap3A_860 = vector.shape_cast %get3A_598 : vector<16xf32> to vector<1x1x16xf32>
      tpu.vector_store %arg5[%swap3A_855, %swap3A_856, %swap3A_857], %swap3A_860 {strides = array<i32>} : memref<8x32x256xf32, #tpu.memory_space<vmem>>, vector<1x1x16xf32>,
      %swap3A_861 = arith.constant 3 : i32
      %swap3A_862 = arith.index_cast %swap3A_861 : i32 to index
      %swap3A_863 = arith.index_cast %scan3A_832 : i32 to index
      %swap3A_864 = arith.constant 192 : index
      %swap3A_865 = tpu.vector_load %arg5[%swap3A_862, %swap3A_863, %swap3A_864] {strides = array<i32>} : memref<8x32x256xf32, #tpu.memory_space<vmem>>, vector<1x1x16xf32>,
      %swap3A_866 = vector.shape_cast %swap3A_865 : vector<1x1x16xf32> to vector<16xf32>
      %swap3A_867 = vector.shape_cast %get3A_603 : vector<16xf32> to vector<1x1x16xf32>
      tpu.vector_store %arg5[%swap3A_862, %swap3A_863, %swap3A_864], %swap3A_867 {strides = array<i32>} : memref<8x32x256xf32, #tpu.memory_space<vmem>>, vector<1x1x16xf32>,
      %swap3A_868 = arith.constant 3 : i32
      %swap3A_869 = arith.index_cast %swap3A_868 : i32 to index
      %swap3A_870 = arith.index_cast %scan3A_832 : i32 to index
      %swap3A_871 = arith.constant 208 : index
      %swap3A_872 = tpu.vector_load %arg5[%swap3A_869, %swap3A_870, %swap3A_871] {strides = array<i32>} : memref<8x32x256xf32, #tpu.memory_space<vmem>>, vector<1x1x16xf32>,
      %swap3A_873 = vector.shape_cast %swap3A_872 : vector<1x1x16xf32> to vector<16xf32>
      %swap3A_874 = vector.shape_cast %get3A_608 : vector<16xf32> to vector<1x1x16xf32>
      tpu.vector_store %arg5[%swap3A_869, %swap3A_870, %swap3A_871], %swap3A_874 {strides = array<i32>} : memref<8x32x256xf32, #tpu.memory_space<vmem>>, vector<1x1x16xf32>,
      %swap3A_875 = arith.constant 3 : i32
      %swap3A_876 = arith.index_cast %swap3A_875 : i32 to index
      %swap3A_877 = arith.index_cast %scan3A_832 : i32 to index
      %swap3A_878 = arith.constant 224 : index
      %swap3A_879 = tpu.vector_load %arg5[%swap3A_876, %swap3A_877, %swap3A_878] {strides = array<i32>} : memref<8x32x256xf32, #tpu.memory_space<vmem>>, vector<1x1x16xf32>,
      %swap3A_880 = vector.shape_cast %swap3A_879 : vector<1x1x16xf32> to vector<16xf32>
      %swap3A_881 = vector.shape_cast %get3A_613 : vector<16xf32> to vector<1x1x16xf32>
      tpu.vector_store %arg5[%swap3A_876, %swap3A_877, %swap3A_878], %swap3A_881 {strides = array<i32>} : memref<8x32x256xf32, #tpu.memory_space<vmem>>, vector<1x1x16xf32>,
      %swap3A_882 = arith.constant 3 : i32
      %swap3A_883 = arith.index_cast %swap3A_882 : i32 to index
      %swap3A_884 = arith.index_cast %scan3A_832 : i32 to index
      %swap3A_885 = arith.constant 240 : index
      %swap3A_886 = tpu.vector_load %arg5[%swap3A_883, %swap3A_884, %swap3A_885] {strides = array<i32>} : memref<8x32x256xf32, #tpu.memory_space<vmem>>, vector<1x1x16xf32>,
      %swap3A_887 = vector.shape_cast %swap3A_886 : vector<1x1x16xf32> to vector<16xf32>
      %swap3A_888 = vector.shape_cast %get3A_618 : vector<16xf32> to vector<1x1x16xf32>
      tpu.vector_store %arg5[%swap3A_883, %swap3A_884, %swap3A_885], %swap3A_888 {strides = array<i32>} : memref<8x32x256xf32, #tpu.memory_space<vmem>>, vector<1x1x16xf32>,
      %scan3A_889 = arith.constant 0 : i32
      scf.yield %scan3A_889 : i32
    }
    %scan3A_625 = arith.constant 32 : i32
    %get3A_626 = arith.constant 4 : i32
    %get3A_627 = arith.index_cast %get3A_626 : i32 to index
    %get3A_628 = arith.constant 0 : index
    %get3A_629 = tpu.vector_load %arg6[%get3A_627, %get3A_628] {strides = array<i32>} : memref<8x128xf32, #tpu.memory_space<vmem>>, vector<1x16xf32>,
    %get3A_630 = vector.shape_cast %get3A_629 : vector<1x16xf32> to vector<16xf32>
    %get3A_631 = arith.constant 4 : i32
    %get3A_632 = arith.index_cast %get3A_631 : i32 to index
    %get3A_633 = arith.constant 16 : index
    %get3A_634 = tpu.vector_load %arg6[%get3A_632, %get3A_633] {strides = array<i32>} : memref<8x128xf32, #tpu.memory_space<vmem>>, vector<1x16xf32>,
    %get3A_635 = vector.shape_cast %get3A_634 : vector<1x16xf32> to vector<16xf32>
    %get3A_636 = arith.constant 4 : i32
    %get3A_637 = arith.index_cast %get3A_636 : i32 to index
    %get3A_638 = arith.constant 32 : index
    %get3A_639 = tpu.vector_load %arg6[%get3A_637, %get3A_638] {strides = array<i32>} : memref<8x128xf32, #tpu.memory_space<vmem>>, vector<1x16xf32>,
    %get3A_640 = vector.shape_cast %get3A_639 : vector<1x16xf32> to vector<16xf32>
    %get3A_641 = arith.constant 4 : i32
    %get3A_642 = arith.index_cast %get3A_641 : i32 to index
    %get3A_643 = arith.constant 48 : index
    %get3A_644 = tpu.vector_load %arg6[%get3A_642, %get3A_643] {strides = array<i32>} : memref<8x128xf32, #tpu.memory_space<vmem>>, vector<1x16xf32>,
    %get3A_645 = vector.shape_cast %get3A_644 : vector<1x16xf32> to vector<16xf32>
    %get3A_646 = arith.constant 4 : i32
    %get3A_647 = arith.index_cast %get3A_646 : i32 to index
    %get3A_648 = arith.constant 64 : index
    %get3A_649 = tpu.vector_load %arg6[%get3A_647, %get3A_648] {strides = array<i32>} : memref<8x128xf32, #tpu.memory_space<vmem>>, vector<1x16xf32>,
    %get3A_650 = vector.shape_cast %get3A_649 : vector<1x16xf32> to vector<16xf32>
    %get3A_651 = arith.constant 4 : i32
    %get3A_652 = arith.index_cast %get3A_651 : i32 to index
    %get3A_653 = arith.constant 80 : index
    %get3A_654 = tpu.vector_load %arg6[%get3A_652, %get3A_653] {strides = array<i32>} : memref<8x128xf32, #tpu.memory_space<vmem>>, vector<1x16xf32>,
    %get3A_655 = vector.shape_cast %get3A_654 : vector<1x16xf32> to vector<16xf32>
    %get3A_656 = arith.constant 4 : i32
    %get3A_657 = arith.index_cast %get3A_656 : i32 to index
    %get3A_658 = arith.constant 96 : index
    %get3A_659 = tpu.vector_load %arg6[%get3A_657, %get3A_658] {strides = array<i32>} : memref<8x128xf32, #tpu.memory_space<vmem>>, vector<1x16xf32>,
    %get3A_660 = vector.shape_cast %get3A_659 : vector<1x16xf32> to vector<16xf32>
    %get3A_661 = arith.constant 4 : i32
    %get3A_662 = arith.index_cast %get3A_661 : i32 to index
    %get3A_663 = arith.constant 112 : index
    %get3A_664 = tpu.vector_load %arg6[%get3A_662, %get3A_663] {strides = array<i32>} : memref<8x128xf32, #tpu.memory_space<vmem>>, vector<1x16xf32>,
    %get3A_665 = vector.shape_cast %get3A_664 : vector<1x16xf32> to vector<16xf32>
    %scan3A_666 = arith.constant 0 : i32
    %scan3A_667 = arith.constant 0 : i32
    %scan3A_668 = arith.constant 32 : i32
    %scan3A_669 = arith.addi %scan3A_667, %scan3A_668 : i32
    %scan3A_670 = arith.constant 1 : i32
    %scan3A_671 = scf.for %scan3A_832 = %scan3A_667 to %scan3A_669 step %scan3A_670 iter_args(%scan3A_833 = %scan3A_666) -> (i32)  : i32 {
      %swap3A = arith.constant 4 : i32
      %swap3A_834 = arith.index_cast %swap3A : i32 to index
      %swap3A_835 = arith.index_cast %scan3A_832 : i32 to index
      %swap3A_836 = arith.constant 128 : index
      %swap3A_837 = tpu.vector_load %arg5[%swap3A_834, %swap3A_835, %swap3A_836] {strides = array<i32>} : memref<8x32x256xf32, #tpu.memory_space<vmem>>, vector<1x1x16xf32>,
      %swap3A_838 = vector.shape_cast %swap3A_837 : vector<1x1x16xf32> to vector<16xf32>
      %swap3A_839 = vector.shape_cast %get3A_630 : vector<16xf32> to vector<1x1x16xf32>
      tpu.vector_store %arg5[%swap3A_834, %swap3A_835, %swap3A_836], %swap3A_839 {strides = array<i32>} : memref<8x32x256xf32, #tpu.memory_space<vmem>>, vector<1x1x16xf32>,
      %swap3A_840 = arith.constant 4 : i32
      %swap3A_841 = arith.index_cast %swap3A_840 : i32 to index
      %swap3A_842 = arith.index_cast %scan3A_832 : i32 to index
      %swap3A_843 = arith.constant 144 : index
      %swap3A_844 = tpu.vector_load %arg5[%swap3A_841, %swap3A_842, %swap3A_843] {strides = array<i32>} : memref<8x32x256xf32, #tpu.memory_space<vmem>>, vector<1x1x16xf32>,
      %swap3A_845 = vector.shape_cast %swap3A_844 : vector<1x1x16xf32> to vector<16xf32>
      %swap3A_846 = vector.shape_cast %get3A_635 : vector<16xf32> to vector<1x1x16xf32>
      tpu.vector_store %arg5[%swap3A_841, %swap3A_842, %swap3A_843], %swap3A_846 {strides = array<i32>} : memref<8x32x256xf32, #tpu.memory_space<vmem>>, vector<1x1x16xf32>,
      %swap3A_847 = arith.constant 4 : i32
      %swap3A_848 = arith.index_cast %swap3A_847 : i32 to index
      %swap3A_849 = arith.index_cast %scan3A_832 : i32 to index
      %swap3A_850 = arith.constant 160 : index
      %swap3A_851 = tpu.vector_load %arg5[%swap3A_848, %swap3A_849, %swap3A_850] {strides = array<i32>} : memref<8x32x256xf32, #tpu.memory_space<vmem>>, vector<1x1x16xf32>,
      %swap3A_852 = vector.shape_cast %swap3A_851 : vector<1x1x16xf32> to vector<16xf32>
      %swap3A_853 = vector.shape_cast %get3A_640 : vector<16xf32> to vector<1x1x16xf32>
      tpu.vector_store %arg5[%swap3A_848, %swap3A_849, %swap3A_850], %swap3A_853 {strides = array<i32>} : memref<8x32x256xf32, #tpu.memory_space<vmem>>, vector<1x1x16xf32>,
      %swap3A_854 = arith.constant 4 : i32
      %swap3A_855 = arith.index_cast %swap3A_854 : i32 to index
      %swap3A_856 = arith.index_cast %scan3A_832 : i32 to index
      %swap3A_857 = arith.constant 176 : index
      %swap3A_858 = tpu.vector_load %arg5[%swap3A_855, %swap3A_856, %swap3A_857] {strides = array<i32>} : memref<8x32x256xf32, #tpu.memory_space<vmem>>, vector<1x1x16xf32>,
      %swap3A_859 = vector.shape_cast %swap3A_858 : vector<1x1x16xf32> to vector<16xf32>
      %swap3A_860 = vector.shape_cast %get3A_645 : vector<16xf32> to vector<1x1x16xf32>
      tpu.vector_store %arg5[%swap3A_855, %swap3A_856, %swap3A_857], %swap3A_860 {strides = array<i32>} : memref<8x32x256xf32, #tpu.memory_space<vmem>>, vector<1x1x16xf32>,
      %swap3A_861 = arith.constant 4 : i32
      %swap3A_862 = arith.index_cast %swap3A_861 : i32 to index
      %swap3A_863 = arith.index_cast %scan3A_832 : i32 to index
      %swap3A_864 = arith.constant 192 : index
      %swap3A_865 = tpu.vector_load %arg5[%swap3A_862, %swap3A_863, %swap3A_864] {strides = array<i32>} : memref<8x32x256xf32, #tpu.memory_space<vmem>>, vector<1x1x16xf32>,
      %swap3A_866 = vector.shape_cast %swap3A_865 : vector<1x1x16xf32> to vector<16xf32>
      %swap3A_867 = vector.shape_cast %get3A_650 : vector<16xf32> to vector<1x1x16xf32>
      tpu.vector_store %arg5[%swap3A_862, %swap3A_863, %swap3A_864], %swap3A_867 {strides = array<i32>} : memref<8x32x256xf32, #tpu.memory_space<vmem>>, vector<1x1x16xf32>,
      %swap3A_868 = arith.constant 4 : i32
      %swap3A_869 = arith.index_cast %swap3A_868 : i32 to index
      %swap3A_870 = arith.index_cast %scan3A_832 : i32 to index
      %swap3A_871 = arith.constant 208 : index
      %swap3A_872 = tpu.vector_load %arg5[%swap3A_869, %swap3A_870, %swap3A_871] {strides = array<i32>} : memref<8x32x256xf32, #tpu.memory_space<vmem>>, vector<1x1x16xf32>,
      %swap3A_873 = vector.shape_cast %swap3A_872 : vector<1x1x16xf32> to vector<16xf32>
      %swap3A_874 = vector.shape_cast %get3A_655 : vector<16xf32> to vector<1x1x16xf32>
      tpu.vector_store %arg5[%swap3A_869, %swap3A_870, %swap3A_871], %swap3A_874 {strides = array<i32>} : memref<8x32x256xf32, #tpu.memory_space<vmem>>, vector<1x1x16xf32>,
      %swap3A_875 = arith.constant 4 : i32
      %swap3A_876 = arith.index_cast %swap3A_875 : i32 to index
      %swap3A_877 = arith.index_cast %scan3A_832 : i32 to index
      %swap3A_878 = arith.constant 224 : index
      %swap3A_879 = tpu.vector_load %arg5[%swap3A_876, %swap3A_877, %swap3A_878] {strides = array<i32>} : memref<8x32x256xf32, #tpu.memory_space<vmem>>, vector<1x1x16xf32>,
      %swap3A_880 = vector.shape_cast %swap3A_879 : vector<1x1x16xf32> to vector<16xf32>
      %swap3A_881 = vector.shape_cast %get3A_660 : vector<16xf32> to vector<1x1x16xf32>
      tpu.vector_store %arg5[%swap3A_876, %swap3A_877, %swap3A_878], %swap3A_881 {strides = array<i32>} : memref<8x32x256xf32, #tpu.memory_space<vmem>>, vector<1x1x16xf32>,
      %swap3A_882 = arith.constant 4 : i32
      %swap3A_883 = arith.index_cast %swap3A_882 : i32 to index
      %swap3A_884 = arith.index_cast %scan3A_832 : i32 to index
      %swap3A_885 = arith.constant 240 : index
      %swap3A_886 = tpu.vector_load %arg5[%swap3A_883, %swap3A_884, %swap3A_885] {strides = array<i32>} : memref<8x32x256xf32, #tpu.memory_space<vmem>>, vector<1x1x16xf32>,
      %swap3A_887 = vector.shape_cast %swap3A_886 : vector<1x1x16xf32> to vector<16xf32>
      %swap3A_888 = vector.shape_cast %get3A_665 : vector<16xf32> to vector<1x1x16xf32>
      tpu.vector_store %arg5[%swap3A_883, %swap3A_884, %swap3A_885], %swap3A_888 {strides = array<i32>} : memref<8x32x256xf32, #tpu.memory_space<vmem>>, vector<1x1x16xf32>,
      %scan3A_889 = arith.constant 0 : i32
      scf.yield %scan3A_889 : i32
    }
    %scan3A_672 = arith.constant 32 : i32
    %get3A_673 = arith.constant 5 : i32
    %get3A_674 = arith.index_cast %get3A_673 : i32 to index
    %get3A_675 = arith.constant 0 : index
    %get3A_676 = tpu.vector_load %arg6[%get3A_674, %get3A_675] {strides = array<i32>} : memref<8x128xf32, #tpu.memory_space<vmem>>, vector<1x16xf32>,
    %get3A_677 = vector.shape_cast %get3A_676 : vector<1x16xf32> to vector<16xf32>
    %get3A_678 = arith.constant 5 : i32
    %get3A_679 = arith.index_cast %get3A_678 : i32 to index
    %get3A_680 = arith.constant 16 : index
    %get3A_681 = tpu.vector_load %arg6[%get3A_679, %get3A_680] {strides = array<i32>} : memref<8x128xf32, #tpu.memory_space<vmem>>, vector<1x16xf32>,
    %get3A_682 = vector.shape_cast %get3A_681 : vector<1x16xf32> to vector<16xf32>
    %get3A_683 = arith.constant 5 : i32
    %get3A_684 = arith.index_cast %get3A_683 : i32 to index
    %get3A_685 = arith.constant 32 : index
    %get3A_686 = tpu.vector_load %arg6[%get3A_684, %get3A_685] {strides = array<i32>} : memref<8x128xf32, #tpu.memory_space<vmem>>, vector<1x16xf32>,
    %get3A_687 = vector.shape_cast %get3A_686 : vector<1x16xf32> to vector<16xf32>
    %get3A_688 = arith.constant 5 : i32
    %get3A_689 = arith.index_cast %get3A_688 : i32 to index
    %get3A_690 = arith.constant 48 : index
    %get3A_691 = tpu.vector_load %arg6[%get3A_689, %get3A_690] {strides = array<i32>} : memref<8x128xf32, #tpu.memory_space<vmem>>, vector<1x16xf32>,
    %get3A_692 = vector.shape_cast %get3A_691 : vector<1x16xf32> to vector<16xf32>
    %get3A_693 = arith.constant 5 : i32
    %get3A_694 = arith.index_cast %get3A_693 : i32 to index
    %get3A_695 = arith.constant 64 : index
    %get3A_696 = tpu.vector_load %arg6[%get3A_694, %get3A_695] {strides = array<i32>} : memref<8x128xf32, #tpu.memory_space<vmem>>, vector<1x16xf32>,
    %get3A_697 = vector.shape_cast %get3A_696 : vector<1x16xf32> to vector<16xf32>
    %get3A_698 = arith.constant 5 : i32
    %get3A_699 = arith.index_cast %get3A_698 : i32 to index
    %get3A_700 = arith.constant 80 : index
    %get3A_701 = tpu.vector_load %arg6[%get3A_699, %get3A_700] {strides = array<i32>} : memref<8x128xf32, #tpu.memory_space<vmem>>, vector<1x16xf32>,
    %get3A_702 = vector.shape_cast %get3A_701 : vector<1x16xf32> to vector<16xf32>
    %get3A_703 = arith.constant 5 : i32
    %get3A_704 = arith.index_cast %get3A_703 : i32 to index
    %get3A_705 = arith.constant 96 : index
    %get3A_706 = tpu.vector_load %arg6[%get3A_704, %get3A_705] {strides = array<i32>} : memref<8x128xf32, #tpu.memory_space<vmem>>, vector<1x16xf32>,
    %get3A_707 = vector.shape_cast %get3A_706 : vector<1x16xf32> to vector<16xf32>
    %get3A_708 = arith.constant 5 : i32
    %get3A_709 = arith.index_cast %get3A_708 : i32 to index
    %get3A_710 = arith.constant 112 : index
    %get3A_711 = tpu.vector_load %arg6[%get3A_709, %get3A_710] {strides = array<i32>} : memref<8x128xf32, #tpu.memory_space<vmem>>, vector<1x16xf32>,
    %get3A_712 = vector.shape_cast %get3A_711 : vector<1x16xf32> to vector<16xf32>
    %scan3A_713 = arith.constant 0 : i32
    %scan3A_714 = arith.constant 0 : i32
    %scan3A_715 = arith.constant 32 : i32
    %scan3A_716 = arith.addi %scan3A_714, %scan3A_715 : i32
    %scan3A_717 = arith.constant 1 : i32
    %scan3A_718 = scf.for %scan3A_832 = %scan3A_714 to %scan3A_716 step %scan3A_717 iter_args(%scan3A_833 = %scan3A_713) -> (i32)  : i32 {
      %swap3A = arith.constant 5 : i32
      %swap3A_834 = arith.index_cast %swap3A : i32 to index
      %swap3A_835 = arith.index_cast %scan3A_832 : i32 to index
      %swap3A_836 = arith.constant 128 : index
      %swap3A_837 = tpu.vector_load %arg5[%swap3A_834, %swap3A_835, %swap3A_836] {strides = array<i32>} : memref<8x32x256xf32, #tpu.memory_space<vmem>>, vector<1x1x16xf32>,
      %swap3A_838 = vector.shape_cast %swap3A_837 : vector<1x1x16xf32> to vector<16xf32>
      %swap3A_839 = vector.shape_cast %get3A_677 : vector<16xf32> to vector<1x1x16xf32>
      tpu.vector_store %arg5[%swap3A_834, %swap3A_835, %swap3A_836], %swap3A_839 {strides = array<i32>} : memref<8x32x256xf32, #tpu.memory_space<vmem>>, vector<1x1x16xf32>,
      %swap3A_840 = arith.constant 5 : i32
      %swap3A_841 = arith.index_cast %swap3A_840 : i32 to index
      %swap3A_842 = arith.index_cast %scan3A_832 : i32 to index
      %swap3A_843 = arith.constant 144 : index
      %swap3A_844 = tpu.vector_load %arg5[%swap3A_841, %swap3A_842, %swap3A_843] {strides = array<i32>} : memref<8x32x256xf32, #tpu.memory_space<vmem>>, vector<1x1x16xf32>,
      %swap3A_845 = vector.shape_cast %swap3A_844 : vector<1x1x16xf32> to vector<16xf32>
      %swap3A_846 = vector.shape_cast %get3A_682 : vector<16xf32> to vector<1x1x16xf32>
      tpu.vector_store %arg5[%swap3A_841, %swap3A_842, %swap3A_843], %swap3A_846 {strides = array<i32>} : memref<8x32x256xf32, #tpu.memory_space<vmem>>, vector<1x1x16xf32>,
      %swap3A_847 = arith.constant 5 : i32
      %swap3A_848 = arith.index_cast %swap3A_847 : i32 to index
      %swap3A_849 = arith.index_cast %scan3A_832 : i32 to index
      %swap3A_850 = arith.constant 160 : index
      %swap3A_851 = tpu.vector_load %arg5[%swap3A_848, %swap3A_849, %swap3A_850] {strides = array<i32>} : memref<8x32x256xf32, #tpu.memory_space<vmem>>, vector<1x1x16xf32>,
      %swap3A_852 = vector.shape_cast %swap3A_851 : vector<1x1x16xf32> to vector<16xf32>
      %swap3A_853 = vector.shape_cast %get3A_687 : vector<16xf32> to vector<1x1x16xf32>
      tpu.vector_store %arg5[%swap3A_848, %swap3A_849, %swap3A_850], %swap3A_853 {strides = array<i32>} : memref<8x32x256xf32, #tpu.memory_space<vmem>>, vector<1x1x16xf32>,
      %swap3A_854 = arith.constant 5 : i32
      %swap3A_855 = arith.index_cast %swap3A_854 : i32 to index
      %swap3A_856 = arith.index_cast %scan3A_832 : i32 to index
      %swap3A_857 = arith.constant 176 : index
      %swap3A_858 = tpu.vector_load %arg5[%swap3A_855, %swap3A_856, %swap3A_857] {strides = array<i32>} : memref<8x32x256xf32, #tpu.memory_space<vmem>>, vector<1x1x16xf32>,
      %swap3A_859 = vector.shape_cast %swap3A_858 : vector<1x1x16xf32> to vector<16xf32>
      %swap3A_860 = vector.shape_cast %get3A_692 : vector<16xf32> to vector<1x1x16xf32>
      tpu.vector_store %arg5[%swap3A_855, %swap3A_856, %swap3A_857], %swap3A_860 {strides = array<i32>} : memref<8x32x256xf32, #tpu.memory_space<vmem>>, vector<1x1x16xf32>,
      %swap3A_861 = arith.constant 5 : i32
      %swap3A_862 = arith.index_cast %swap3A_861 : i32 to index
      %swap3A_863 = arith.index_cast %scan3A_832 : i32 to index
      %swap3A_864 = arith.constant 192 : index
      %swap3A_865 = tpu.vector_load %arg5[%swap3A_862, %swap3A_863, %swap3A_864] {strides = array<i32>} : memref<8x32x256xf32, #tpu.memory_space<vmem>>, vector<1x1x16xf32>,
      %swap3A_866 = vector.shape_cast %swap3A_865 : vector<1x1x16xf32> to vector<16xf32>
      %swap3A_867 = vector.shape_cast %get3A_697 : vector<16xf32> to vector<1x1x16xf32>
      tpu.vector_store %arg5[%swap3A_862, %swap3A_863, %swap3A_864], %swap3A_867 {strides = array<i32>} : memref<8x32x256xf32, #tpu.memory_space<vmem>>, vector<1x1x16xf32>,
      %swap3A_868 = arith.constant 5 : i32
      %swap3A_869 = arith.index_cast %swap3A_868 : i32 to index
      %swap3A_870 = arith.index_cast %scan3A_832 : i32 to index
      %swap3A_871 = arith.constant 208 : index
      %swap3A_872 = tpu.vector_load %arg5[%swap3A_869, %swap3A_870, %swap3A_871] {strides = array<i32>} : memref<8x32x256xf32, #tpu.memory_space<vmem>>, vector<1x1x16xf32>,
      %swap3A_873 = vector.shape_cast %swap3A_872 : vector<1x1x16xf32> to vector<16xf32>
      %swap3A_874 = vector.shape_cast %get3A_702 : vector<16xf32> to vector<1x1x16xf32>
      tpu.vector_store %arg5[%swap3A_869, %swap3A_870, %swap3A_871], %swap3A_874 {strides = array<i32>} : memref<8x32x256xf32, #tpu.memory_space<vmem>>, vector<1x1x16xf32>,
      %swap3A_875 = arith.constant 5 : i32
      %swap3A_876 = arith.index_cast %swap3A_875 : i32 to index
      %swap3A_877 = arith.index_cast %scan3A_832 : i32 to index
      %swap3A_878 = arith.constant 224 : index
      %swap3A_879 = tpu.vector_load %arg5[%swap3A_876, %swap3A_877, %swap3A_878] {strides = array<i32>} : memref<8x32x256xf32, #tpu.memory_space<vmem>>, vector<1x1x16xf32>,
      %swap3A_880 = vector.shape_cast %swap3A_879 : vector<1x1x16xf32> to vector<16xf32>
      %swap3A_881 = vector.shape_cast %get3A_707 : vector<16xf32> to vector<1x1x16xf32>
      tpu.vector_store %arg5[%swap3A_876, %swap3A_877, %swap3A_878], %swap3A_881 {strides = array<i32>} : memref<8x32x256xf32, #tpu.memory_space<vmem>>, vector<1x1x16xf32>,
      %swap3A_882 = arith.constant 5 : i32
      %swap3A_883 = arith.index_cast %swap3A_882 : i32 to index
      %swap3A_884 = arith.index_cast %scan3A_832 : i32 to index
      %swap3A_885 = arith.constant 240 : index
      %swap3A_886 = tpu.vector_load %arg5[%swap3A_883, %swap3A_884, %swap3A_885] {strides = array<i32>} : memref<8x32x256xf32, #tpu.memory_space<vmem>>, vector<1x1x16xf32>,
      %swap3A_887 = vector.shape_cast %swap3A_886 : vector<1x1x16xf32> to vector<16xf32>
      %swap3A_888 = vector.shape_cast %get3A_712 : vector<16xf32> to vector<1x1x16xf32>
      tpu.vector_store %arg5[%swap3A_883, %swap3A_884, %swap3A_885], %swap3A_888 {strides = array<i32>} : memref<8x32x256xf32, #tpu.memory_space<vmem>>, vector<1x1x16xf32>,
      %scan3A_889 = arith.constant 0 : i32
      scf.yield %scan3A_889 : i32
    }
    %scan3A_719 = arith.constant 32 : i32
    %get3A_720 = arith.constant 6 : i32
    %get3A_721 = arith.index_cast %get3A_720 : i32 to index
    %get3A_722 = arith.constant 0 : index
    %get3A_723 = tpu.vector_load %arg6[%get3A_721, %get3A_722] {strides = array<i32>} : memref<8x128xf32, #tpu.memory_space<vmem>>, vector<1x16xf32>,
    %get3A_724 = vector.shape_cast %get3A_723 : vector<1x16xf32> to vector<16xf32>
    %get3A_725 = arith.constant 6 : i32
    %get3A_726 = arith.index_cast %get3A_725 : i32 to index
    %get3A_727 = arith.constant 16 : index
    %get3A_728 = tpu.vector_load %arg6[%get3A_726, %get3A_727] {strides = array<i32>} : memref<8x128xf32, #tpu.memory_space<vmem>>, vector<1x16xf32>,
    %get3A_729 = vector.shape_cast %get3A_728 : vector<1x16xf32> to vector<16xf32>
    %get3A_730 = arith.constant 6 : i32
    %get3A_731 = arith.index_cast %get3A_730 : i32 to index
    %get3A_732 = arith.constant 32 : index
    %get3A_733 = tpu.vector_load %arg6[%get3A_731, %get3A_732] {strides = array<i32>} : memref<8x128xf32, #tpu.memory_space<vmem>>, vector<1x16xf32>,
    %get3A_734 = vector.shape_cast %get3A_733 : vector<1x16xf32> to vector<16xf32>
    %get3A_735 = arith.constant 6 : i32
    %get3A_736 = arith.index_cast %get3A_735 : i32 to index
    %get3A_737 = arith.constant 48 : index
    %get3A_738 = tpu.vector_load %arg6[%get3A_736, %get3A_737] {strides = array<i32>} : memref<8x128xf32, #tpu.memory_space<vmem>>, vector<1x16xf32>,
    %get3A_739 = vector.shape_cast %get3A_738 : vector<1x16xf32> to vector<16xf32>
    %get3A_740 = arith.constant 6 : i32
    %get3A_741 = arith.index_cast %get3A_740 : i32 to index
    %get3A_742 = arith.constant 64 : index
    %get3A_743 = tpu.vector_load %arg6[%get3A_741, %get3A_742] {strides = array<i32>} : memref<8x128xf32, #tpu.memory_space<vmem>>, vector<1x16xf32>,
    %get3A_744 = vector.shape_cast %get3A_743 : vector<1x16xf32> to vector<16xf32>
    %get3A_745 = arith.constant 6 : i32
    %get3A_746 = arith.index_cast %get3A_745 : i32 to index
    %get3A_747 = arith.constant 80 : index
    %get3A_748 = tpu.vector_load %arg6[%get3A_746, %get3A_747] {strides = array<i32>} : memref<8x128xf32, #tpu.memory_space<vmem>>, vector<1x16xf32>,
    %get3A_749 = vector.shape_cast %get3A_748 : vector<1x16xf32> to vector<16xf32>
    %get3A_750 = arith.constant 6 : i32
    %get3A_751 = arith.index_cast %get3A_750 : i32 to index
    %get3A_752 = arith.constant 96 : index
    %get3A_753 = tpu.vector_load %arg6[%get3A_751, %get3A_752] {strides = array<i32>} : memref<8x128xf32, #tpu.memory_space<vmem>>, vector<1x16xf32>,
    %get3A_754 = vector.shape_cast %get3A_753 : vector<1x16xf32> to vector<16xf32>
    %get3A_755 = arith.constant 6 : i32
    %get3A_756 = arith.index_cast %get3A_755 : i32 to index
    %get3A_757 = arith.constant 112 : index
    %get3A_758 = tpu.vector_load %arg6[%get3A_756, %get3A_757] {strides = array<i32>} : memref<8x128xf32, #tpu.memory_space<vmem>>, vector<1x16xf32>,
    %get3A_759 = vector.shape_cast %get3A_758 : vector<1x16xf32> to vector<16xf32>
    %scan3A_760 = arith.constant 0 : i32
    %scan3A_761 = arith.constant 0 : i32
    %scan3A_762 = arith.constant 32 : i32
    %scan3A_763 = arith.addi %scan3A_761, %scan3A_762 : i32
    %scan3A_764 = arith.constant 1 : i32
    %scan3A_765 = scf.for %scan3A_832 = %scan3A_761 to %scan3A_763 step %scan3A_764 iter_args(%scan3A_833 = %scan3A_760) -> (i32)  : i32 {
      %swap3A = arith.constant 6 : i32
      %swap3A_834 = arith.index_cast %swap3A : i32 to index
      %swap3A_835 = arith.index_cast %scan3A_832 : i32 to index
      %swap3A_836 = arith.constant 128 : index
      %swap3A_837 = tpu.vector_load %arg5[%swap3A_834, %swap3A_835, %swap3A_836] {strides = array<i32>} : memref<8x32x256xf32, #tpu.memory_space<vmem>>, vector<1x1x16xf32>,
      %swap3A_838 = vector.shape_cast %swap3A_837 : vector<1x1x16xf32> to vector<16xf32>
      %swap3A_839 = vector.shape_cast %get3A_724 : vector<16xf32> to vector<1x1x16xf32>
      tpu.vector_store %arg5[%swap3A_834, %swap3A_835, %swap3A_836], %swap3A_839 {strides = array<i32>} : memref<8x32x256xf32, #tpu.memory_space<vmem>>, vector<1x1x16xf32>,
      %swap3A_840 = arith.constant 6 : i32
      %swap3A_841 = arith.index_cast %swap3A_840 : i32 to index
      %swap3A_842 = arith.index_cast %scan3A_832 : i32 to index
      %swap3A_843 = arith.constant 144 : index
      %swap3A_844 = tpu.vector_load %arg5[%swap3A_841, %swap3A_842, %swap3A_843] {strides = array<i32>} : memref<8x32x256xf32, #tpu.memory_space<vmem>>, vector<1x1x16xf32>,
      %swap3A_845 = vector.shape_cast %swap3A_844 : vector<1x1x16xf32> to vector<16xf32>
      %swap3A_846 = vector.shape_cast %get3A_729 : vector<16xf32> to vector<1x1x16xf32>
      tpu.vector_store %arg5[%swap3A_841, %swap3A_842, %swap3A_843], %swap3A_846 {strides = array<i32>} : memref<8x32x256xf32, #tpu.memory_space<vmem>>, vector<1x1x16xf32>,
      %swap3A_847 = arith.constant 6 : i32
      %swap3A_848 = arith.index_cast %swap3A_847 : i32 to index
      %swap3A_849 = arith.index_cast %scan3A_832 : i32 to index
      %swap3A_850 = arith.constant 160 : index
      %swap3A_851 = tpu.vector_load %arg5[%swap3A_848, %swap3A_849, %swap3A_850] {strides = array<i32>} : memref<8x32x256xf32, #tpu.memory_space<vmem>>, vector<1x1x16xf32>,
      %swap3A_852 = vector.shape_cast %swap3A_851 : vector<1x1x16xf32> to vector<16xf32>
      %swap3A_853 = vector.shape_cast %get3A_734 : vector<16xf32> to vector<1x1x16xf32>
      tpu.vector_store %arg5[%swap3A_848, %swap3A_849, %swap3A_850], %swap3A_853 {strides = array<i32>} : memref<8x32x256xf32, #tpu.memory_space<vmem>>, vector<1x1x16xf32>,
      %swap3A_854 = arith.constant 6 : i32
      %swap3A_855 = arith.index_cast %swap3A_854 : i32 to index
      %swap3A_856 = arith.index_cast %scan3A_832 : i32 to index
      %swap3A_857 = arith.constant 176 : index
      %swap3A_858 = tpu.vector_load %arg5[%swap3A_855, %swap3A_856, %swap3A_857] {strides = array<i32>} : memref<8x32x256xf32, #tpu.memory_space<vmem>>, vector<1x1x16xf32>,
      %swap3A_859 = vector.shape_cast %swap3A_858 : vector<1x1x16xf32> to vector<16xf32>
      %swap3A_860 = vector.shape_cast %get3A_739 : vector<16xf32> to vector<1x1x16xf32>
      tpu.vector_store %arg5[%swap3A_855, %swap3A_856, %swap3A_857], %swap3A_860 {strides = array<i32>} : memref<8x32x256xf32, #tpu.memory_space<vmem>>, vector<1x1x16xf32>,
      %swap3A_861 = arith.constant 6 : i32
      %swap3A_862 = arith.index_cast %swap3A_861 : i32 to index
      %swap3A_863 = arith.index_cast %scan3A_832 : i32 to index
      %swap3A_864 = arith.constant 192 : index
      %swap3A_865 = tpu.vector_load %arg5[%swap3A_862, %swap3A_863, %swap3A_864] {strides = array<i32>} : memref<8x32x256xf32, #tpu.memory_space<vmem>>, vector<1x1x16xf32>,
      %swap3A_866 = vector.shape_cast %swap3A_865 : vector<1x1x16xf32> to vector<16xf32>
      %swap3A_867 = vector.shape_cast %get3A_744 : vector<16xf32> to vector<1x1x16xf32>
      tpu.vector_store %arg5[%swap3A_862, %swap3A_863, %swap3A_864], %swap3A_867 {strides = array<i32>} : memref<8x32x256xf32, #tpu.memory_space<vmem>>, vector<1x1x16xf32>,
      %swap3A_868 = arith.constant 6 : i32
      %swap3A_869 = arith.index_cast %swap3A_868 : i32 to index
      %swap3A_870 = arith.index_cast %scan3A_832 : i32 to index
      %swap3A_871 = arith.constant 208 : index
      %swap3A_872 = tpu.vector_load %arg5[%swap3A_869, %swap3A_870, %swap3A_871] {strides = array<i32>} : memref<8x32x256xf32, #tpu.memory_space<vmem>>, vector<1x1x16xf32>,
      %swap3A_873 = vector.shape_cast %swap3A_872 : vector<1x1x16xf32> to vector<16xf32>
      %swap3A_874 = vector.shape_cast %get3A_749 : vector<16xf32> to vector<1x1x16xf32>
      tpu.vector_store %arg5[%swap3A_869, %swap3A_870, %swap3A_871], %swap3A_874 {strides = array<i32>} : memref<8x32x256xf32, #tpu.memory_space<vmem>>, vector<1x1x16xf32>,
      %swap3A_875 = arith.constant 6 : i32
      %swap3A_876 = arith.index_cast %swap3A_875 : i32 to index
      %swap3A_877 = arith.index_cast %scan3A_832 : i32 to index
      %swap3A_878 = arith.constant 224 : index
      %swap3A_879 = tpu.vector_load %arg5[%swap3A_876, %swap3A_877, %swap3A_878] {strides = array<i32>} : memref<8x32x256xf32, #tpu.memory_space<vmem>>, vector<1x1x16xf32>,
      %swap3A_880 = vector.shape_cast %swap3A_879 : vector<1x1x16xf32> to vector<16xf32>
      %swap3A_881 = vector.shape_cast %get3A_754 : vector<16xf32> to vector<1x1x16xf32>
      tpu.vector_store %arg5[%swap3A_876, %swap3A_877, %swap3A_878], %swap3A_881 {strides = array<i32>} : memref<8x32x256xf32, #tpu.memory_space<vmem>>, vector<1x1x16xf32>,
      %swap3A_882 = arith.constant 6 : i32
      %swap3A_883 = arith.index_cast %swap3A_882 : i32 to index
      %swap3A_884 = arith.index_cast %scan3A_832 : i32 to index
      %swap3A_885 = arith.constant 240 : index
      %swap3A_886 = tpu.vector_load %arg5[%swap3A_883, %swap3A_884, %swap3A_885] {strides = array<i32>} : memref<8x32x256xf32, #tpu.memory_space<vmem>>, vector<1x1x16xf32>,
      %swap3A_887 = vector.shape_cast %swap3A_886 : vector<1x1x16xf32> to vector<16xf32>
      %swap3A_888 = vector.shape_cast %get3A_759 : vector<16xf32> to vector<1x1x16xf32>
      tpu.vector_store %arg5[%swap3A_883, %swap3A_884, %swap3A_885], %swap3A_888 {strides = array<i32>} : memref<8x32x256xf32, #tpu.memory_space<vmem>>, vector<1x1x16xf32>,
      %scan3A_889 = arith.constant 0 : i32
      scf.yield %scan3A_889 : i32
    }
    %scan3A_766 = arith.constant 32 : i32
    %get3A_767 = arith.constant 7 : i32
    %get3A_768 = arith.index_cast %get3A_767 : i32 to index
    %get3A_769 = arith.constant 0 : index
    %get3A_770 = tpu.vector_load %arg6[%get3A_768, %get3A_769] {strides = array<i32>} : memref<8x128xf32, #tpu.memory_space<vmem>>, vector<1x16xf32>,
    %get3A_771 = vector.shape_cast %get3A_770 : vector<1x16xf32> to vector<16xf32>
    %get3A_772 = arith.constant 7 : i32
    %get3A_773 = arith.index_cast %get3A_772 : i32 to index
    %get3A_774 = arith.constant 16 : index
    %get3A_775 = tpu.vector_load %arg6[%get3A_773, %get3A_774] {strides = array<i32>} : memref<8x128xf32, #tpu.memory_space<vmem>>, vector<1x16xf32>,
    %get3A_776 = vector.shape_cast %get3A_775 : vector<1x16xf32> to vector<16xf32>
    %get3A_777 = arith.constant 7 : i32
    %get3A_778 = arith.index_cast %get3A_777 : i32 to index
    %get3A_779 = arith.constant 32 : index
    %get3A_780 = tpu.vector_load %arg6[%get3A_778, %get3A_779] {strides = array<i32>} : memref<8x128xf32, #tpu.memory_space<vmem>>, vector<1x16xf32>,
    %get3A_781 = vector.shape_cast %get3A_780 : vector<1x16xf32> to vector<16xf32>
    %get3A_782 = arith.constant 7 : i32
    %get3A_783 = arith.index_cast %get3A_782 : i32 to index
    %get3A_784 = arith.constant 48 : index
    %get3A_785 = tpu.vector_load %arg6[%get3A_783, %get3A_784] {strides = array<i32>} : memref<8x128xf32, #tpu.memory_space<vmem>>, vector<1x16xf32>,
    %get3A_786 = vector.shape_cast %get3A_785 : vector<1x16xf32> to vector<16xf32>
    %get3A_787 = arith.constant 7 : i32
    %get3A_788 = arith.index_cast %get3A_787 : i32 to index
    %get3A_789 = arith.constant 64 : index
    %get3A_790 = tpu.vector_load %arg6[%get3A_788, %get3A_789] {strides = array<i32>} : memref<8x128xf32, #tpu.memory_space<vmem>>, vector<1x16xf32>,
    %get3A_791 = vector.shape_cast %get3A_790 : vector<1x16xf32> to vector<16xf32>
    %get3A_792 = arith.constant 7 : i32
    %get3A_793 = arith.index_cast %get3A_792 : i32 to index
    %get3A_794 = arith.constant 80 : index
    %get3A_795 = tpu.vector_load %arg6[%get3A_793, %get3A_794] {strides = array<i32>} : memref<8x128xf32, #tpu.memory_space<vmem>>, vector<1x16xf32>,
    %get3A_796 = vector.shape_cast %get3A_795 : vector<1x16xf32> to vector<16xf32>
    %get3A_797 = arith.constant 7 : i32
    %get3A_798 = arith.index_cast %get3A_797 : i32 to index
    %get3A_799 = arith.constant 96 : index
    %get3A_800 = tpu.vector_load %arg6[%get3A_798, %get3A_799] {strides = array<i32>} : memref<8x128xf32, #tpu.memory_space<vmem>>, vector<1x16xf32>,
    %get3A_801 = vector.shape_cast %get3A_800 : vector<1x16xf32> to vector<16xf32>
    %get3A_802 = arith.constant 7 : i32
    %get3A_803 = arith.index_cast %get3A_802 : i32 to index
    %get3A_804 = arith.constant 112 : index
    %get3A_805 = tpu.vector_load %arg6[%get3A_803, %get3A_804] {strides = array<i32>} : memref<8x128xf32, #tpu.memory_space<vmem>>, vector<1x16xf32>,
    %get3A_806 = vector.shape_cast %get3A_805 : vector<1x16xf32> to vector<16xf32>
    %scan3A_807 = arith.constant 0 : i32
    %scan3A_808 = arith.constant 0 : i32
    %scan3A_809 = arith.constant 32 : i32
    %scan3A_810 = arith.addi %scan3A_808, %scan3A_809 : i32
    %scan3A_811 = arith.constant 1 : i32
    %scan3A_812 = scf.for %scan3A_832 = %scan3A_808 to %scan3A_810 step %scan3A_811 iter_args(%scan3A_833 = %scan3A_807) -> (i32)  : i32 {
      %swap3A = arith.constant 7 : i32
      %swap3A_834 = arith.index_cast %swap3A : i32 to index
      %swap3A_835 = arith.index_cast %scan3A_832 : i32 to index
      %swap3A_836 = arith.constant 128 : index
      %swap3A_837 = tpu.vector_load %arg5[%swap3A_834, %swap3A_835, %swap3A_836] {strides = array<i32>} : memref<8x32x256xf32, #tpu.memory_space<vmem>>, vector<1x1x16xf32>,
      %swap3A_838 = vector.shape_cast %swap3A_837 : vector<1x1x16xf32> to vector<16xf32>
      %swap3A_839 = vector.shape_cast %get3A_771 : vector<16xf32> to vector<1x1x16xf32>
      tpu.vector_store %arg5[%swap3A_834, %swap3A_835, %swap3A_836], %swap3A_839 {strides = array<i32>} : memref<8x32x256xf32, #tpu.memory_space<vmem>>, vector<1x1x16xf32>,
      %swap3A_840 = arith.constant 7 : i32
      %swap3A_841 = arith.index_cast %swap3A_840 : i32 to index
      %swap3A_842 = arith.index_cast %scan3A_832 : i32 to index
      %swap3A_843 = arith.constant 144 : index
      %swap3A_844 = tpu.vector_load %arg5[%swap3A_841, %swap3A_842, %swap3A_843] {strides = array<i32>} : memref<8x32x256xf32, #tpu.memory_space<vmem>>, vector<1x1x16xf32>,
      %swap3A_845 = vector.shape_cast %swap3A_844 : vector<1x1x16xf32> to vector<16xf32>
      %swap3A_846 = vector.shape_cast %get3A_776 : vector<16xf32> to vector<1x1x16xf32>
      tpu.vector_store %arg5[%swap3A_841, %swap3A_842, %swap3A_843], %swap3A_846 {strides = array<i32>} : memref<8x32x256xf32, #tpu.memory_space<vmem>>, vector<1x1x16xf32>,
      %swap3A_847 = arith.constant 7 : i32
      %swap3A_848 = arith.index_cast %swap3A_847 : i32 to index
      %swap3A_849 = arith.index_cast %scan3A_832 : i32 to index
      %swap3A_850 = arith.constant 160 : index
      %swap3A_851 = tpu.vector_load %arg5[%swap3A_848, %swap3A_849, %swap3A_850] {strides = array<i32>} : memref<8x32x256xf32, #tpu.memory_space<vmem>>, vector<1x1x16xf32>,
      %swap3A_852 = vector.shape_cast %swap3A_851 : vector<1x1x16xf32> to vector<16xf32>
      %swap3A_853 = vector.shape_cast %get3A_781 : vector<16xf32> to vector<1x1x16xf32>
      tpu.vector_store %arg5[%swap3A_848, %swap3A_849, %swap3A_850], %swap3A_853 {strides = array<i32>} : memref<8x32x256xf32, #tpu.memory_space<vmem>>, vector<1x1x16xf32>,
      %swap3A_854 = arith.constant 7 : i32
      %swap3A_855 = arith.index_cast %swap3A_854 : i32 to index
      %swap3A_856 = arith.index_cast %scan3A_832 : i32 to index
      %swap3A_857 = arith.constant 176 : index
      %swap3A_858 = tpu.vector_load %arg5[%swap3A_855, %swap3A_856, %swap3A_857] {strides = array<i32>} : memref<8x32x256xf32, #tpu.memory_space<vmem>>, vector<1x1x16xf32>,
      %swap3A_859 = vector.shape_cast %swap3A_858 : vector<1x1x16xf32> to vector<16xf32>
      %swap3A_860 = vector.shape_cast %get3A_786 : vector<16xf32> to vector<1x1x16xf32>
      tpu.vector_store %arg5[%swap3A_855, %swap3A_856, %swap3A_857], %swap3A_860 {strides = array<i32>} : memref<8x32x256xf32, #tpu.memory_space<vmem>>, vector<1x1x16xf32>,
      %swap3A_861 = arith.constant 7 : i32
      %swap3A_862 = arith.index_cast %swap3A_861 : i32 to index
      %swap3A_863 = arith.index_cast %scan3A_832 : i32 to index
      %swap3A_864 = arith.constant 192 : index
      %swap3A_865 = tpu.vector_load %arg5[%swap3A_862, %swap3A_863, %swap3A_864] {strides = array<i32>} : memref<8x32x256xf32, #tpu.memory_space<vmem>>, vector<1x1x16xf32>,
      %swap3A_866 = vector.shape_cast %swap3A_865 : vector<1x1x16xf32> to vector<16xf32>
      %swap3A_867 = vector.shape_cast %get3A_791 : vector<16xf32> to vector<1x1x16xf32>
      tpu.vector_store %arg5[%swap3A_862, %swap3A_863, %swap3A_864], %swap3A_867 {strides = array<i32>} : memref<8x32x256xf32, #tpu.memory_space<vmem>>, vector<1x1x16xf32>,
      %swap3A_868 = arith.constant 7 : i32
      %swap3A_869 = arith.index_cast %swap3A_868 : i32 to index
      %swap3A_870 = arith.index_cast %scan3A_832 : i32 to index
      %swap3A_871 = arith.constant 208 : index
      %swap3A_872 = tpu.vector_load %arg5[%swap3A_869, %swap3A_870, %swap3A_871] {strides = array<i32>} : memref<8x32x256xf32, #tpu.memory_space<vmem>>, vector<1x1x16xf32>,
      %swap3A_873 = vector.shape_cast %swap3A_872 : vector<1x1x16xf32> to vector<16xf32>
      %swap3A_874 = vector.shape_cast %get3A_796 : vector<16xf32> to vector<1x1x16xf32>
      tpu.vector_store %arg5[%swap3A_869, %swap3A_870, %swap3A_871], %swap3A_874 {strides = array<i32>} : memref<8x32x256xf32, #tpu.memory_space<vmem>>, vector<1x1x16xf32>,
      %swap3A_875 = arith.constant 7 : i32
      %swap3A_876 = arith.index_cast %swap3A_875 : i32 to index
      %swap3A_877 = arith.index_cast %scan3A_832 : i32 to index
      %swap3A_878 = arith.constant 224 : index
      %swap3A_879 = tpu.vector_load %arg5[%swap3A_876, %swap3A_877, %swap3A_878] {strides = array<i32>} : memref<8x32x256xf32, #tpu.memory_space<vmem>>, vector<1x1x16xf32>,
      %swap3A_880 = vector.shape_cast %swap3A_879 : vector<1x1x16xf32> to vector<16xf32>
      %swap3A_881 = vector.shape_cast %get3A_801 : vector<16xf32> to vector<1x1x16xf32>
      tpu.vector_store %arg5[%swap3A_876, %swap3A_877, %swap3A_878], %swap3A_881 {strides = array<i32>} : memref<8x32x256xf32, #tpu.memory_space<vmem>>, vector<1x1x16xf32>,
      %swap3A_882 = arith.constant 7 : i32
      %swap3A_883 = arith.index_cast %swap3A_882 : i32 to index
      %swap3A_884 = arith.index_cast %scan3A_832 : i32 to index
      %swap3A_885 = arith.constant 240 : index
      %swap3A_886 = tpu.vector_load %arg5[%swap3A_883, %swap3A_884, %swap3A_885] {strides = array<i32>} : memref<8x32x256xf32, #tpu.memory_space<vmem>>, vector<1x1x16xf32>,
      %swap3A_887 = vector.shape_cast %swap3A_886 : vector<1x1x16xf32> to vector<16xf32>
      %swap3A_888 = vector.shape_cast %get3A_806 : vector<16xf32> to vector<1x1x16xf32>
      tpu.vector_store %arg5[%swap3A_883, %swap3A_884, %swap3A_885], %swap3A_888 {strides = array<i32>} : memref<8x32x256xf32, #tpu.memory_space<vmem>>, vector<1x1x16xf32>,
      %scan3A_889 = arith.constant 0 : i32
      scf.yield %scan3A_889 : i32
    }
    %scan3A_813 = arith.constant 32 : i32
    %add3A_814 = arith.constant 8 : i32
    %add3A_815 = arith.addi %mul3A_32, %add3A_814 : i32
    %dma_start3A_816 = arith.constant 0 : i32
    %dma_start3A_817 = arith.constant 0 : i32
    %dma_start3A_818 = tpu.memref_slice %arg4[%select_n3A, %add3A_815, %dma_start3A_816, %dma_start3A_817] : memref<16x32x32x256xf32, #tpu.memory_space<hbm>> -> memref<1x8x32x256xf32, #tpu.memory_space<hbm>>
    %dma_start3A_819 = tpu.memref_squeeze %dma_start3A_818 : memref<1x8x32x256xf32, #tpu.memory_space<hbm>> -> memref<8x32x256xf32, #tpu.memory_space<hbm>>
    %dma_start3A_820 = arith.constant 0 : i32
    %dma_start3A_821 = arith.constant 0 : i32
    %dma_start3A_822 = tpu.memref_slice %arg4[%select_n3A, %add3A_815, %dma_start3A_820, %dma_start3A_821] : memref<16x32x32x256xf32, #tpu.memory_space<hbm>> -> memref<1x8x32x256xf32, #tpu.memory_space<hbm>>
    %dma_start3A_823 = tpu.memref_squeeze %dma_start3A_822 : memref<1x8x32x256xf32, #tpu.memory_space<hbm>> -> memref<8x32x256xf32, #tpu.memory_space<hbm>>
    tpu.enqueue_dma source(%arg5 : memref<8x32x256xf32, #tpu.memory_space<vmem>>) target(%dma_start3A_823 : memref<8x32x256xf32, #tpu.memory_space<hbm>>) target_semaphore(%arg7 : memref<!tpu.dma_semaphore, #tpu.memory_space<semaphore_mem>>)
    %dma_wait3A_824 = arith.constant 0 : i32
    %dma_wait3A_825 = arith.constant 0 : i32
    %dma_wait3A_826 = tpu.memref_slice %arg4[%select_n3A, %add3A_815, %dma_wait3A_824, %dma_wait3A_825] : memref<16x32x32x256xf32, #tpu.memory_space<hbm>> -> memref<1x8x32x256xf32, #tpu.memory_space<hbm>>
    %dma_wait3A_827 = tpu.memref_squeeze %dma_wait3A_826 : memref<1x8x32x256xf32, #tpu.memory_space<hbm>> -> memref<8x32x256xf32, #tpu.memory_space<hbm>>
    %dma_wait3A_828 = arith.constant 0 : i32
    %dma_wait3A_829 = arith.constant 0 : i32
    %dma_wait3A_830 = tpu.memref_slice %arg4[%select_n3A, %add3A_815, %dma_wait3A_828, %dma_wait3A_829] : memref<16x32x32x256xf32, #tpu.memory_space<hbm>> -> memref<1x8x32x256xf32, #tpu.memory_space<hbm>>
    %dma_wait3A_831 = tpu.memref_squeeze %dma_wait3A_830 : memref<1x8x32x256xf32, #tpu.memory_space<hbm>> -> memref<8x32x256xf32, #tpu.memory_space<hbm>>
    tpu.wait_dma2 semaphore(%arg7 : memref<!tpu.dma_semaphore, #tpu.memory_space<semaphore_mem>>) src(%arg5 : memref<8x32x256xf32, #tpu.memory_space<vmem>>) dst(%dma_wait3A_831 : memref<8x32x256xf32, #tpu.memory_space<hbm>>)
    return
  }
}

</mosaic_0001>

<sc_bundles>
// kernel: kernel.3.cloned.1.call-start
scs
__scs_entry_jumppad:
0x0: {  	(pc) =	sbr.rel $0x88, $3  }
0x1: {  	(tag) =	ssettag $0x0;
	lr =	simm.s32 $0x1  }
0x2: {  	[smem:$0x3F9F] =	sst lr;
	_ =	strace $0xD0000000  }
0x3: {  	_ = 	snop  }
0x4: {  	_ = 	snop  }
0x5: {  	_ = 	snop  }
0x6: {  	_ = 	snop  }
0x7: {  	_ = 	snop  }
__scs_overlays_trampoline_lowered:
0x8: {  	[smem:$0x3FAE] =	sst s0  }
0x9: {  	[smem:$0x3FAF] =	sst s1  }
0xa: {  	[smem:$0x3FB0] =	sst s2  }
0xb: {  	[smem:$0x3FB1] =	sst s3  }
0xc: {  	[smem:$0x3FB2] =	sst s4  }
0xd: {  	[smem:$0x3FB3] =	sst s5  }
0xe: {  	[smem:$0x3FB4] =	sst s6  }
0xf: {  	[smem:$0x3FB5] =	sst s7  }
0x10: {  	[smem:$0x3FB6] =	sst s8  }
0x11: {  	[smem:$0x3FB7] =	sst s9;
	s0 =	simm.s32 @!p0 $0x0  }
0x12: {  	s1 =	sld [smem:$0x3F9D];
	s0 =	simm.s32 @p0 $0x1  }
0x13: {  	[smem:$0x3FB8] =	sst s0;
	s0 =	simm.s32 @!p1 $0x0  }
0x14: {  	s2 =	sld [smem:$0x3F9C];
	s0 =	simm.s32 @p1 $0x1  }
0x15: {  	[smem:$0x3FB9] =	sst s0;
	s0 =	simm.s32 @!p2 $0x0  }
0x16: {  	s3 =	sld [smem:$0x3FDB];
	s0 =	simm.s32 @p2 $0x1  }
0x17: {  	s4 =	simm.s32 $0x1BF5;
	[smem:$0x3FBB] =	sst s0  }
0x18: {  	s0 =	sld [smem:$0x3F9E];
	_ =	swait.ge [sflag:s4], $0x0  }
0x19: {  	s7 =	sld [smem:$0x3F9F]  }
0x1a: {  	s8 =	sadd.s32 $0xFFFFE003, lr  }
0x1b: {  	s9 =	sadd.s32 $0xFFFFFEF7, lr;
	s5 =	simm.s32 $0xFFFFFFFF;
	p2 =	slt.u32 s8, $0xFFFFF086  }
0x1c: {  	p1 =	slt.u32 s9, $0xF7A;
	s5 =	simm.s32 @!p2 $0x0  }
0x1d: {  	s5 =	simm.s32 @p1 $0x1;
	p0 =	seq.s32 s7, s2  }
0x1e: {  	s7 =	smul.u32 @!p0 $0xF7A, s2;
	p2 =	seq.s32 @!p0 s5, $0x0  }
0x1f: {  	s9 =	smul.u32 $0xF7A, s1;
	s8 =	simm.s32 @!p0 $0x1BF5;
	p2 =	por !p2, p0  }
0x20: {  	[sflag:s8] =	ssyncset.s32 @!p0 $0xFFFFF086;
	s6 =	sadd.s32 @!p0 s3, s7;
	s7 =	simm.s32 @!p0 $0x108  }
0x21: {  	s3 =	sadd.s32 s3, s9;
	s6 =	sadd.s32 @!p0 $0x88, s6;
	s7 =	simm.s32 @p2 $0x1082  }
0x22: {  	[simem:s7], [sflag:s8] =	dma.local @!p0 [hbm:s6], $0xF7A  }
0x23: {  	s9 =	sor.u32 $0xD0000000, s2;
	s6 =	simm.s32 $0x108;
	_ =	swait.ge @!p0 [sflag:s8], $0x0  }
0x24: {  	s3 =	sadd.s32 $0x88, s3;
	s6 =	simm.s32 @!p1 $0x1082;
	[sflag:s4] =	ssyncset.s32 $0xFFFFF086  }
0x25: {  	[simem:s6], [sflag:s4] =	dma.local [hbm:s3], $0xF7A  }
0x26: {  	[smem:$0x3F9F] =	sst s1;
	(tag) =	ssettag s2;
	_ =	strace s9  }
0x27: {  	s1 =	sld [smem:$0x3FAF]  }
0x28: {  	s2 =	sld [smem:$0x3FB0]  }
0x29: {  	s4 =	sld [smem:$0x3FB2]  }
0x2a: {  	p0 =	seq.s32 s5, $0x0;
	s5 =	sld [smem:$0x3FB3]  }
0x2b: {  	s6 =	sld [smem:$0x3FB4]  }
0x2c: {  	s7 =	sld [smem:$0x3FB5]  }
0x2d: {  	s3 =	simm.s32 $0x108;
	s8 =	sld [smem:$0x3FB6]  }
0x2e: {  	s3 =	simm.s32 @!p0 $0x1082;
	s9 =	sld [smem:$0x3FB7]  }
0x2f: {  	lr =	sadd.s32 s0, s3;
	s0 =	sld [smem:$0x3FAE]  }
0x30: {  	s3 =	sld [smem:$0x3FB1]  }
0x31: {  	[smem:$0x3FBA] =	sst s10  }
0x32: {  	s10 =	sld [smem:$0x3FB8];
	_ =	sdelay $0x3  }
0x33: {  	p0 =	seq.s32 s10, $0x1;
	s10 =	sld [smem:$0x3FBA];
	_ =	sdelay $0x3  }
0x34: {  	[smem:$0x3FBA] =	sst s10  }
0x35: {  	s10 =	sld [smem:$0x3FB9];
	_ =	sdelay $0x3  }
0x36: {  	p1 =	seq.s32 s10, $0x1;
	s10 =	sld [smem:$0x3FBA];
	_ =	sdelay $0x3  }
0x37: {  	[smem:$0x3FBA] =	sst s10  }
0x38: {  	s10 =	sld [smem:$0x3FBB]  }
0x39: {  	_ = 	snop;
	(pc) =	sbr.ind lr, $3  }
0x3a: {  	_ = 	snop  }
0x3b: {  	_ = 	snop  }
0x3c: {  	p2 =	seq.s32 s10, $0x1;
	s10 =	sld [smem:$0x3FBA]  }
0x3d: {  	_ =	shalt  }
0x3e: {  	_ =	shalt  }
0x3f: {  	_ =	shalt  }
0x40: {  	_ =	shalt  }
0x41: {  	_ =	shalt  }
0x42: {  	_ =	shalt  }
0x43: {  	_ =	shalt  }
0x44: {  	_ =	shalt  }
0x45: {  	_ =	shalt  }
0x46: {  	_ =	shalt  }
0x47: {  	_ =	shalt  }
0x48: {  	_ =	shalt  }
0x49: {  	_ =	shalt  }
0x4a: {  	_ =	shalt  }
0x4b: {  	_ =	shalt  }
0x4c: {  	_ =	shalt  }
0x4d: {  	_ =	shalt  }
0x4e: {  	_ =	shalt  }
0x4f: {  	_ =	shalt  }
0x50: {  	_ =	shalt  }
0x51: {  	_ =	shalt  }
0x52: {  	_ =	shalt  }
0x53: {  	_ =	shalt  }
0x54: {  	_ =	shalt  }
0x55: {  	_ =	shalt  }
0x56: {  	_ =	shalt  }
0x57: {  	_ =	shalt  }
0x58: {  	_ =	shalt  }
0x59: {  	_ =	shalt  }
0x5a: {  	_ =	shalt  }
0x5b: {  	_ =	shalt  }
0x5c: {  	_ =	shalt  }
0x5d: {  	_ =	shalt  }
0x5e: {  	_ =	shalt  }
0x5f: {  	_ =	shalt  }
0x60: {  	_ =	shalt  }
0x61: {  	_ =	shalt  }
0x62: {  	_ =	shalt  }
0x63: {  	_ =	shalt  }
0x64: {  	_ =	shalt  }
0x65: {  	_ =	shalt  }
0x66: {  	_ =	shalt  }
0x67: {  	_ =	shalt  }
0x68: {  	_ =	shalt  }
0x69: {  	_ =	shalt  }
0x6a: {  	_ =	shalt  }
0x6b: {  	_ =	shalt  }
0x6c: {  	_ =	shalt  }
0x6d: {  	_ =	shalt  }
0x6e: {  	_ =	shalt  }
0x6f: {  	_ =	shalt  }
0x70: {  	_ =	shalt  }
0x71: {  	_ =	shalt  }
0x72: {  	_ =	shalt  }
0x73: {  	_ =	shalt  }
0x74: {  	_ =	shalt  }
0x75: {  	_ =	shalt  }
0x76: {  	_ =	shalt  }
0x77: {  	_ =	shalt  }
0x78: {  	_ =	shalt  }
0x79: {  	_ =	shalt  }
0x7a: {  	_ =	shalt  }
0x7b: {  	_ =	shalt  }
0x7c: {  	_ =	shalt  }
0x7d: {  	_ =	shalt  }
0x7e: {  	_ =	shalt  }
0x7f: {  	_ =	shalt  }
0x80: {  	_ =	shalt  }
0x81: {  	_ =	shalt  }
0x82: {  	_ =	shalt  }
0x83: {  	_ =	shalt  }
0x84: {  	_ =	shalt  }
0x85: {  	_ =	shalt  }
0x86: {  	_ =	shalt  }
0x87: {  	_ =	shalt  }
.Lfunc_end0:
.L_simem_size_0:
called_computation_lowered:
.L_overlay_start_0:
0x88: {  	s2 =	sld [smem:$0x3FD9]  }
0x89: {  	s3 =	sld [smem:$0x3FFE];
	_ =	sdelay $0x1  }
0x8a: {  	s1 =	srdreg.scid  }
0x8b: {  	s0 =	sand.u32 $0x1, s1  }
0x8c: {  	s18 =	sshll.u32 s0, $0xA;
	s2 =	sadd.s32 s3, s2  }
0x8d: {  	s2 =	sadd.s32 s2, s18  }
0x8e: {  	[smem:$0x3FC6] =	sst s2  }
0x8f: {  	_ = 	snop  }
0x90: {  	s2 =	sld [smem:$0x3FC9]  }
0x91: {  	s19 =	sld [smem:$0x3FC8]  }
0x92: {  	s4 =	sld [smem:$0x3FD0];
	(tm) =	ssettm $0x1  }
0x93: {  	s5 =	sld [smem:$0x3FFB];
	_ =	sdelay $0x3  }
0x94: {  	_ =	strace s5  }
0x95: {  	s5 =	sld [smem:$0x3FFC];
	_ =	sdelay $0x3  }
0x96: {  	_ =	strace s5  }
0x97: {  	s5 =	sld [smem:$0x3FFD];
	_ =	sdelay $0x3  }
0x98: {  	_ =	strace s5  }
0x99: {  	_ =	strace $0x8FFFFFFF  }
0x9a: {  	s20 =	sld [smem:$0x3FDB];
	_ =	sdelay $0x1  }
0x9b: {  	s6 =	simm.s32 $_scs_section_size  }
0x9c: {  	s7 =	simm.s32 $_size__tile_overlayer_lowered;
	s8 =	simm.s32 $_tile_overlayer_lowered  }
0x9d: {  	s23 =	simm.s32 $0x1BFF;
	s22 =	sshll.u32 s8, $0x1;
	s5 =	sadd.s32 s6, s20  }
0x9e: {  	s9 =	simm.s32 $0x0;
	s21 =	sshll.u32 s7, $0x1;
	s7 =	sadd.s32 s22, s5  }
0x9f: {  	[timem:s9], [sflag:s23] =	dma.local [hbm:s7], s21  }
0xa0: {  	_ =	swait.ge [sflag:s23], s21  }
0xa1: {  	s6 =	ssub.s32 $0x0, s21;
	[sflag:s23] =	ssyncset.done $0x0  }
0xa2: {  	[sflag:s23] =	ssyncadd.s32 s6;
	_ =	sdelay $0x1  }
0xa3: {  	s24 =	simm.s32 $0x1B8B  }
0xa4: {  	_ =	swait.ge [sflag:s24], $0x1  }
0xa5: {  	[sflag:s24] =	ssyncset.done $0x0  }
0xa6: {  	s25 =	simm.s32 $0x1B8E;
	[sflag:s24] =	ssyncadd.s32 $0xFFFFFFFF  }
0xa7: {  	s26 =	simm.s32 $execute0_lowered;
	[smem:$0x3FD2] =	sst s25  }
0xa8: {  	s6 =	sshll.u32 s26, $0x1;
	_ =	strace $0x80000046;
	[dreg:$0x1] =	wrdreg $0xFFFFFFFF  }
0xa9: {  	s28 =	simm.s32 $_size_execute0_lowered;
	s5 =	sadd.s32 s5, s6;
	[dreg:$0x0] =	wrdreg $0x0  }
0xaa: {  	s6 =	sshll.u32 s28, $0x1;
	[dreg:$0x2] =	wrdreg s5  }
0xab: {  	[dreg:$0x3] =	wrdreg s6  }
0xac: {  	[dreg:$0x4] =	wrdreg $0xC0  }
0xad: {  	_ =	task [dreg:s9], $0x5FFFF  }
0xae: {  	[dreg:$0x1] =	wrdreg $0xFFFFFFFF  }
0xaf: {  	[dreg:$0x0] =	wrdreg $0x60  }
0xb0: {  	[dreg:$0x2] =	wrdreg s19  }
0xb1: {  	[dreg:$0x3] =	wrdreg s2  }
0xb2: {  	[dreg:$0x4] =	wrdreg s4  }
0xb3: {  	[dreg:$0x5] =	wrdreg $0x9  }
0xb4: {  	_ =	task.clear_ibuf [dreg:s9], $0x6FFFF;
	_ =	strace $0x90000046  }
0xb5: {  	s29 =	simm.s32 $0x9;
	_ =	strace $0x80000048  }
0xb6: {  	_ =	swait.ge [sflag:s29], $0x1  }
0xb7: {  	[sflag:s29] =	ssyncadd.s32 $0xFFFFFFFF  }
0xb8: {  	_ =	strace $0x90000048  }
0xb9: {  	_ =	sfence  }
0xba: {  	s30 =	sld [smem:$0x0];
	_ =	sdelay $0x2  }
0xbb: {  	s31 =	sshll.u32 s1, $0xD;
	s1 =	sshrl.u32 s1, $0x2  }
0xbc: {  	s3 =	sand.u32 $0x4000, s31;
	s1 =	sadd.s32 s1, s30  }
0xbd: {  	s0 =	sor.u32 s3, s0;
	s1 =	sshll.u32 s1, $0x11  }
0xbe: {  	s0 =	sor.u32 s1, s0  }
0xbf: {  	s0 =	sadd.s32 $0x8F2B, s0  }
0xc0: {  	[sflag:s0] =	ssyncadd.remote.s32 $0x1  }
0xc1: {  	_ =	sfence.sel $0xFFFF  }
0xc2: {  	[dreg:$0x0] =	wrdreg $0xFFFFFFFF;
	(pc) =	sbr.abs _section_cstart, $3  }
0xc3: {  	[dreg:$0x1] =	wrdreg $0xFFFFFFFF  }
0xc4: {  	_ =	task.clear_ibuf [dreg:s9], $0x2FFFF;
	_ =	strace $0x9FFFFFFF  }
0xc5: {  	(tm) =	ssettm $0x7FFFFFFF  }
tec
execute0_lowered:
.L_overlay_start_1:
0x0: {  	(tag) =	ssettag $0x1  }
0x1: {  	s2 =	rddreg [dreg:$0x0]  }
0x2: {  	s0 =	rddreg [dreg:$0x1];
	s1 =	srdreg.scid  }
0x3: {  	s5 =	rddreg [dreg:$0x2];
	s8 =	stileid.u32  }
0x4: {  	s3 =	simm.s32 $0x0;
	s7 =	simm.s32 $0x1;
	s16 =	simm.s32 $0x2  }
0x5: {  	s29 =	simm.s32 $0x7800;
	s30 =	simm.s32 $0x8000;
	s31 =	simm.s32 $0x8800  }
0x6: {  	s13 =	simm.s32 $0xA000;
	s14 =	simm.s32 $0xA800;
	s15 =	simm.s32 $0xB000  }
0x7: {  	s17 =	simm.s32 $0xC000;
	s18 =	simm.s32 $0xC800;
	s19 =	simm.s32 $0xD000  }
0x8: {  	s20 =	simm.s32 $0xD800;
	s21 =	simm.s32 $0xE000;
	s22 =	simm.s32 $0xE800  }
0x9: {  	s1 =	sand.u32 $0x1, s1;
	[smem:$0x7FF] =	sst s3;
	s10 =	sadd.s32 $0x80, s2  }
0xa: {  	s11 =	sadd.s32 $0x100, s2;
	s12 =	sadd.s32 $0x180, s2;
	s4 =	sor.u32 s1, s8  }
0xb: {  	p1 =	seq.s32 s1, $0x1;
	_ =	strace $0x80000047;
	s23 =	ssub.s32 $0x2, s1  }
0xc: {  	s24 =	sshll.u32 s1, $0x4;
	s9 =	sshll.u32 s1, $0x8;
	s1 =	sshll.u32 s1, $0x11  }
0xd: {  	p0 =	seq.s32 s4, $0x0;
	s6 =	sshrl.u32 s23, $0x1;
	s4 =	simm.s32 $0x1  }
0xe: {  	s9 =	sadd.s32 s0, s9;
	p0 =	por !p0, !p1;
	s6 =	ssub.s32 s23, s6  }
0xf: {  	[dreg:$0x4] =	wrdreg s9;
	s23 =	simm.s32 $0xF800;
	p0 =	por !p0, !p0  }
0x10: {  	s28 =	smax.u32 s6, $0x1;
	s6 =	simm.s32 $0xF000;
	s7 =	simm.s32 @!p0 $0x0  }
0x11: {  	[dreg:$0x8] =	wrdreg s28;
	s7 =	ssub.s32 s8, s7;
	s8 =	sor.u32 $0x8, s24  }
0x12: {  	s7 =	sshll.u32 s7, $0x12;
	s25 =	sshll.u32 s8, $0xD;
	s8 =	sshll.u32 s8, $0x4  }
0x13: {  	s24 =	simm.s32 $0x0;
	s1 =	sor.u32 s1, s7;
	s0 =	sadd.s32 s0, s8  }
0x14: {  	s7 =	sor.u32 s25, s7;
	s1 =	sshrl.u32 s1, $0x3;
	[dreg:$0x6] =	wrdreg s0  }
0x15: {  	s26 =	sshrl.u32 s7, $0x3;
	s7 =	simm.s32 $0x10000;
	s1 =	sadd.s32 s5, s1  }
0x16: {  	s0 =	sadd.s32 s5, s26;
	s5 =	simm.s32 $0xB800;
	[dreg:$0x5] =	wrdreg s1  }
0x17: {  	[dreg:$0x7] =	wrdreg s0;
	s0 =	simm.s32 $0x9000;
	s1 =	simm.s32 $0x9800  }
.LBB2_1:
0x18: {  	[tilespmem:s3], [sflag:$0x2] =	stream.linear.gather [hbm4b:s2+s3], $0x400, $0x38;
	[tilespmem:$0x10400] =	vst v63  }
0x19: {  	s8 =	simm.s32 $0x800  }
0x1a: {  	[tilespmem:s8], [sflag:$0x2] =	stream.linear.gather [hbm4b:s10+s3], $0x400, $0x38;
	[tilespmem:$0x10400] =	vst v63  }
0x1b: {  	s26 =	simm.s32 $0x1000  }
0x1c: {  	[tilespmem:s26], [sflag:$0x2] =	stream.linear.gather [hbm4b:s11+s3], $0x400, $0x38;
	[tilespmem:$0x10400] =	vst v63  }
0x1d: {  	s9 =	simm.s32 $0x1800  }
0x1e: {  	[tilespmem:s9], [sflag:$0x2] =	stream.linear.gather [hbm4b:s12+s3], $0x400, $0x38;
	[tilespmem:$0x10400] =	vst v63  }
0x1f: {  	_ =	swait.ge [sflag:s16], $0x1000  }
0x20: {  	[sflag:s16] =	ssyncset.done $0x0  }
0x21: {  	s25 =	simm.s32 $0x2000;
	[sflag:s16] =	ssyncadd.s32 $0xFFFFF000  }
0x22: {  	[tilespmem:s25], [sflag:$0x2] =	stream.linear.gather [hbm4b:s2+s3], $0x400, $0x38;
	[tilespmem:$0x10400] =	vst v63  }
0x23: {  	s26 =	simm.s32 $0x2800  }
0x24: {  	[tilespmem:s26], [sflag:$0x2] =	stream.linear.gather [hbm4b:s10+s3], $0x400, $0x38;
	[tilespmem:$0x10400] =	vst v63  }
0x25: {  	s9 =	simm.s32 $0x3000  }
0x26: {  	[tilespmem:s9], [sflag:$0x2] =	stream.linear.gather [hbm4b:s11+s3], $0x400, $0x38;
	[tilespmem:$0x10400] =	vst v63  }
0x27: {  	s25 =	simm.s32 $0x3800  }
0x28: {  	[tilespmem:s25], [sflag:$0x2] =	stream.linear.gather [hbm4b:s12+s3], $0x400, $0x38;
	[tilespmem:$0x10400] =	vst v63  }
0x29: {  	_ =	swait.ge [sflag:s16], $0x1000  }
0x2a: {  	[sflag:s16] =	ssyncset.done $0x0  }
0x2b: {  	s26 =	simm.s32 $0x4000;
	[sflag:s16] =	ssyncadd.s32 $0xFFFFF000  }
0x2c: {  	[tilespmem:s26], [sflag:$0x2] =	stream.linear.gather [hbm4b:s2+s3], $0x400, $0x38;
	[tilespmem:$0x10400] =	vst v63  }
0x2d: {  	s9 =	simm.s32 $0x4800  }
0x2e: {  	[tilespmem:s9], [sflag:$0x2] =	stream.linear.gather [hbm4b:s10+s3], $0x400, $0x38;
	[tilespmem:$0x10400] =	vst v63  }
0x2f: {  	s25 =	simm.s32 $0x5000  }
0x30: {  	[tilespmem:s25], [sflag:$0x2] =	stream.linear.gather [hbm4b:s11+s3], $0x400, $0x38;
	[tilespmem:$0x10400] =	vst v63  }
0x31: {  	s26 =	simm.s32 $0x5800  }
0x32: {  	[tilespmem:s26], [sflag:$0x2] =	stream.linear.gather [hbm4b:s12+s3], $0x400, $0x38;
	[tilespmem:$0x10400] =	vst v63  }
0x33: {  	_ =	swait.ge [sflag:s16], $0x1000  }
0x34: {  	[sflag:s16] =	ssyncset.done $0x0  }
0x35: {  	s9 =	simm.s32 $0x6000;
	[sflag:s16] =	ssyncadd.s32 $0xFFFFF000  }
0x36: {  	[tilespmem:s9], [sflag:$0x2] =	stream.linear.gather [hbm4b:s2+s3], $0x400, $0x38;
	[tilespmem:$0x10400] =	vst v63  }
0x37: {  	s25 =	simm.s32 $0x6800  }
0x38: {  	[tilespmem:s25], [sflag:$0x2] =	stream.linear.gather [hbm4b:s10+s3], $0x400, $0x38;
	[tilespmem:$0x10400] =	vst v63  }
0x39: {  	s26 =	simm.s32 $0x7000  }
0x3a: {  	[tilespmem:s26], [sflag:$0x2] =	stream.linear.gather [hbm4b:s11+s3], $0x400, $0x38;
	[tilespmem:$0x10400] =	vst v63  }
0x3b: {  	_ = 	snop  }
0x3c: {  	[tilespmem:s29], [sflag:$0x2] =	stream.linear.gather [hbm4b:s12+s3], $0x400, $0x38;
	[tilespmem:$0x10400] =	vst v63  }
0x3d: {  	_ =	swait.ge [sflag:s16], $0x1000  }
0x3e: {  	[sflag:s16] =	ssyncset.done $0x0  }
0x3f: {  	[sflag:s16] =	ssyncadd.s32 $0xFFFFF000  }
0x40: {  	[tilespmem:s30], [sflag:$0x2] =	stream.linear.gather [hbm4b:s2+s3], $0x400, $0x38;
	[tilespmem:$0x10400] =	vst v63  }
0x41: {  	_ = 	snop  }
0x42: {  	[tilespmem:s31], [sflag:$0x2] =	stream.linear.gather [hbm4b:s10+s3], $0x400, $0x38;
	[tilespmem:$0x10400] =	vst v63  }
0x43: {  	_ = 	snop  }
0x44: {  	[tilespmem:s0], [sflag:$0x2] =	stream.linear.gather [hbm4b:s11+s3], $0x400, $0x38;
	[tilespmem:$0x10400] =	vst v63  }
0x45: {  	_ = 	snop  }
0x46: {  	[tilespmem:s1], [sflag:$0x2] =	stream.linear.gather [hbm4b:s12+s3], $0x400, $0x38;
	[tilespmem:$0x10400] =	vst v63  }
0x47: {  	_ =	swait.ge [sflag:s16], $0x1000  }
0x48: {  	[sflag:s16] =	ssyncset.done $0x0  }
0x49: {  	[sflag:s16] =	ssyncadd.s32 $0xFFFFF000  }
0x4a: {  	[tilespmem:s13], [sflag:$0x2] =	stream.linear.gather [hbm4b:s2+s3], $0x400, $0x38;
	[tilespmem:$0x10400] =	vst v63  }
0x4b: {  	_ = 	snop  }
0x4c: {  	[tilespmem:s14], [sflag:$0x2] =	stream.linear.gather [hbm4b:s10+s3], $0x400, $0x38;
	[tilespmem:$0x10400] =	vst v63  }
0x4d: {  	_ = 	snop  }
0x4e: {  	[tilespmem:s15], [sflag:$0x2] =	stream.linear.gather [hbm4b:s11+s3], $0x400, $0x38;
	[tilespmem:$0x10400] =	vst v63  }
0x4f: {  	_ = 	snop  }
0x50: {  	[tilespmem:s5], [sflag:$0x2] =	stream.linear.gather [hbm4b:s12+s3], $0x400, $0x38;
	[tilespmem:$0x10400] =	vst v63  }
0x51: {  	_ =	swait.ge [sflag:s16], $0x1000  }
0x52: {  	[sflag:s16] =	ssyncset.done $0x0  }
0x53: {  	[sflag:s16] =	ssyncadd.s32 $0xFFFFF000  }
0x54: {  	[tilespmem:s17], [sflag:$0x2] =	stream.linear.gather [hbm4b:s2+s3], $0x400, $0x38;
	[tilespmem:$0x10400] =	vst v63  }
0x55: {  	_ = 	snop  }
0x56: {  	[tilespmem:s18], [sflag:$0x2] =	stream.linear.gather [hbm4b:s10+s3], $0x400, $0x38;
	[tilespmem:$0x10400] =	vst v63  }
0x57: {  	_ = 	snop  }
0x58: {  	[tilespmem:s19], [sflag:$0x2] =	stream.linear.gather [hbm4b:s11+s3], $0x400, $0x38;
	[tilespmem:$0x10400] =	vst v63  }
0x59: {  	_ = 	snop  }
0x5a: {  	[tilespmem:s20], [sflag:$0x2] =	stream.linear.gather [hbm4b:s12+s3], $0x400, $0x38;
	[tilespmem:$0x10400] =	vst v63  }
0x5b: {  	_ =	swait.ge [sflag:s16], $0x1000  }
0x5c: {  	[sflag:s16] =	ssyncset.done $0x0  }
0x5d: {  	[sflag:s16] =	ssyncadd.s32 $0xFFFFF000  }
0x5e: {  	[tilespmem:s21], [sflag:$0x2] =	stream.linear.gather [hbm4b:s2+s3], $0x400, $0x38;
	[tilespmem:$0x10400] =	vst v63  }
0x5f: {  	_ = 	snop  }
0x60: {  	[tilespmem:s22], [sflag:$0x2] =	stream.linear.gather [hbm4b:s10+s3], $0x400, $0x38;
	[tilespmem:$0x10400] =	vst v63  }
0x61: {  	_ = 	snop  }
0x62: {  	[tilespmem:s6], [sflag:$0x2] =	stream.linear.gather [hbm4b:s11+s3], $0x400, $0x38;
	[tilespmem:$0x10400] =	vst v63  }
0x63: {  	_ = 	snop  }
0x64: {  	[tilespmem:s23], [sflag:$0x2] =	stream.linear.gather [hbm4b:s12+s3], $0x400, $0x38;
	[tilespmem:$0x10400] =	vst v63  }
0x65: {  	_ =	swait.ge [sflag:s16], $0x1000  }
0x66: {  	[sflag:s16] =	ssyncset.done $0x0  }
0x67: {  	s9 =	rddreg [dreg:$0x4];
	[sflag:s16] =	ssyncadd.s32 $0xFFFFF000  }
0x68: {  	[tilespmem:s7], [sflag:$0x2] =	stream.linear.gather [hbm4b:s9+s3], $0x400, $0x38;
	[tilespmem:$0x10400] =	vst v63  }
0x69: {  	_ =	swait.ge [sflag:s16], $0x400  }
0x6a: {  	[sflag:s16] =	ssyncset.done $0x0  }
0x6b: {  	[sflag:s16] =	ssyncadd.s32 $0xFFFFFC00  }
0x6c: {  	v0 =	vld [tilespmem:$0x10000]  }
0x6d: {  	v1 =	vld [tilespmem:$0x10010]  }
0x6e: {  	v7 =	vld [tilespmem:$0x10070]  }
0x6f: {  	v2 =	vld [tilespmem:$0x10020]  }
0x70: {  	v3 =	vld [tilespmem:$0x10030]  }
0x71: {  	s25 =	sand.u32 $0x1800, s3;
	s9 =	sand.u32 $0x380, s3;
	v4 =	vld [tilespmem:$0x10040]  }
0x72: {  	s25 =	sor.u32 s9, s25;
	v5 =	vld [tilespmem:$0x10050]  }
0x73: {  	v6 =	vld [tilespmem:$0x10060];
	[tilespmem:s25+$0x470] =	vst v7  }
0x74: {  	[tilespmem:s25+$0x400] =	vst v0  }
0x75: {  	[tilespmem:s25+$0x410] =	vst v1  }
0x76: {  	[tilespmem:s25+$0x420] =	vst v2  }
0x77: {  	[tilespmem:s25+$0x430] =	vst v3  }
0x78: {  	s8 =	simm.s32 $0x80;
	s26 =	simm.s32 $0x100;
	[tilespmem:s25+$0x440] =	vst v4  }
0x79: {  	s28 =	sand.u32 $0x380, s8;
	s9 =	sand.u32 $0x1800, s26;
	s26 =	simm.s32 $0x200;
	[tilespmem:s25+$0x450] =	vst v5  }
.LBB2_2:
0x7a: {  	p0 =	sne.s32 s26, $0x1F00;
	[tilespmem:s25+$0x460] =	vst v6;
	s25 =	sor.u32 s28, s9  }
0x7b: {  	[tilespmem:s25+$0x470] =	vst v7  }
0x7c: {  	[tilespmem:s25+$0x400] =	vst v0  }
.Ltmp0:
0x7d: {  	[tilespmem:s25+$0x410] =	vst v1;
	(pc) =	sbr.rel @p0 .LBB2_2-.Ltmp0, $4  }
0x7e: {  	[tilespmem:s25+$0x420] =	vst v2  }
0x7f: {  	[tilespmem:s25+$0x430] =	vst v3  }
0x80: {  	s8 =	sadd.s32 $0x80, s8;
	[tilespmem:s25+$0x440] =	vst v4  }
0x81: {  	s9 =	sand.u32 $0x1800, s26;
	s26 =	sadd.s32 $0x100, s26;
	s28 =	sand.u32 $0x380, s8;
	[tilespmem:s25+$0x450] =	vst v5  }
0x82: {  	s8 =	sor.u32 s28, s9;
	[tilespmem:s25+$0x460] =	vst v6  }
0x83: {  	[tilespmem:s8+$0x470] =	vst v7  }
0x84: {  	[tilespmem:s8+$0x400] =	vst v0  }
0x85: {  	[tilespmem:s8+$0x410] =	vst v1  }
0x86: {  	[tilespmem:s8+$0x420] =	vst v2  }
0x87: {  	[tilespmem:s8+$0x430] =	vst v3  }
0x88: {  	[tilespmem:s8+$0x440] =	vst v4  }
0x89: {  	[tilespmem:s8+$0x450] =	vst v5  }
0x8a: {  	[tilespmem:s8+$0x460] =	vst v6  }
0x8b: {  	v0 =	vld [tilespmem:$0x10080]  }
0x8c: {  	v1 =	vld [tilespmem:$0x10090]  }
0x8d: {  	v7 =	vld [tilespmem:$0x100F0]  }
0x8e: {  	v2 =	vld [tilespmem:$0x100A0]  }
0x8f: {  	s9 =	simm.s32 $0x0;
	v3 =	vld [tilespmem:$0x100B0]  }
0x90: {  	s25 =	sand.u32 $0x1800, s9;
	s8 =	sand.u32 $0x380, s9;
	v4 =	vld [tilespmem:$0x100C0]  }
0x91: {  	v5 =	vld [tilespmem:$0x100D0];
	s25 =	sor.u32 s8, s25  }
0x92: {  	v6 =	vld [tilespmem:$0x100E0];
	[tilespmem:s25+$0x2470] =	vst v7  }
0x93: {  	[tilespmem:s25+$0x2400] =	vst v0  }
0x94: {  	[tilespmem:s25+$0x2410] =	vst v1  }
0x95: {  	[tilespmem:s25+$0x2420] =	vst v2  }
0x96: {  	[tilespmem:s25+$0x2430] =	vst v3  }
0x97: {  	s26 =	simm.s32 $0x100;
	s8 =	simm.s32 $0x80;
	[tilespmem:s25+$0x2440] =	vst v4  }
0x98: {  	s9 =	sand.u32 $0x1800, s26;
	s26 =	simm.s32 $0x200;
	s28 =	sand.u32 $0x380, s8;
	[tilespmem:s25+$0x2450] =	vst v5  }
.LBB2_4:
0x99: {  	p0 =	sne.s32 s26, $0x1F00;
	[tilespmem:s25+$0x2460] =	vst v6;
	s25 =	sor.u32 s28, s9  }
0x9a: {  	[tilespmem:s25+$0x2470] =	vst v7  }
0x9b: {  	[tilespmem:s25+$0x2400] =	vst v0  }
.Ltmp1:
0x9c: {  	[tilespmem:s25+$0x2410] =	vst v1;
	(pc) =	sbr.rel @p0 .LBB2_4-.Ltmp1, $4  }
0x9d: {  	[tilespmem:s25+$0x2420] =	vst v2  }
0x9e: {  	[tilespmem:s25+$0x2430] =	vst v3  }
0x9f: {  	s8 =	sadd.s32 $0x80, s8;
	[tilespmem:s25+$0x2440] =	vst v4  }
0xa0: {  	s9 =	sand.u32 $0x1800, s26;
	s26 =	sadd.s32 $0x100, s26;
	s28 =	sand.u32 $0x380, s8;
	[tilespmem:s25+$0x2450] =	vst v5  }
0xa1: {  	s8 =	sor.u32 s28, s9;
	[tilespmem:s25+$0x2460] =	vst v6  }
0xa2: {  	[tilespmem:s8+$0x2470] =	vst v7  }
0xa3: {  	[tilespmem:s8+$0x2400] =	vst v0  }
0xa4: {  	[tilespmem:s8+$0x2410] =	vst v1  }
0xa5: {  	[tilespmem:s8+$0x2420] =	vst v2  }
0xa6: {  	[tilespmem:s8+$0x2430] =	vst v3  }
0xa7: {  	[tilespmem:s8+$0x2440] =	vst v4  }
0xa8: {  	[tilespmem:s8+$0x2450] =	vst v5  }
0xa9: {  	[tilespmem:s8+$0x2460] =	vst v6  }
0xaa: {  	v0 =	vld [tilespmem:$0x10100]  }
0xab: {  	v1 =	vld [tilespmem:$0x10110]  }
0xac: {  	v7 =	vld [tilespmem:$0x10170]  }
0xad: {  	v2 =	vld [tilespmem:$0x10120]  }
0xae: {  	s9 =	simm.s32 $0x0;
	v3 =	vld [tilespmem:$0x10130]  }
0xaf: {  	s25 =	sand.u32 $0x1800, s9;
	s8 =	sand.u32 $0x380, s9;
	v4 =	vld [tilespmem:$0x10140]  }
0xb0: {  	v5 =	vld [tilespmem:$0x10150];
	s25 =	sor.u32 s8, s25  }
0xb1: {  	v6 =	vld [tilespmem:$0x10160];
	[tilespmem:s25+$0x4470] =	vst v7  }
0xb2: {  	[tilespmem:s25+$0x4400] =	vst v0  }
0xb3: {  	[tilespmem:s25+$0x4410] =	vst v1  }
0xb4: {  	[tilespmem:s25+$0x4420] =	vst v2  }
0xb5: {  	[tilespmem:s25+$0x4430] =	vst v3  }
0xb6: {  	s26 =	simm.s32 $0x100;
	s8 =	simm.s32 $0x80;
	[tilespmem:s25+$0x4440] =	vst v4  }
0xb7: {  	s9 =	sand.u32 $0x1800, s26;
	s26 =	simm.s32 $0x200;
	s28 =	sand.u32 $0x380, s8;
	[tilespmem:s25+$0x4450] =	vst v5  }
.LBB2_6:
0xb8: {  	p0 =	sne.s32 s26, $0x1F00;
	[tilespmem:s25+$0x4460] =	vst v6;
	s25 =	sor.u32 s28, s9  }
0xb9: {  	[tilespmem:s25+$0x4470] =	vst v7  }
0xba: {  	[tilespmem:s25+$0x4400] =	vst v0  }
.Ltmp2:
0xbb: {  	[tilespmem:s25+$0x4410] =	vst v1;
	(pc) =	sbr.rel @p0 .LBB2_6-.Ltmp2, $4  }
0xbc: {  	[tilespmem:s25+$0x4420] =	vst v2  }
0xbd: {  	[tilespmem:s25+$0x4430] =	vst v3  }
0xbe: {  	s8 =	sadd.s32 $0x80, s8;
	[tilespmem:s25+$0x4440] =	vst v4  }
0xbf: {  	s9 =	sand.u32 $0x1800, s26;
	s26 =	sadd.s32 $0x100, s26;
	s28 =	sand.u32 $0x380, s8;
	[tilespmem:s25+$0x4450] =	vst v5  }
0xc0: {  	s8 =	sor.u32 s28, s9;
	[tilespmem:s25+$0x4460] =	vst v6  }
0xc1: {  	[tilespmem:s8+$0x4470] =	vst v7  }
0xc2: {  	[tilespmem:s8+$0x4400] =	vst v0  }
0xc3: {  	[tilespmem:s8+$0x4410] =	vst v1  }
0xc4: {  	[tilespmem:s8+$0x4420] =	vst v2  }
0xc5: {  	[tilespmem:s8+$0x4430] =	vst v3  }
0xc6: {  	[tilespmem:s8+$0x4440] =	vst v4  }
0xc7: {  	[tilespmem:s8+$0x4450] =	vst v5  }
0xc8: {  	[tilespmem:s8+$0x4460] =	vst v6  }
0xc9: {  	v0 =	vld [tilespmem:$0x10180]  }
0xca: {  	v1 =	vld [tilespmem:$0x10190]  }
0xcb: {  	v7 =	vld [tilespmem:$0x101F0]  }
0xcc: {  	v2 =	vld [tilespmem:$0x101A0]  }
0xcd: {  	s9 =	simm.s32 $0x0;
	v3 =	vld [tilespmem:$0x101B0]  }
0xce: {  	s25 =	sand.u32 $0x1800, s9;
	s8 =	sand.u32 $0x380, s9;
	v4 =	vld [tilespmem:$0x101C0]  }
0xcf: {  	v5 =	vld [tilespmem:$0x101D0];
	s25 =	sor.u32 s8, s25  }
0xd0: {  	v6 =	vld [tilespmem:$0x101E0];
	[tilespmem:s25+$0x6470] =	vst v7  }
0xd1: {  	[tilespmem:s25+$0x6400] =	vst v0  }
0xd2: {  	[tilespmem:s25+$0x6410] =	vst v1  }
0xd3: {  	[tilespmem:s25+$0x6420] =	vst v2  }
0xd4: {  	[tilespmem:s25+$0x6430] =	vst v3  }
0xd5: {  	s26 =	simm.s32 $0x100;
	s8 =	simm.s32 $0x80;
	[tilespmem:s25+$0x6440] =	vst v4  }
0xd6: {  	s9 =	sand.u32 $0x1800, s26;
	s26 =	simm.s32 $0x200;
	s28 =	sand.u32 $0x380, s8;
	[tilespmem:s25+$0x6450] =	vst v5  }
.LBB2_8:
0xd7: {  	p0 =	sne.s32 s26, $0x1F00;
	[tilespmem:s25+$0x6460] =	vst v6;
	s25 =	sor.u32 s28, s9  }
0xd8: {  	[tilespmem:s25+$0x6470] =	vst v7  }
0xd9: {  	[tilespmem:s25+$0x6400] =	vst v0  }
.Ltmp3:
0xda: {  	[tilespmem:s25+$0x6410] =	vst v1;
	(pc) =	sbr.rel @p0 .LBB2_8-.Ltmp3, $4  }
0xdb: {  	[tilespmem:s25+$0x6420] =	vst v2  }
0xdc: {  	[tilespmem:s25+$0x6430] =	vst v3  }
0xdd: {  	s8 =	sadd.s32 $0x80, s8;
	[tilespmem:s25+$0x6440] =	vst v4  }
0xde: {  	s9 =	sand.u32 $0x1800, s26;
	s26 =	sadd.s32 $0x100, s26;
	s28 =	sand.u32 $0x380, s8;
	[tilespmem:s25+$0x6450] =	vst v5  }
0xdf: {  	s8 =	sor.u32 s28, s9;
	[tilespmem:s25+$0x6460] =	vst v6  }
0xe0: {  	[tilespmem:s8+$0x6470] =	vst v7  }
0xe1: {  	[tilespmem:s8+$0x6400] =	vst v0  }
0xe2: {  	[tilespmem:s8+$0x6410] =	vst v1  }
0xe3: {  	[tilespmem:s8+$0x6420] =	vst v2  }
0xe4: {  	[tilespmem:s8+$0x6430] =	vst v3  }
0xe5: {  	[tilespmem:s8+$0x6440] =	vst v4  }
0xe6: {  	[tilespmem:s8+$0x6450] =	vst v5  }
0xe7: {  	[tilespmem:s8+$0x6460] =	vst v6  }
0xe8: {  	v0 =	vld [tilespmem:$0x10200]  }
0xe9: {  	v1 =	vld [tilespmem:$0x10210]  }
0xea: {  	v7 =	vld [tilespmem:$0x10270]  }
0xeb: {  	v2 =	vld [tilespmem:$0x10220]  }
0xec: {  	s9 =	simm.s32 $0x0;
	v3 =	vld [tilespmem:$0x10230]  }
0xed: {  	s25 =	sand.u32 $0x1800, s9;
	s8 =	sand.u32 $0x380, s9;
	v4 =	vld [tilespmem:$0x10240]  }
0xee: {  	v5 =	vld [tilespmem:$0x10250];
	s25 =	sor.u32 s8, s25  }
0xef: {  	v6 =	vld [tilespmem:$0x10260];
	[tilespmem:s25+$0x8470] =	vst v7  }
0xf0: {  	[tilespmem:s25+$0x8400] =	vst v0  }
0xf1: {  	[tilespmem:s25+$0x8410] =	vst v1  }
0xf2: {  	[tilespmem:s25+$0x8420] =	vst v2  }
0xf3: {  	[tilespmem:s25+$0x8430] =	vst v3  }
0xf4: {  	s26 =	simm.s32 $0x100;
	s8 =	simm.s32 $0x80;
	[tilespmem:s25+$0x8440] =	vst v4  }
0xf5: {  	s9 =	sand.u32 $0x1800, s26;
	s26 =	simm.s32 $0x200;
	s28 =	sand.u32 $0x380, s8;
	[tilespmem:s25+$0x8450] =	vst v5  }
.LBB2_10:
0xf6: {  	p0 =	sne.s32 s26, $0x1F00;
	[tilespmem:s25+$0x8460] =	vst v6;
	s25 =	sor.u32 s28, s9  }
0xf7: {  	[tilespmem:s25+$0x8470] =	vst v7  }
0xf8: {  	[tilespmem:s25+$0x8400] =	vst v0  }
.Ltmp4:
0xf9: {  	[tilespmem:s25+$0x8410] =	vst v1;
	(pc) =	sbr.rel @p0 .LBB2_10-.Ltmp4, $4  }
0xfa: {  	[tilespmem:s25+$0x8420] =	vst v2  }
0xfb: {  	[tilespmem:s25+$0x8430] =	vst v3  }
0xfc: {  	s8 =	sadd.s32 $0x80, s8;
	[tilespmem:s25+$0x8440] =	vst v4  }
0xfd: {  	s9 =	sand.u32 $0x1800, s26;
	s26 =	sadd.s32 $0x100, s26;
	s28 =	sand.u32 $0x380, s8;
	[tilespmem:s25+$0x8450] =	vst v5  }
0xfe: {  	s8 =	sor.u32 s28, s9;
	[tilespmem:s25+$0x8460] =	vst v6  }
0xff: {  	[tilespmem:s8+$0x8470] =	vst v7  }
0x100: {  	[tilespmem:s8+$0x8400] =	vst v0  }
0x101: {  	[tilespmem:s8+$0x8410] =	vst v1  }
0x102: {  	[tilespmem:s8+$0x8420] =	vst v2  }
0x103: {  	[tilespmem:s8+$0x8430] =	vst v3  }
0x104: {  	[tilespmem:s8+$0x8440] =	vst v4  }
0x105: {  	[tilespmem:s8+$0x8450] =	vst v5  }
0x106: {  	[tilespmem:s8+$0x8460] =	vst v6  }
0x107: {  	v0 =	vld [tilespmem:$0x10280]  }
0x108: {  	v1 =	vld [tilespmem:$0x10290]  }
0x109: {  	v7 =	vld [tilespmem:$0x102F0]  }
0x10a: {  	v2 =	vld [tilespmem:$0x102A0]  }
0x10b: {  	s9 =	simm.s32 $0x0;
	v3 =	vld [tilespmem:$0x102B0]  }
0x10c: {  	s25 =	sand.u32 $0x1800, s9;
	s8 =	sand.u32 $0x380, s9;
	v4 =	vld [tilespmem:$0x102C0]  }
0x10d: {  	v5 =	vld [tilespmem:$0x102D0];
	s25 =	sor.u32 s8, s25  }
0x10e: {  	v6 =	vld [tilespmem:$0x102E0];
	[tilespmem:s25+$0xA470] =	vst v7  }
0x10f: {  	[tilespmem:s25+$0xA400] =	vst v0  }
0x110: {  	[tilespmem:s25+$0xA410] =	vst v1  }
0x111: {  	[tilespmem:s25+$0xA420] =	vst v2  }
0x112: {  	[tilespmem:s25+$0xA430] =	vst v3  }
0x113: {  	s26 =	simm.s32 $0x100;
	s8 =	simm.s32 $0x80;
	[tilespmem:s25+$0xA440] =	vst v4  }
0x114: {  	s9 =	sand.u32 $0x1800, s26;
	s26 =	simm.s32 $0x200;
	s28 =	sand.u32 $0x380, s8;
	[tilespmem:s25+$0xA450] =	vst v5  }
.LBB2_12:
0x115: {  	p0 =	sne.s32 s26, $0x1F00;
	[tilespmem:s25+$0xA460] =	vst v6;
	s25 =	sor.u32 s28, s9  }
0x116: {  	[tilespmem:s25+$0xA470] =	vst v7  }
0x117: {  	[tilespmem:s25+$0xA400] =	vst v0  }
.Ltmp5:
0x118: {  	[tilespmem:s25+$0xA410] =	vst v1;
	(pc) =	sbr.rel @p0 .LBB2_12-.Ltmp5, $4  }
0x119: {  	[tilespmem:s25+$0xA420] =	vst v2  }
0x11a: {  	[tilespmem:s25+$0xA430] =	vst v3  }
0x11b: {  	s8 =	sadd.s32 $0x80, s8;
	[tilespmem:s25+$0xA440] =	vst v4  }
0x11c: {  	s9 =	sand.u32 $0x1800, s26;
	s26 =	sadd.s32 $0x100, s26;
	s28 =	sand.u32 $0x380, s8;
	[tilespmem:s25+$0xA450] =	vst v5  }
0x11d: {  	s8 =	sor.u32 s28, s9;
	[tilespmem:s25+$0xA460] =	vst v6  }
0x11e: {  	[tilespmem:s8+$0xA470] =	vst v7  }
0x11f: {  	[tilespmem:s8+$0xA400] =	vst v0  }
0x120: {  	[tilespmem:s8+$0xA410] =	vst v1  }
0x121: {  	[tilespmem:s8+$0xA420] =	vst v2  }
0x122: {  	[tilespmem:s8+$0xA430] =	vst v3  }
0x123: {  	[tilespmem:s8+$0xA440] =	vst v4  }
0x124: {  	[tilespmem:s8+$0xA450] =	vst v5  }
0x125: {  	[tilespmem:s8+$0xA460] =	vst v6  }
0x126: {  	v0 =	vld [tilespmem:$0x10300]  }
0x127: {  	v1 =	vld [tilespmem:$0x10310]  }
0x128: {  	v7 =	vld [tilespmem:$0x10370]  }
0x129: {  	v2 =	vld [tilespmem:$0x10320]  }
0x12a: {  	s9 =	simm.s32 $0x0;
	v3 =	vld [tilespmem:$0x10330]  }
0x12b: {  	s25 =	sand.u32 $0x1800, s9;
	s8 =	sand.u32 $0x380, s9;
	v4 =	vld [tilespmem:$0x10340]  }
0x12c: {  	v5 =	vld [tilespmem:$0x10350];
	s25 =	sor.u32 s8, s25  }
0x12d: {  	v6 =	vld [tilespmem:$0x10360];
	[tilespmem:s25+$0xC470] =	vst v7  }
0x12e: {  	[tilespmem:s25+$0xC400] =	vst v0  }
0x12f: {  	[tilespmem:s25+$0xC410] =	vst v1  }
0x130: {  	[tilespmem:s25+$0xC420] =	vst v2  }
0x131: {  	[tilespmem:s25+$0xC430] =	vst v3  }
0x132: {  	s26 =	simm.s32 $0x100;
	s8 =	simm.s32 $0x80;
	[tilespmem:s25+$0xC440] =	vst v4  }
0x133: {  	s9 =	sand.u32 $0x1800, s26;
	s26 =	simm.s32 $0x200;
	s28 =	sand.u32 $0x380, s8;
	[tilespmem:s25+$0xC450] =	vst v5  }
.LBB2_14:
0x134: {  	p0 =	sne.s32 s26, $0x1F00;
	[tilespmem:s25+$0xC460] =	vst v6;
	s25 =	sor.u32 s28, s9  }
0x135: {  	[tilespmem:s25+$0xC470] =	vst v7  }
0x136: {  	[tilespmem:s25+$0xC400] =	vst v0  }
.Ltmp6:
0x137: {  	[tilespmem:s25+$0xC410] =	vst v1;
	(pc) =	sbr.rel @p0 .LBB2_14-.Ltmp6, $4  }
0x138: {  	[tilespmem:s25+$0xC420] =	vst v2  }
0x139: {  	[tilespmem:s25+$0xC430] =	vst v3  }
0x13a: {  	s8 =	sadd.s32 $0x80, s8;
	[tilespmem:s25+$0xC440] =	vst v4  }
0x13b: {  	s9 =	sand.u32 $0x1800, s26;
	s26 =	sadd.s32 $0x100, s26;
	s28 =	sand.u32 $0x380, s8;
	[tilespmem:s25+$0xC450] =	vst v5  }
0x13c: {  	s8 =	sor.u32 s28, s9;
	[tilespmem:s25+$0xC460] =	vst v6  }
0x13d: {  	[tilespmem:s8+$0xC470] =	vst v7  }
0x13e: {  	[tilespmem:s8+$0xC400] =	vst v0  }
0x13f: {  	[tilespmem:s8+$0xC410] =	vst v1  }
0x140: {  	[tilespmem:s8+$0xC420] =	vst v2  }
0x141: {  	[tilespmem:s8+$0xC430] =	vst v3  }
0x142: {  	[tilespmem:s8+$0xC440] =	vst v4  }
0x143: {  	[tilespmem:s8+$0xC450] =	vst v5  }
0x144: {  	[tilespmem:s8+$0xC460] =	vst v6  }
0x145: {  	v0 =	vld [tilespmem:$0x10380]  }
0x146: {  	v1 =	vld [tilespmem:$0x10390]  }
0x147: {  	v7 =	vld [tilespmem:$0x103F0]  }
0x148: {  	v2 =	vld [tilespmem:$0x103A0]  }
0x149: {  	s9 =	simm.s32 $0x0;
	v3 =	vld [tilespmem:$0x103B0]  }
0x14a: {  	s25 =	sand.u32 $0x1800, s9;
	s8 =	sand.u32 $0x380, s9;
	v4 =	vld [tilespmem:$0x103C0]  }
0x14b: {  	v5 =	vld [tilespmem:$0x103D0];
	s25 =	sor.u32 s8, s25  }
0x14c: {  	v6 =	vld [tilespmem:$0x103E0];
	[tilespmem:s25+$0xE470] =	vst v7  }
0x14d: {  	[tilespmem:s25+$0xE400] =	vst v0  }
0x14e: {  	[tilespmem:s25+$0xE410] =	vst v1  }
0x14f: {  	[tilespmem:s25+$0xE420] =	vst v2  }
0x150: {  	[tilespmem:s25+$0xE430] =	vst v3  }
0x151: {  	s26 =	simm.s32 $0x100;
	s8 =	simm.s32 $0x80;
	[tilespmem:s25+$0xE440] =	vst v4  }
0x152: {  	s9 =	sand.u32 $0x1800, s26;
	s26 =	simm.s32 $0x200;
	s28 =	sand.u32 $0x380, s8;
	[tilespmem:s25+$0xE450] =	vst v5  }
.LBB2_16:
0x153: {  	p0 =	sne.s32 s26, $0x1F00;
	[tilespmem:s25+$0xE460] =	vst v6;
	s25 =	sor.u32 s28, s9  }
0x154: {  	[tilespmem:s25+$0xE470] =	vst v7  }
0x155: {  	[tilespmem:s25+$0xE400] =	vst v0  }
.Ltmp7:
0x156: {  	[tilespmem:s25+$0xE410] =	vst v1;
	(pc) =	sbr.rel @p0 .LBB2_16-.Ltmp7, $4  }
0x157: {  	[tilespmem:s25+$0xE420] =	vst v2  }
0x158: {  	[tilespmem:s25+$0xE430] =	vst v3  }
0x159: {  	s8 =	sadd.s32 $0x80, s8;
	[tilespmem:s25+$0xE440] =	vst v4  }
0x15a: {  	s9 =	sand.u32 $0x1800, s26;
	s26 =	sadd.s32 $0x100, s26;
	s28 =	sand.u32 $0x380, s8;
	[tilespmem:s25+$0xE450] =	vst v5  }
0x15b: {  	s8 =	sor.u32 s28, s9;
	[tilespmem:s25+$0xE460] =	vst v6  }
0x15c: {  	[tilespmem:s8+$0xE470] =	vst v7  }
0x15d: {  	[tilespmem:s8+$0xE400] =	vst v0  }
0x15e: {  	[tilespmem:s8+$0xE410] =	vst v1  }
0x15f: {  	[tilespmem:s8+$0xE420] =	vst v2  }
0x160: {  	[tilespmem:s8+$0xE430] =	vst v3  }
0x161: {  	[tilespmem:s8+$0xE440] =	vst v4  }
0x162: {  	[tilespmem:s8+$0xE450] =	vst v5  }
0x163: {  	s25 =	simm.s32 $0x0;
	s9 =	rddreg [dreg:$0x5];
	[tilespmem:s8+$0xE460] =	vst v6  }
0x164: {  	[hbm4b:s9+s25] =	stream.linear.scatter [tilespmem:s25], [sflag:$0x1], $0x10000, $0x38;
	[tilespmem:$0x10400] =	vst v63  }
0x165: {  	_ =	swait.ge [sflag:s4], $0x10000  }
0x166: {  	[sflag:s4] =	ssyncset.done $0x0  }
0x167: {  	[sflag:s4] =	ssyncadd.s32 $0xFFFF0000  }
0x168: {  	[tilespmem:s25], [sflag:$0x2] =	stream.linear.gather [hbm4b:s2+s25], $0x400, $0x38;
	[tilespmem:$0x10400] =	vst v63  }
0x169: {  	s26 =	simm.s32 $0x800  }
0x16a: {  	[tilespmem:s26], [sflag:$0x2] =	stream.linear.gather [hbm4b:s10+s25], $0x400, $0x38;
	[tilespmem:$0x10400] =	vst v63  }
0x16b: {  	s9 =	simm.s32 $0x1000  }
0x16c: {  	[tilespmem:s9], [sflag:$0x2] =	stream.linear.gather [hbm4b:s11+s25], $0x400, $0x38;
	[tilespmem:$0x10400] =	vst v63  }
0x16d: {  	s26 =	simm.s32 $0x1800  }
0x16e: {  	[tilespmem:s26], [sflag:$0x2] =	stream.linear.gather [hbm4b:s12+s25], $0x400, $0x38;
	[tilespmem:$0x10400] =	vst v63  }
0x16f: {  	_ =	swait.ge [sflag:s16], $0x1000  }
0x170: {  	[sflag:s16] =	ssyncset.done $0x0  }
0x171: {  	s9 =	simm.s32 $0x2000;
	[sflag:s16] =	ssyncadd.s32 $0xFFFFF000  }
0x172: {  	[tilespmem:s9], [sflag:$0x2] =	stream.linear.gather [hbm4b:s2+s25], $0x400, $0x38;
	[tilespmem:$0x10400] =	vst v63  }
0x173: {  	s26 =	simm.s32 $0x2800  }
0x174: {  	[tilespmem:s26], [sflag:$0x2] =	stream.linear.gather [hbm4b:s10+s25], $0x400, $0x38;
	[tilespmem:$0x10400] =	vst v63  }
0x175: {  	s9 =	simm.s32 $0x3000  }
0x176: {  	[tilespmem:s9], [sflag:$0x2] =	stream.linear.gather [hbm4b:s11+s25], $0x400, $0x38;
	[tilespmem:$0x10400] =	vst v63  }
0x177: {  	s26 =	simm.s32 $0x3800  }
0x178: {  	[tilespmem:s26], [sflag:$0x2] =	stream.linear.gather [hbm4b:s12+s25], $0x400, $0x38;
	[tilespmem:$0x10400] =	vst v63  }
0x179: {  	_ =	swait.ge [sflag:s16], $0x1000  }
0x17a: {  	[sflag:s16] =	ssyncset.done $0x0  }
0x17b: {  	s9 =	simm.s32 $0x4000;
	[sflag:s16] =	ssyncadd.s32 $0xFFFFF000  }
0x17c: {  	[tilespmem:s9], [sflag:$0x2] =	stream.linear.gather [hbm4b:s2+s25], $0x400, $0x38;
	[tilespmem:$0x10400] =	vst v63  }
0x17d: {  	s26 =	simm.s32 $0x4800  }
0x17e: {  	[tilespmem:s26], [sflag:$0x2] =	stream.linear.gather [hbm4b:s10+s25], $0x400, $0x38;
	[tilespmem:$0x10400] =	vst v63  }
0x17f: {  	s9 =	simm.s32 $0x5000  }
0x180: {  	[tilespmem:s9], [sflag:$0x2] =	stream.linear.gather [hbm4b:s11+s25], $0x400, $0x38;
	[tilespmem:$0x10400] =	vst v63  }
0x181: {  	s26 =	simm.s32 $0x5800  }
0x182: {  	[tilespmem:s26], [sflag:$0x2] =	stream.linear.gather [hbm4b:s12+s25], $0x400, $0x38;
	[tilespmem:$0x10400] =	vst v63  }
0x183: {  	_ =	swait.ge [sflag:s16], $0x1000  }
0x184: {  	[sflag:s16] =	ssyncset.done $0x0  }
0x185: {  	s9 =	simm.s32 $0x6000;
	[sflag:s16] =	ssyncadd.s32 $0xFFFFF000  }
0x186: {  	[tilespmem:s9], [sflag:$0x2] =	stream.linear.gather [hbm4b:s2+s25], $0x400, $0x38;
	[tilespmem:$0x10400] =	vst v63  }
0x187: {  	s26 =	simm.s32 $0x6800  }
0x188: {  	[tilespmem:s26], [sflag:$0x2] =	stream.linear.gather [hbm4b:s10+s25], $0x400, $0x38;
	[tilespmem:$0x10400] =	vst v63  }
0x189: {  	s9 =	simm.s32 $0x7000  }
0x18a: {  	[tilespmem:s9], [sflag:$0x2] =	stream.linear.gather [hbm4b:s11+s25], $0x400, $0x38;
	[tilespmem:$0x10400] =	vst v63  }
0x18b: {  	_ = 	snop  }
0x18c: {  	[tilespmem:s29], [sflag:$0x2] =	stream.linear.gather [hbm4b:s12+s25], $0x400, $0x38;
	[tilespmem:$0x10400] =	vst v63  }
0x18d: {  	_ =	swait.ge [sflag:s16], $0x1000  }
0x18e: {  	[sflag:s16] =	ssyncset.done $0x0  }
0x18f: {  	[sflag:s16] =	ssyncadd.s32 $0xFFFFF000  }
0x190: {  	[tilespmem:s30], [sflag:$0x2] =	stream.linear.gather [hbm4b:s2+s25], $0x400, $0x38;
	[tilespmem:$0x10400] =	vst v63  }
0x191: {  	_ = 	snop  }
0x192: {  	[tilespmem:s31], [sflag:$0x2] =	stream.linear.gather [hbm4b:s10+s25], $0x400, $0x38;
	[tilespmem:$0x10400] =	vst v63  }
0x193: {  	_ = 	snop  }
0x194: {  	[tilespmem:s0], [sflag:$0x2] =	stream.linear.gather [hbm4b:s11+s25], $0x400, $0x38;
	[tilespmem:$0x10400] =	vst v63  }
0x195: {  	_ = 	snop  }
0x196: {  	[tilespmem:s1], [sflag:$0x2] =	stream.linear.gather [hbm4b:s12+s25], $0x400, $0x38;
	[tilespmem:$0x10400] =	vst v63  }
0x197: {  	_ =	swait.ge [sflag:s16], $0x1000  }
0x198: {  	[sflag:s16] =	ssyncset.done $0x0  }
0x199: {  	[sflag:s16] =	ssyncadd.s32 $0xFFFFF000  }
0x19a: {  	[tilespmem:s13], [sflag:$0x2] =	stream.linear.gather [hbm4b:s2+s25], $0x400, $0x38;
	[tilespmem:$0x10400] =	vst v63  }
0x19b: {  	_ = 	snop  }
0x19c: {  	[tilespmem:s14], [sflag:$0x2] =	stream.linear.gather [hbm4b:s10+s25], $0x400, $0x38;
	[tilespmem:$0x10400] =	vst v63  }
0x19d: {  	_ = 	snop  }
0x19e: {  	[tilespmem:s15], [sflag:$0x2] =	stream.linear.gather [hbm4b:s11+s25], $0x400, $0x38;
	[tilespmem:$0x10400] =	vst v63  }
0x19f: {  	_ = 	snop  }
0x1a0: {  	[tilespmem:s5], [sflag:$0x2] =	stream.linear.gather [hbm4b:s12+s25], $0x400, $0x38;
	[tilespmem:$0x10400] =	vst v63  }
0x1a1: {  	_ =	swait.ge [sflag:s16], $0x1000  }
0x1a2: {  	[sflag:s16] =	ssyncset.done $0x0  }
0x1a3: {  	[sflag:s16] =	ssyncadd.s32 $0xFFFFF000  }
0x1a4: {  	[tilespmem:s17], [sflag:$0x2] =	stream.linear.gather [hbm4b:s2+s25], $0x400, $0x38;
	[tilespmem:$0x10400] =	vst v63  }
0x1a5: {  	_ = 	snop  }
0x1a6: {  	[tilespmem:s18], [sflag:$0x2] =	stream.linear.gather [hbm4b:s10+s25], $0x400, $0x38;
	[tilespmem:$0x10400] =	vst v63  }
0x1a7: {  	_ = 	snop  }
0x1a8: {  	[tilespmem:s19], [sflag:$0x2] =	stream.linear.gather [hbm4b:s11+s25], $0x400, $0x38;
	[tilespmem:$0x10400] =	vst v63  }
0x1a9: {  	_ = 	snop  }
0x1aa: {  	[tilespmem:s20], [sflag:$0x2] =	stream.linear.gather [hbm4b:s12+s25], $0x400, $0x38;
	[tilespmem:$0x10400] =	vst v63  }
0x1ab: {  	_ =	swait.ge [sflag:s16], $0x1000  }
0x1ac: {  	[sflag:s16] =	ssyncset.done $0x0  }
0x1ad: {  	[sflag:s16] =	ssyncadd.s32 $0xFFFFF000  }
0x1ae: {  	[tilespmem:s21], [sflag:$0x2] =	stream.linear.gather [hbm4b:s2+s25], $0x400, $0x38;
	[tilespmem:$0x10400] =	vst v63  }
0x1af: {  	_ = 	snop  }
0x1b0: {  	[tilespmem:s22], [sflag:$0x2] =	stream.linear.gather [hbm4b:s10+s25], $0x400, $0x38;
	[tilespmem:$0x10400] =	vst v63  }
0x1b1: {  	_ = 	snop  }
0x1b2: {  	[tilespmem:s6], [sflag:$0x2] =	stream.linear.gather [hbm4b:s11+s25], $0x400, $0x38;
	[tilespmem:$0x10400] =	vst v63  }
0x1b3: {  	_ = 	snop  }
0x1b4: {  	[tilespmem:s23], [sflag:$0x2] =	stream.linear.gather [hbm4b:s12+s25], $0x400, $0x38;
	[tilespmem:$0x10400] =	vst v63  }
0x1b5: {  	_ =	swait.ge [sflag:s16], $0x1000  }
0x1b6: {  	[sflag:s16] =	ssyncset.done $0x0  }
0x1b7: {  	s26 =	rddreg [dreg:$0x6];
	[sflag:s16] =	ssyncadd.s32 $0xFFFFF000  }
0x1b8: {  	[tilespmem:s7], [sflag:$0x2] =	stream.linear.gather [hbm4b:s26+s25], $0x400, $0x38;
	[tilespmem:$0x10400] =	vst v63  }
0x1b9: {  	_ =	swait.ge [sflag:s16], $0x400  }
0x1ba: {  	[sflag:s16] =	ssyncset.done $0x0  }
0x1bb: {  	[sflag:s16] =	ssyncadd.s32 $0xFFFFFC00  }
0x1bc: {  	v0 =	vld [tilespmem:$0x10000]  }
0x1bd: {  	v1 =	vld [tilespmem:$0x10010]  }
0x1be: {  	v7 =	vld [tilespmem:$0x10070]  }
0x1bf: {  	v2 =	vld [tilespmem:$0x10020]  }
0x1c0: {  	v3 =	vld [tilespmem:$0x10030]  }
0x1c1: {  	s9 =	sand.u32 $0x1800, s25;
	s25 =	sand.u32 $0x380, s25;
	v4 =	vld [tilespmem:$0x10040]  }
0x1c2: {  	s25 =	sor.u32 s25, s9;
	v5 =	vld [tilespmem:$0x10050]  }
0x1c3: {  	v6 =	vld [tilespmem:$0x10060];
	[tilespmem:s25+$0x470] =	vst v7  }
0x1c4: {  	[tilespmem:s25+$0x400] =	vst v0  }
0x1c5: {  	[tilespmem:s25+$0x410] =	vst v1  }
0x1c6: {  	[tilespmem:s25+$0x420] =	vst v2  }
0x1c7: {  	[tilespmem:s25+$0x430] =	vst v3  }
0x1c8: {  	s8 =	simm.s32 $0x80;
	s26 =	simm.s32 $0x100;
	[tilespmem:s25+$0x440] =	vst v4  }
0x1c9: {  	s28 =	sand.u32 $0x380, s8;
	s9 =	sand.u32 $0x1800, s26;
	s26 =	simm.s32 $0x200;
	[tilespmem:s25+$0x450] =	vst v5  }
.LBB2_18:
0x1ca: {  	p0 =	sne.s32 s26, $0x1F00;
	[tilespmem:s25+$0x460] =	vst v6;
	s25 =	sor.u32 s28, s9  }
0x1cb: {  	[tilespmem:s25+$0x470] =	vst v7  }
0x1cc: {  	[tilespmem:s25+$0x400] =	vst v0  }
.Ltmp8:
0x1cd: {  	[tilespmem:s25+$0x410] =	vst v1;
	(pc) =	sbr.rel @p0 .LBB2_18-.Ltmp8, $4  }
0x1ce: {  	[tilespmem:s25+$0x420] =	vst v2  }
0x1cf: {  	[tilespmem:s25+$0x430] =	vst v3  }
0x1d0: {  	s8 =	sadd.s32 $0x80, s8;
	[tilespmem:s25+$0x440] =	vst v4  }
0x1d1: {  	s9 =	sand.u32 $0x1800, s26;
	s26 =	sadd.s32 $0x100, s26;
	s28 =	sand.u32 $0x380, s8;
	[tilespmem:s25+$0x450] =	vst v5  }
0x1d2: {  	s8 =	sor.u32 s28, s9;
	[tilespmem:s25+$0x460] =	vst v6  }
0x1d3: {  	[tilespmem:s8+$0x470] =	vst v7  }
0x1d4: {  	[tilespmem:s8+$0x400] =	vst v0  }
0x1d5: {  	[tilespmem:s8+$0x410] =	vst v1  }
0x1d6: {  	[tilespmem:s8+$0x420] =	vst v2  }
0x1d7: {  	[tilespmem:s8+$0x430] =	vst v3  }
0x1d8: {  	[tilespmem:s8+$0x440] =	vst v4  }
0x1d9: {  	[tilespmem:s8+$0x450] =	vst v5  }
0x1da: {  	[tilespmem:s8+$0x460] =	vst v6  }
0x1db: {  	v0 =	vld [tilespmem:$0x10080]  }
0x1dc: {  	v1 =	vld [tilespmem:$0x10090]  }
0x1dd: {  	v7 =	vld [tilespmem:$0x100F0]  }
0x1de: {  	v2 =	vld [tilespmem:$0x100A0]  }
0x1df: {  	s9 =	simm.s32 $0x0;
	v3 =	vld [tilespmem:$0x100B0]  }
0x1e0: {  	s25 =	sand.u32 $0x1800, s9;
	s8 =	sand.u32 $0x380, s9;
	v4 =	vld [tilespmem:$0x100C0]  }
0x1e1: {  	v5 =	vld [tilespmem:$0x100D0];
	s25 =	sor.u32 s8, s25  }
0x1e2: {  	v6 =	vld [tilespmem:$0x100E0];
	[tilespmem:s25+$0x2470] =	vst v7  }
0x1e3: {  	[tilespmem:s25+$0x2400] =	vst v0  }
0x1e4: {  	[tilespmem:s25+$0x2410] =	vst v1  }
0x1e5: {  	[tilespmem:s25+$0x2420] =	vst v2  }
0x1e6: {  	[tilespmem:s25+$0x2430] =	vst v3  }
0x1e7: {  	s26 =	simm.s32 $0x100;
	s8 =	simm.s32 $0x80;
	[tilespmem:s25+$0x2440] =	vst v4  }
0x1e8: {  	s9 =	sand.u32 $0x1800, s26;
	s26 =	simm.s32 $0x200;
	s28 =	sand.u32 $0x380, s8;
	[tilespmem:s25+$0x2450] =	vst v5  }
.LBB2_20:
0x1e9: {  	p0 =	sne.s32 s26, $0x1F00;
	[tilespmem:s25+$0x2460] =	vst v6;
	s25 =	sor.u32 s28, s9  }
0x1ea: {  	[tilespmem:s25+$0x2470] =	vst v7  }
0x1eb: {  	[tilespmem:s25+$0x2400] =	vst v0  }
.Ltmp9:
0x1ec: {  	[tilespmem:s25+$0x2410] =	vst v1;
	(pc) =	sbr.rel @p0 .LBB2_20-.Ltmp9, $4  }
0x1ed: {  	[tilespmem:s25+$0x2420] =	vst v2  }
0x1ee: {  	[tilespmem:s25+$0x2430] =	vst v3  }
0x1ef: {  	s8 =	sadd.s32 $0x80, s8;
	[tilespmem:s25+$0x2440] =	vst v4  }
0x1f0: {  	s9 =	sand.u32 $0x1800, s26;
	s26 =	sadd.s32 $0x100, s26;
	s28 =	sand.u32 $0x380, s8;
	[tilespmem:s25+$0x2450] =	vst v5  }
0x1f1: {  	s8 =	sor.u32 s28, s9;
	[tilespmem:s25+$0x2460] =	vst v6  }
0x1f2: {  	[tilespmem:s8+$0x2470] =	vst v7  }
0x1f3: {  	[tilespmem:s8+$0x2400] =	vst v0  }
0x1f4: {  	[tilespmem:s8+$0x2410] =	vst v1  }
0x1f5: {  	[tilespmem:s8+$0x2420] =	vst v2  }
0x1f6: {  	[tilespmem:s8+$0x2430] =	vst v3  }
0x1f7: {  	[tilespmem:s8+$0x2440] =	vst v4  }
0x1f8: {  	[tilespmem:s8+$0x2450] =	vst v5  }
0x1f9: {  	[tilespmem:s8+$0x2460] =	vst v6  }
0x1fa: {  	v0 =	vld [tilespmem:$0x10100]  }
0x1fb: {  	v1 =	vld [tilespmem:$0x10110]  }
0x1fc: {  	v7 =	vld [tilespmem:$0x10170]  }
0x1fd: {  	v2 =	vld [tilespmem:$0x10120]  }
0x1fe: {  	s9 =	simm.s32 $0x0;
	v3 =	vld [tilespmem:$0x10130]  }
0x1ff: {  	s25 =	sand.u32 $0x1800, s9;
	s8 =	sand.u32 $0x380, s9;
	v4 =	vld [tilespmem:$0x10140]  }
0x200: {  	v5 =	vld [tilespmem:$0x10150];
	s25 =	sor.u32 s8, s25  }
0x201: {  	v6 =	vld [tilespmem:$0x10160];
	[tilespmem:s25+$0x4470] =	vst v7  }
0x202: {  	[tilespmem:s25+$0x4400] =	vst v0  }
0x203: {  	[tilespmem:s25+$0x4410] =	vst v1  }
0x204: {  	[tilespmem:s25+$0x4420] =	vst v2  }
0x205: {  	[tilespmem:s25+$0x4430] =	vst v3  }
0x206: {  	s26 =	simm.s32 $0x100;
	s8 =	simm.s32 $0x80;
	[tilespmem:s25+$0x4440] =	vst v4  }
0x207: {  	s9 =	sand.u32 $0x1800, s26;
	s26 =	simm.s32 $0x200;
	s28 =	sand.u32 $0x380, s8;
	[tilespmem:s25+$0x4450] =	vst v5  }
.LBB2_22:
0x208: {  	p0 =	sne.s32 s26, $0x1F00;
	[tilespmem:s25+$0x4460] =	vst v6;
	s25 =	sor.u32 s28, s9  }
0x209: {  	[tilespmem:s25+$0x4470] =	vst v7  }
0x20a: {  	[tilespmem:s25+$0x4400] =	vst v0  }
.Ltmp10:
0x20b: {  	[tilespmem:s25+$0x4410] =	vst v1;
	(pc) =	sbr.rel @p0 .LBB2_22-.Ltmp10, $4  }
0x20c: {  	[tilespmem:s25+$0x4420] =	vst v2  }
0x20d: {  	[tilespmem:s25+$0x4430] =	vst v3  }
0x20e: {  	s8 =	sadd.s32 $0x80, s8;
	[tilespmem:s25+$0x4440] =	vst v4  }
0x20f: {  	s9 =	sand.u32 $0x1800, s26;
	s26 =	sadd.s32 $0x100, s26;
	s28 =	sand.u32 $0x380, s8;
	[tilespmem:s25+$0x4450] =	vst v5  }
0x210: {  	s8 =	sor.u32 s28, s9;
	[tilespmem:s25+$0x4460] =	vst v6  }
0x211: {  	[tilespmem:s8+$0x4470] =	vst v7  }
0x212: {  	[tilespmem:s8+$0x4400] =	vst v0  }
0x213: {  	[tilespmem:s8+$0x4410] =	vst v1  }
0x214: {  	[tilespmem:s8+$0x4420] =	vst v2  }
0x215: {  	[tilespmem:s8+$0x4430] =	vst v3  }
0x216: {  	[tilespmem:s8+$0x4440] =	vst v4  }
0x217: {  	[tilespmem:s8+$0x4450] =	vst v5  }
0x218: {  	[tilespmem:s8+$0x4460] =	vst v6  }
0x219: {  	v0 =	vld [tilespmem:$0x10180]  }
0x21a: {  	v1 =	vld [tilespmem:$0x10190]  }
0x21b: {  	v7 =	vld [tilespmem:$0x101F0]  }
0x21c: {  	v2 =	vld [tilespmem:$0x101A0]  }
0x21d: {  	s9 =	simm.s32 $0x0;
	v3 =	vld [tilespmem:$0x101B0]  }
0x21e: {  	s25 =	sand.u32 $0x1800, s9;
	s8 =	sand.u32 $0x380, s9;
	v4 =	vld [tilespmem:$0x101C0]  }
0x21f: {  	v5 =	vld [tilespmem:$0x101D0];
	s25 =	sor.u32 s8, s25  }
0x220: {  	v6 =	vld [tilespmem:$0x101E0];
	[tilespmem:s25+$0x6470] =	vst v7  }
0x221: {  	[tilespmem:s25+$0x6400] =	vst v0  }
0x222: {  	[tilespmem:s25+$0x6410] =	vst v1  }
0x223: {  	[tilespmem:s25+$0x6420] =	vst v2  }
0x224: {  	[tilespmem:s25+$0x6430] =	vst v3  }
0x225: {  	s26 =	simm.s32 $0x100;
	s8 =	simm.s32 $0x80;
	[tilespmem:s25+$0x6440] =	vst v4  }
0x226: {  	s9 =	sand.u32 $0x1800, s26;
	s26 =	simm.s32 $0x200;
	s28 =	sand.u32 $0x380, s8;
	[tilespmem:s25+$0x6450] =	vst v5  }
.LBB2_24:
0x227: {  	p0 =	sne.s32 s26, $0x1F00;
	[tilespmem:s25+$0x6460] =	vst v6;
	s25 =	sor.u32 s28, s9  }
0x228: {  	[tilespmem:s25+$0x6470] =	vst v7  }
0x229: {  	[tilespmem:s25+$0x6400] =	vst v0  }
.Ltmp11:
0x22a: {  	[tilespmem:s25+$0x6410] =	vst v1;
	(pc) =	sbr.rel @p0 .LBB2_24-.Ltmp11, $4  }
0x22b: {  	[tilespmem:s25+$0x6420] =	vst v2  }
0x22c: {  	[tilespmem:s25+$0x6430] =	vst v3  }
0x22d: {  	s8 =	sadd.s32 $0x80, s8;
	[tilespmem:s25+$0x6440] =	vst v4  }
0x22e: {  	s9 =	sand.u32 $0x1800, s26;
	s26 =	sadd.s32 $0x100, s26;
	s28 =	sand.u32 $0x380, s8;
	[tilespmem:s25+$0x6450] =	vst v5  }
0x22f: {  	s8 =	sor.u32 s28, s9;
	[tilespmem:s25+$0x6460] =	vst v6  }
0x230: {  	[tilespmem:s8+$0x6470] =	vst v7  }
0x231: {  	[tilespmem:s8+$0x6400] =	vst v0  }
0x232: {  	[tilespmem:s8+$0x6410] =	vst v1  }
0x233: {  	[tilespmem:s8+$0x6420] =	vst v2  }
0x234: {  	[tilespmem:s8+$0x6430] =	vst v3  }
0x235: {  	[tilespmem:s8+$0x6440] =	vst v4  }
0x236: {  	[tilespmem:s8+$0x6450] =	vst v5  }
0x237: {  	[tilespmem:s8+$0x6460] =	vst v6  }
0x238: {  	v0 =	vld [tilespmem:$0x10200]  }
0x239: {  	v1 =	vld [tilespmem:$0x10210]  }
0x23a: {  	v7 =	vld [tilespmem:$0x10270]  }
0x23b: {  	v2 =	vld [tilespmem:$0x10220]  }
0x23c: {  	s9 =	simm.s32 $0x0;
	v3 =	vld [tilespmem:$0x10230]  }
0x23d: {  	s25 =	sand.u32 $0x1800, s9;
	s8 =	sand.u32 $0x380, s9;
	v4 =	vld [tilespmem:$0x10240]  }
0x23e: {  	v5 =	vld [tilespmem:$0x10250];
	s25 =	sor.u32 s8, s25  }
0x23f: {  	v6 =	vld [tilespmem:$0x10260];
	[tilespmem:s25+$0x8470] =	vst v7  }
0x240: {  	[tilespmem:s25+$0x8400] =	vst v0  }
0x241: {  	[tilespmem:s25+$0x8410] =	vst v1  }
0x242: {  	[tilespmem:s25+$0x8420] =	vst v2  }
0x243: {  	[tilespmem:s25+$0x8430] =	vst v3  }
0x244: {  	s26 =	simm.s32 $0x100;
	s8 =	simm.s32 $0x80;
	[tilespmem:s25+$0x8440] =	vst v4  }
0x245: {  	s9 =	sand.u32 $0x1800, s26;
	s26 =	simm.s32 $0x200;
	s28 =	sand.u32 $0x380, s8;
	[tilespmem:s25+$0x8450] =	vst v5  }
.LBB2_26:
0x246: {  	p0 =	sne.s32 s26, $0x1F00;
	[tilespmem:s25+$0x8460] =	vst v6;
	s25 =	sor.u32 s28, s9  }
0x247: {  	[tilespmem:s25+$0x8470] =	vst v7  }
0x248: {  	[tilespmem:s25+$0x8400] =	vst v0  }
.Ltmp12:
0x249: {  	[tilespmem:s25+$0x8410] =	vst v1;
	(pc) =	sbr.rel @p0 .LBB2_26-.Ltmp12, $4  }
0x24a: {  	[tilespmem:s25+$0x8420] =	vst v2  }
0x24b: {  	[tilespmem:s25+$0x8430] =	vst v3  }
0x24c: {  	s8 =	sadd.s32 $0x80, s8;
	[tilespmem:s25+$0x8440] =	vst v4  }
0x24d: {  	s9 =	sand.u32 $0x1800, s26;
	s26 =	sadd.s32 $0x100, s26;
	s28 =	sand.u32 $0x380, s8;
	[tilespmem:s25+$0x8450] =	vst v5  }
0x24e: {  	s8 =	sor.u32 s28, s9;
	[tilespmem:s25+$0x8460] =	vst v6  }
0x24f: {  	[tilespmem:s8+$0x8470] =	vst v7  }
0x250: {  	[tilespmem:s8+$0x8400] =	vst v0  }
0x251: {  	[tilespmem:s8+$0x8410] =	vst v1  }
0x252: {  	[tilespmem:s8+$0x8420] =	vst v2  }
0x253: {  	[tilespmem:s8+$0x8430] =	vst v3  }
0x254: {  	[tilespmem:s8+$0x8440] =	vst v4  }
0x255: {  	[tilespmem:s8+$0x8450] =	vst v5  }
0x256: {  	[tilespmem:s8+$0x8460] =	vst v6  }
0x257: {  	v0 =	vld [tilespmem:$0x10280]  }
0x258: {  	v1 =	vld [tilespmem:$0x10290]  }
0x259: {  	v7 =	vld [tilespmem:$0x102F0]  }
0x25a: {  	v2 =	vld [tilespmem:$0x102A0]  }
0x25b: {  	s9 =	simm.s32 $0x0;
	v3 =	vld [tilespmem:$0x102B0]  }
0x25c: {  	s25 =	sand.u32 $0x1800, s9;
	s8 =	sand.u32 $0x380, s9;
	v4 =	vld [tilespmem:$0x102C0]  }
0x25d: {  	v5 =	vld [tilespmem:$0x102D0];
	s25 =	sor.u32 s8, s25  }
0x25e: {  	v6 =	vld [tilespmem:$0x102E0];
	[tilespmem:s25+$0xA470] =	vst v7  }
0x25f: {  	[tilespmem:s25+$0xA400] =	vst v0  }
0x260: {  	[tilespmem:s25+$0xA410] =	vst v1  }
0x261: {  	[tilespmem:s25+$0xA420] =	vst v2  }
0x262: {  	[tilespmem:s25+$0xA430] =	vst v3  }
0x263: {  	s26 =	simm.s32 $0x100;
	s8 =	simm.s32 $0x80;
	[tilespmem:s25+$0xA440] =	vst v4  }
0x264: {  	s9 =	sand.u32 $0x1800, s26;
	s26 =	simm.s32 $0x200;
	s28 =	sand.u32 $0x380, s8;
	[tilespmem:s25+$0xA450] =	vst v5  }
.LBB2_28:
0x265: {  	p0 =	sne.s32 s26, $0x1F00;
	[tilespmem:s25+$0xA460] =	vst v6;
	s25 =	sor.u32 s28, s9  }
0x266: {  	[tilespmem:s25+$0xA470] =	vst v7  }
0x267: {  	[tilespmem:s25+$0xA400] =	vst v0  }
.Ltmp13:
0x268: {  	[tilespmem:s25+$0xA410] =	vst v1;
	(pc) =	sbr.rel @p0 .LBB2_28-.Ltmp13, $4  }
0x269: {  	[tilespmem:s25+$0xA420] =	vst v2  }
0x26a: {  	[tilespmem:s25+$0xA430] =	vst v3  }
0x26b: {  	s8 =	sadd.s32 $0x80, s8;
	[tilespmem:s25+$0xA440] =	vst v4  }
0x26c: {  	s9 =	sand.u32 $0x1800, s26;
	s26 =	sadd.s32 $0x100, s26;
	s28 =	sand.u32 $0x380, s8;
	[tilespmem:s25+$0xA450] =	vst v5  }
0x26d: {  	s8 =	sor.u32 s28, s9;
	[tilespmem:s25+$0xA460] =	vst v6  }
0x26e: {  	[tilespmem:s8+$0xA470] =	vst v7  }
0x26f: {  	[tilespmem:s8+$0xA400] =	vst v0  }
0x270: {  	[tilespmem:s8+$0xA410] =	vst v1  }
0x271: {  	[tilespmem:s8+$0xA420] =	vst v2  }
0x272: {  	[tilespmem:s8+$0xA430] =	vst v3  }
0x273: {  	[tilespmem:s8+$0xA440] =	vst v4  }
0x274: {  	[tilespmem:s8+$0xA450] =	vst v5  }
0x275: {  	[tilespmem:s8+$0xA460] =	vst v6  }
0x276: {  	v0 =	vld [tilespmem:$0x10300]  }
0x277: {  	v1 =	vld [tilespmem:$0x10310]  }
0x278: {  	v7 =	vld [tilespmem:$0x10370]  }
0x279: {  	v2 =	vld [tilespmem:$0x10320]  }
0x27a: {  	s9 =	simm.s32 $0x0;
	v3 =	vld [tilespmem:$0x10330]  }
0x27b: {  	s25 =	sand.u32 $0x1800, s9;
	s8 =	sand.u32 $0x380, s9;
	v4 =	vld [tilespmem:$0x10340]  }
0x27c: {  	v5 =	vld [tilespmem:$0x10350];
	s25 =	sor.u32 s8, s25  }
0x27d: {  	v6 =	vld [tilespmem:$0x10360];
	[tilespmem:s25+$0xC470] =	vst v7  }
0x27e: {  	[tilespmem:s25+$0xC400] =	vst v0  }
0x27f: {  	[tilespmem:s25+$0xC410] =	vst v1  }
0x280: {  	[tilespmem:s25+$0xC420] =	vst v2  }
0x281: {  	[tilespmem:s25+$0xC430] =	vst v3  }
0x282: {  	s26 =	simm.s32 $0x100;
	s8 =	simm.s32 $0x80;
	[tilespmem:s25+$0xC440] =	vst v4  }
0x283: {  	s9 =	sand.u32 $0x1800, s26;
	s26 =	simm.s32 $0x200;
	s28 =	sand.u32 $0x380, s8;
	[tilespmem:s25+$0xC450] =	vst v5  }
.LBB2_30:
0x284: {  	p0 =	sne.s32 s26, $0x1F00;
	[tilespmem:s25+$0xC460] =	vst v6;
	s25 =	sor.u32 s28, s9  }
0x285: {  	[tilespmem:s25+$0xC470] =	vst v7  }
0x286: {  	[tilespmem:s25+$0xC400] =	vst v0  }
.Ltmp14:
0x287: {  	[tilespmem:s25+$0xC410] =	vst v1;
	(pc) =	sbr.rel @p0 .LBB2_30-.Ltmp14, $4  }
0x288: {  	[tilespmem:s25+$0xC420] =	vst v2  }
0x289: {  	[tilespmem:s25+$0xC430] =	vst v3  }
0x28a: {  	s8 =	sadd.s32 $0x80, s8;
	[tilespmem:s25+$0xC440] =	vst v4  }
0x28b: {  	s9 =	sand.u32 $0x1800, s26;
	s26 =	sadd.s32 $0x100, s26;
	s28 =	sand.u32 $0x380, s8;
	[tilespmem:s25+$0xC450] =	vst v5  }
0x28c: {  	s8 =	sor.u32 s28, s9;
	[tilespmem:s25+$0xC460] =	vst v6  }
0x28d: {  	[tilespmem:s8+$0xC470] =	vst v7  }
0x28e: {  	[tilespmem:s8+$0xC400] =	vst v0  }
0x28f: {  	[tilespmem:s8+$0xC410] =	vst v1  }
0x290: {  	[tilespmem:s8+$0xC420] =	vst v2  }
0x291: {  	[tilespmem:s8+$0xC430] =	vst v3  }
0x292: {  	[tilespmem:s8+$0xC440] =	vst v4  }
0x293: {  	[tilespmem:s8+$0xC450] =	vst v5  }
0x294: {  	[tilespmem:s8+$0xC460] =	vst v6  }
0x295: {  	v0 =	vld [tilespmem:$0x10380]  }
0x296: {  	v1 =	vld [tilespmem:$0x10390]  }
0x297: {  	v7 =	vld [tilespmem:$0x103F0]  }
0x298: {  	v2 =	vld [tilespmem:$0x103A0]  }
0x299: {  	s9 =	simm.s32 $0x0;
	v3 =	vld [tilespmem:$0x103B0]  }
0x29a: {  	s25 =	sand.u32 $0x1800, s9;
	s8 =	sand.u32 $0x380, s9;
	v4 =	vld [tilespmem:$0x103C0]  }
0x29b: {  	v5 =	vld [tilespmem:$0x103D0];
	s25 =	sor.u32 s8, s25  }
0x29c: {  	v6 =	vld [tilespmem:$0x103E0];
	[tilespmem:s25+$0xE470] =	vst v7  }
0x29d: {  	[tilespmem:s25+$0xE400] =	vst v0  }
0x29e: {  	[tilespmem:s25+$0xE410] =	vst v1  }
0x29f: {  	[tilespmem:s25+$0xE420] =	vst v2  }
0x2a0: {  	[tilespmem:s25+$0xE430] =	vst v3  }
0x2a1: {  	s26 =	simm.s32 $0x100;
	s8 =	simm.s32 $0x80;
	[tilespmem:s25+$0xE440] =	vst v4  }
0x2a2: {  	s9 =	sand.u32 $0x1800, s26;
	s26 =	simm.s32 $0x200;
	s28 =	sand.u32 $0x380, s8;
	[tilespmem:s25+$0xE450] =	vst v5  }
.LBB2_32:
0x2a3: {  	p0 =	sne.s32 s26, $0x1F00;
	[tilespmem:s25+$0xE460] =	vst v6;
	s25 =	sor.u32 s28, s9  }
0x2a4: {  	[tilespmem:s25+$0xE470] =	vst v7  }
0x2a5: {  	[tilespmem:s25+$0xE400] =	vst v0  }
.Ltmp15:
0x2a6: {  	[tilespmem:s25+$0xE410] =	vst v1;
	(pc) =	sbr.rel @p0 .LBB2_32-.Ltmp15, $4  }
0x2a7: {  	[tilespmem:s25+$0xE420] =	vst v2  }
0x2a8: {  	[tilespmem:s25+$0xE430] =	vst v3  }
0x2a9: {  	s8 =	sadd.s32 $0x80, s8;
	[tilespmem:s25+$0xE440] =	vst v4  }
0x2aa: {  	s9 =	sand.u32 $0x1800, s26;
	s26 =	sadd.s32 $0x100, s26;
	s28 =	sand.u32 $0x380, s8;
	[tilespmem:s25+$0xE450] =	vst v5  }
0x2ab: {  	s8 =	sor.u32 s28, s9;
	[tilespmem:s25+$0xE460] =	vst v6  }
0x2ac: {  	[tilespmem:s8+$0xE470] =	vst v7  }
0x2ad: {  	[tilespmem:s8+$0xE400] =	vst v0  }
0x2ae: {  	[tilespmem:s8+$0xE410] =	vst v1  }
0x2af: {  	[tilespmem:s8+$0xE420] =	vst v2  }
0x2b0: {  	[tilespmem:s8+$0xE430] =	vst v3  }
0x2b1: {  	[tilespmem:s8+$0xE440] =	vst v4  }
0x2b2: {  	[tilespmem:s8+$0xE450] =	vst v5  }
0x2b3: {  	s26 =	rddreg [dreg:$0x7];
	[tilespmem:s8+$0xE460] =	vst v6  }
0x2b4: {  	[hbm4b:s26+s3] =	stream.linear.scatter [tilespmem:s3], [sflag:$0x1], $0x10000, $0x38;
	[tilespmem:$0x10400] =	vst v63  }
0x2b5: {  	_ =	swait.ge [sflag:s4], $0x10000  }
0x2b6: {  	s24 =	sadd.s32 $0x1, s24;
	s28 =	rddreg [dreg:$0x8]  }
0x2b7: {  	p0 =	sne.s32 s24, s28  }
.Ltmp16:
0x2b8: {  	_ = 	snop;
	(pc) =	sbr.rel @p0 .LBB2_1-.Ltmp16, $3  }
0x2b9: {  	_ =	sdelay $0x1  }
0x2ba: {  	[sflag:s4] =	ssyncset.done $0x0  }
0x2bb: {  	[sflag:s4] =	ssyncadd.s32 $0xFFFF0000  }
0x2bc: {  	_ =	sfence.sel $0x180000  }
0x2bd: {  	[bflag:$0x0] =	sbarrier.arrive $0xFFFF  }
0x2be: {  	_ =	strace $0x90000047  }
0x2bf: {  	s0 =	stileid.u32;
	[bflag:$0x2] =	sbarrier.arrive $0xFFFF  }
0x2c0: {  	p0 =	sne.s32 s0, $0x0;
	s0 =	rddreg [dreg:$0x3]  }
0x2c1: {  	s0 =	sadd.s32 @!p0 $0x100000, s0  }
0x2c2: {  	[sflag:s0] =	ssyncadd.tile.s32 @!p0 $0x1;
	_ =	shalt  }
.Lfunc_end2:
_tile_overlayer_lowered:
.L_overlay_start_2:
0x2c3: {  	(tag) =	ssettag $0x2  }
0x2c4: {  	s0 =	rddreg [dreg:$0x0];
	s2 =	stileid.u32  }
0x2c5: {  	s1 =	rddreg [dreg:$0x1];
	p0 =	sne.s32 s2, $0x0  }
0x2c6: {  	s3 =	rddreg [dreg:$0x2];
	[bflag:$0x3] =	sbarrier.arrive $0xFFFF;
	s2 =	simm.s32 @!p0 $0x1C02  }
0x2c7: {  	[timem:s3], [sflag:s2] =	dma.local @!p0 [hbm:s0], s1  }
0x2c8: {  	s0 =	simm.s32 @!p0 $0x2  }
0x2c9: {  	_ =	swait.ge @!p0 [sflag:s0], s1  }
0x2ca: {  	s1 =	ssub.s32 @!p0 $0x0, s1;
	[sflag:s0] =	ssyncset.done @!p0 $0x0  }
0x2cb: {  	[sflag:s0] =	ssyncadd.s32 @!p0 s1  }
0x2cc: {  	[bflag:$0x3] =	sbarrier.arrive $0xFFFF  }
0x2cd: {  	_ =	shalt  }

</sc_bundles>
